<compile_context>
chip_gen: v7x
topology: tpu7x:2x2x1
jax: 0.10.2.dev20260603
libtpu: 0.0.44.dev20260713+nightly
codegen_flags: <defaults>
</compile_context>

<pallas_src>
import functools

import jax
import jax.numpy as jnp
from jax import lax
from jax.experimental import pallas as pl
from jax.experimental.pallas import tpu as pltpu
from jax.experimental.pallas import tpu_sc as plsc

ATOM_VOC = 128
CHIRAL_VOC = 4
BOND_VOC = 32
D_MODEL = 512
NHEAD = 16
B = 128
L = 128

_NEG_INF = float("-inf")

_NC = 2
_NS = 16
_LANES = 16
_NW = _NC * _NS
_ROWS = L * B
_RPW = _ROWS // _NW
_CH = 128
_NCH = _RPW // _CH


def _emb_sc_body(aT_hbm, cT_hbm, comb_hbm, out_hbm, a_v, c_v, idx_v, buf, sem):
    wid = lax.axis_index("s") * _NC + lax.axis_index("c")
    base = wid * _RPW
    pltpu.sync_copy(aT_hbm.at[pl.ds(base, _RPW)], a_v)
    pltpu.sync_copy(cT_hbm.at[pl.ds(base, _RPW)], c_v)
    for t in range(_RPW // _LANES):
        s = pl.ds(t * _LANES, _LANES)
        idx_v[s] = a_v[s] * CHIRAL_VOC + c_v[s]
    for j in range(_NCH):
        cp = pltpu.async_copy(
            comb_hbm.at[idx_v.at[pl.ds(j * _CH, _CH)]], buf, sem)
        cp.wait()
        pltpu.sync_copy(buf, out_hbm.at[pl.ds(base + j * _CH, _CH)])


_emb_sc = functools.partial(
    pl.kernel,
    out_type=jax.ShapeDtypeStruct((_ROWS, D_MODEL), jnp.float32),
    mesh=plsc.VectorSubcoreMesh(core_axis_name="c", subcore_axis_name="s"),
    scratch_types=[
        pltpu.VMEM((_RPW,), jnp.int32),
        pltpu.VMEM((_RPW,), jnp.int32),
        pltpu.VMEM((_RPW,), jnp.int32),
        pltpu.VMEM((_CH, D_MODEL), jnp.float32),
        pltpu.SemaphoreType.DMA,
    ],
    cost_estimate=pl.CostEstimate(
        flops=2 * _ROWS * D_MODEL,
        transcendentals=0,
        bytes_accessed=3 * _ROWS * D_MODEL * 4,
    ),
)(_emb_sc_body)


def _tc_body(atoms2_ref, atomsT_ref, bonds_ref, a3p_ref, bwt_ref, out_ref):
    f32 = jnp.float32
    bf16 = jnp.bfloat16
    pid = pl.program_id(0)
    liota = lax.broadcasted_iota(jnp.int32, (L, ATOM_VOC), 1)

    arow_cat = atoms2_ref[0]
    viota2 = lax.broadcasted_iota(jnp.int32, (ATOM_VOC, 2 * L), 0)
    obt2 = (viota2 == arow_cat).astype(bf16)

    kb2 = lax.dot_general(a3p_ref[...], obt2, (((1,), (0,)), ((), ())),
                          preferred_element_type=f32)
    k3 = kb2.reshape(NHEAD, ATOM_VOC, 2 * L).astype(bf16)

    lane = lax.broadcasted_iota(jnp.int32, (NHEAD, ATOM_VOC), 1)
    lut = jnp.where(lane == 0, f32(0.0), bwt_ref[...])

    for k in range(2):
        k2 = jnp.concatenate(
            [k3[h][:, k * L:(k + 1) * L] for h in range(NHEAD)], axis=1)
        pidv = jnp.full((L, B), 2 * pid + k, dtype=jnp.int32)
        acol_b = jnp.take_along_axis(atomsT_ref[...], pidv, axis=1,
                                     mode="promise_in_bounds")
        obtT = (liota == acol_b).astype(bf16)
        ap_all = lax.dot_general(obtT, k2, (((1,), (0,)), ((), ())),
                                 preferred_element_type=f32)
        bonds2 = bonds_ref[k]
        maskj = arow_cat[:, k * L:(k + 1) * L] == 0
        for h in range(NHEAD):
            lut_h = jnp.broadcast_to(lut[h].reshape(1, ATOM_VOC), (L, L))
            bd = jnp.take_along_axis(lut_h, bonds2, axis=1,
                                     mode="promise_in_bounds")
            ap = ap_all[:, h * L:(h + 1) * L]
            out_ref[k, h] = jnp.where(maskj, _NEG_INF, ap + bd)


def kernel(atoms, chirals, bonds, atype_W, chiral_W, apair_W, bond_W):
    a3p = jnp.transpose(apair_W.reshape(ATOM_VOC, ATOM_VOC, NHEAD),
                        (2, 1, 0)).reshape(NHEAD * ATOM_VOC,
                                           ATOM_VOC).astype(jnp.bfloat16)
    bwt = jnp.pad(bond_W.T, ((0, 0), (0, ATOM_VOC - BOND_VOC)))
    comb = (atype_W.at[0].set(0.0)[:, None, :]
            + chiral_W.at[0].set(0.0)[None, :, :]
            ).reshape(ATOM_VOC * CHIRAL_VOC, D_MODEL)
    atoms2 = atoms.reshape(B // 2, 1, 2 * L)
    atomsT = atoms.T
    aT_flat = atomsT.reshape(_ROWS)
    cT_flat = chirals.T.reshape(_ROWS)

    apairs = pl.pallas_call(
        _tc_body,
        grid=(B // 2,),
        in_specs=[
            pl.BlockSpec((1, 1, 2 * L), lambda s: (s, 0, 0)),
            pl.BlockSpec((L, B), lambda s: (0, 0)),
            pl.BlockSpec((2, L, L), lambda s: (s, 0, 0)),
            pl.BlockSpec((NHEAD * ATOM_VOC, ATOM_VOC), lambda s: (0, 0)),
            pl.BlockSpec((NHEAD, ATOM_VOC), lambda s: (0, 0)),
        ],
        out_specs=pl.BlockSpec((2, NHEAD, L, L), lambda s: (s, 0, 0, 0)),
        out_shape=jax.ShapeDtypeStruct((B, NHEAD, L, L), jnp.float32),
        compiler_params=pltpu.CompilerParams(
            dimension_semantics=("arbitrary",),
        ),
    )(atoms2, atomsT, bonds, a3p, bwt)

    emb_flat = _emb_sc(aT_flat, cT_flat, comb)
    emb = emb_flat.reshape(L, B, D_MODEL)
    return emb, apairs

# --- scband reference (transcript-rebuilt; emitter-appended) ---
"""Pipeline reference for scband-unimol-graph-embedding-38070590112230 (READ-ONLY COPY).

The authoritative reference and input builder live on the scoring server;
editing this copy changes nothing except your own understanding.
"""

import jax, jax.numpy as jnp
import numpy as np

ATOM_VOC = 128
CHIRAL_VOC = 4
BOND_VOC = 32
D_MODEL = 512
NHEAD = 16
B = 128
L = 128


def setup_inputs(seed: int = 0) -> dict:
    key = jax.random.key(seed)
    k1, k2, k3, k4, k5, k6, k7 = jax.random.split(key, 7)
    atoms = jax.random.randint(k1, (B, L), 0, ATOM_VOC, dtype=jnp.int32)
    chirals = jax.random.randint(k2, (B, L), 0, CHIRAL_VOC, dtype=jnp.int32)
    bonds = jax.random.randint(k3, (B, L, L), 0, BOND_VOC, dtype=jnp.int32)
    atype_W = jax.random.normal(k4, (ATOM_VOC, D_MODEL), dtype=jnp.float32)
    chiral_W = jax.random.normal(k5, (CHIRAL_VOC, D_MODEL), dtype=jnp.float32)
    apair_W = jax.random.normal(k6, (ATOM_VOC * ATOM_VOC, NHEAD), dtype=jnp.float32)
    bond_W = jax.random.normal(k7, (BOND_VOC, NHEAD), dtype=jnp.float32)
    return {
        "atoms": atoms,
        "chirals": chirals,
        "bonds": bonds,
        "atype_W": atype_W,
        "chiral_W": chiral_W,
        "apair_W": apair_W,
        "bond_W": bond_W,
    }


def reference(atoms, chirals, bonds, atype_W, chiral_W, apair_W, bond_W):
    # emulate padding_idx=0: zero out row 0 of padded tables
    aW = atype_W.at[0].set(0.0)
    cW = chiral_W.at[0].set(0.0)
    bW = bond_W.at[0].set(0.0)

    atoms_emb = jnp.take(aW, atoms, axis=0) + jnp.take(cW, chirals, axis=0)
    # posenc is None -> transpose to [L, B, d_model]
    atoms_emb = jnp.transpose(atoms_emb, (1, 0, 2))

    # apairs[b, i, j] = atoms[b, j] * ATOM_VOC + atoms[b, i]
    apair_idx = atoms[:, None, :] * ATOM_VOC + atoms[:, :, None]
    apairs = jnp.take(apair_W, apair_idx, axis=0)  # [B, L, L, NHEAD]
    apairs = apairs + jnp.take(bW, bonds, axis=0)

    padding_mask = atoms == 0  # [B, L]
    apairs = jnp.where(padding_mask[:, None, :, None], -jnp.inf, apairs)
    apairs = jnp.transpose(apairs, (0, 3, 1, 2))  # [B, NHEAD, L, L]
    return atoms_emb, apairs

if __name__ == "__main__":
    import jax
    _d = setup_inputs()
    print(jax.jit(kernel)(*tuple(_d.values())))

</pallas_src>

<mosaic_0001>
#map = affine_map<(d0, d1) -> (0)>
#map1 = affine_map<(d0, d1) -> (0, 0)>
module attributes {stable_mosaic.version = 14 : i64} {
  func.func @_emb_sc_body(%arg0: i32, %arg1: i32, %arg2: memref<16384xi32, #tpu.memory_space<hbm>>, %arg3: memref<16384xi32, #tpu.memory_space<hbm>>, %arg4: memref<512x512xf32, #tpu.memory_space<hbm>>, %arg5: memref<16384x512xf32, #tpu.memory_space<hbm>>, %arg6: memref<512xi32, #tpu.memory_space<vmem>>, %arg7: memref<512xi32, #tpu.memory_space<vmem>>, %arg8: memref<512xi32, #tpu.memory_space<vmem>>, %arg9: memref<128x512xf32, #tpu.memory_space<vmem>>, %arg10: memref<!tpu.dma_semaphore, #tpu.memory_space<semaphore_mem>>) attributes {dimension_semantics = [#tpu.dimension_semantics<core_parallel>, #tpu.dimension_semantics<subcore_parallel>], iteration_bounds = array<i64: 2, 16>, scalar_prefetch = 0 : i64, scratch_operands = 5 : i64, tpu.core_type = #tpu.core_type<sc_vector_subcore>, window_params = [{transform_indices = #map}, {transform_indices = #map}, {transform_indices = #map1}, {transform_indices = #map1}]} {
    %mul3A = arith.constant 2 : i32
    %mul3A_0 = arith.muli %arg1, %mul3A : i32
    %add3A = arith.addi %mul3A_0, %arg0 : i32
    %mul3A_1 = arith.constant 512 : i32
    %mul3A_2 = arith.muli %add3A, %mul3A_1 : i32
    "tpu.region"() ({
      %run_scoped3A = tpu.sem_alloc : memref<!tpu.dma_semaphore, #tpu.memory_space<semaphore_mem>>
      %dma_start3A_495 = tpu.memref_slice %arg2[%mul3A_2] : memref<16384xi32, #tpu.memory_space<hbm>> -> memref<512xi32, #tpu.memory_space<hbm>>
      %dma_start3A_496 = tpu.memref_slice %arg2[%mul3A_2] : memref<16384xi32, #tpu.memory_space<hbm>> -> memref<512xi32, #tpu.memory_space<hbm>>
      tpu.enqueue_dma source(%dma_start3A_496 : memref<512xi32, #tpu.memory_space<hbm>>) target(%arg6 : memref<512xi32, #tpu.memory_space<vmem>>) target_semaphore(%run_scoped3A : memref<!tpu.dma_semaphore, #tpu.memory_space<semaphore_mem>>)
      %dma_wait3A_497 = tpu.memref_slice %arg2[%mul3A_2] : memref<16384xi32, #tpu.memory_space<hbm>> -> memref<512xi32, #tpu.memory_space<hbm>>
      %dma_wait3A_498 = tpu.memref_slice %arg2[%mul3A_2] : memref<16384xi32, #tpu.memory_space<hbm>> -> memref<512xi32, #tpu.memory_space<hbm>>
      tpu.wait_dma2 semaphore(%run_scoped3A : memref<!tpu.dma_semaphore, #tpu.memory_space<semaphore_mem>>) src(%dma_wait3A_498 : memref<512xi32, #tpu.memory_space<hbm>>) dst(%arg6 : memref<512xi32, #tpu.memory_space<vmem>>)
      tpu.yield
    }) : () -> ()
    "tpu.region"() ({
      %run_scoped3A = tpu.sem_alloc : memref<!tpu.dma_semaphore, #tpu.memory_space<semaphore_mem>>
      %dma_start3A_495 = tpu.memref_slice %arg3[%mul3A_2] : memref<16384xi32, #tpu.memory_space<hbm>> -> memref<512xi32, #tpu.memory_space<hbm>>
      %dma_start3A_496 = tpu.memref_slice %arg3[%mul3A_2] : memref<16384xi32, #tpu.memory_space<hbm>> -> memref<512xi32, #tpu.memory_space<hbm>>
      tpu.enqueue_dma source(%dma_start3A_496 : memref<512xi32, #tpu.memory_space<hbm>>) target(%arg7 : memref<512xi32, #tpu.memory_space<vmem>>) target_semaphore(%run_scoped3A : memref<!tpu.dma_semaphore, #tpu.memory_space<semaphore_mem>>)
      %dma_wait3A_497 = tpu.memref_slice %arg3[%mul3A_2] : memref<16384xi32, #tpu.memory_space<hbm>> -> memref<512xi32, #tpu.memory_space<hbm>>
      %dma_wait3A_498 = tpu.memref_slice %arg3[%mul3A_2] : memref<16384xi32, #tpu.memory_space<hbm>> -> memref<512xi32, #tpu.memory_space<hbm>>
      tpu.wait_dma2 semaphore(%run_scoped3A : memref<!tpu.dma_semaphore, #tpu.memory_space<semaphore_mem>>) src(%dma_wait3A_498 : memref<512xi32, #tpu.memory_space<hbm>>) dst(%arg7 : memref<512xi32, #tpu.memory_space<vmem>>)
      tpu.yield
    }) : () -> ()
    %get3A = arith.constant 0 : index
    %get3A_3 = tpu.vector_load %arg6[%get3A] {strides = array<i32>} : memref<512xi32, #tpu.memory_space<vmem>>, vector<16xi32>,
    %get3A_4 = vector.shape_cast %get3A_3 : vector<16xi32> to vector<16xi32>
    %mul3A_5 = arith.constant 4 : i32
    %mul3A_6 = vector.broadcast %mul3A_5 : i32 to vector<16xi32>
    %mul3A_7 = arith.muli %get3A_4, %mul3A_6 : vector<16xi32>
    %get3A_8 = arith.constant 0 : index
    %get3A_9 = tpu.vector_load %arg7[%get3A_8] {strides = array<i32>} : memref<512xi32, #tpu.memory_space<vmem>>, vector<16xi32>,
    %get3A_10 = vector.shape_cast %get3A_9 : vector<16xi32> to vector<16xi32>
    %add3A_11 = arith.addi %mul3A_7, %get3A_10 : vector<16xi32>
    %swap3A = arith.constant 0 : index
    %swap3A_12 = tpu.vector_load %arg8[%swap3A] {strides = array<i32>} : memref<512xi32, #tpu.memory_space<vmem>>, vector<16xi32>,
    %swap3A_13 = vector.shape_cast %swap3A_12 : vector<16xi32> to vector<16xi32>
    %swap3A_14 = vector.shape_cast %add3A_11 : vector<16xi32> to vector<16xi32>
    tpu.vector_store %arg8[%swap3A], %swap3A_14 {strides = array<i32>} : memref<512xi32, #tpu.memory_space<vmem>>, vector<16xi32>,
    %get3A_15 = arith.constant 16 : index
    %get3A_16 = tpu.vector_load %arg6[%get3A_15] {strides = array<i32>} : memref<512xi32, #tpu.memory_space<vmem>>, vector<16xi32>,
    %get3A_17 = vector.shape_cast %get3A_16 : vector<16xi32> to vector<16xi32>
    %mul3A_18 = arith.constant 4 : i32
    %mul3A_19 = vector.broadcast %mul3A_18 : i32 to vector<16xi32>
    %mul3A_20 = arith.muli %get3A_17, %mul3A_19 : vector<16xi32>
    %get3A_21 = arith.constant 16 : index
    %get3A_22 = tpu.vector_load %arg7[%get3A_21] {strides = array<i32>} : memref<512xi32, #tpu.memory_space<vmem>>, vector<16xi32>,
    %get3A_23 = vector.shape_cast %get3A_22 : vector<16xi32> to vector<16xi32>
    %add3A_24 = arith.addi %mul3A_20, %get3A_23 : vector<16xi32>
    %swap3A_25 = arith.constant 16 : index
    %swap3A_26 = tpu.vector_load %arg8[%swap3A_25] {strides = array<i32>} : memref<512xi32, #tpu.memory_space<vmem>>, vector<16xi32>,
    %swap3A_27 = vector.shape_cast %swap3A_26 : vector<16xi32> to vector<16xi32>
    %swap3A_28 = vector.shape_cast %add3A_24 : vector<16xi32> to vector<16xi32>
    tpu.vector_store %arg8[%swap3A_25], %swap3A_28 {strides = array<i32>} : memref<512xi32, #tpu.memory_space<vmem>>, vector<16xi32>,
    %get3A_29 = arith.constant 32 : index
    %get3A_30 = tpu.vector_load %arg6[%get3A_29] {strides = array<i32>} : memref<512xi32, #tpu.memory_space<vmem>>, vector<16xi32>,
    %get3A_31 = vector.shape_cast %get3A_30 : vector<16xi32> to vector<16xi32>
    %mul3A_32 = arith.constant 4 : i32
    %mul3A_33 = vector.broadcast %mul3A_32 : i32 to vector<16xi32>
    %mul3A_34 = arith.muli %get3A_31, %mul3A_33 : vector<16xi32>
    %get3A_35 = arith.constant 32 : index
    %get3A_36 = tpu.vector_load %arg7[%get3A_35] {strides = array<i32>} : memref<512xi32, #tpu.memory_space<vmem>>, vector<16xi32>,
    %get3A_37 = vector.shape_cast %get3A_36 : vector<16xi32> to vector<16xi32>
    %add3A_38 = arith.addi %mul3A_34, %get3A_37 : vector<16xi32>
    %swap3A_39 = arith.constant 32 : index
    %swap3A_40 = tpu.vector_load %arg8[%swap3A_39] {strides = array<i32>} : memref<512xi32, #tpu.memory_space<vmem>>, vector<16xi32>,
    %swap3A_41 = vector.shape_cast %swap3A_40 : vector<16xi32> to vector<16xi32>
    %swap3A_42 = vector.shape_cast %add3A_38 : vector<16xi32> to vector<16xi32>
    tpu.vector_store %arg8[%swap3A_39], %swap3A_42 {strides = array<i32>} : memref<512xi32, #tpu.memory_space<vmem>>, vector<16xi32>,
    %get3A_43 = arith.constant 48 : index
    %get3A_44 = tpu.vector_load %arg6[%get3A_43] {strides = array<i32>} : memref<512xi32, #tpu.memory_space<vmem>>, vector<16xi32>,
    %get3A_45 = vector.shape_cast %get3A_44 : vector<16xi32> to vector<16xi32>
    %mul3A_46 = arith.constant 4 : i32
    %mul3A_47 = vector.broadcast %mul3A_46 : i32 to vector<16xi32>
    %mul3A_48 = arith.muli %get3A_45, %mul3A_47 : vector<16xi32>
    %get3A_49 = arith.constant 48 : index
    %get3A_50 = tpu.vector_load %arg7[%get3A_49] {strides = array<i32>} : memref<512xi32, #tpu.memory_space<vmem>>, vector<16xi32>,
    %get3A_51 = vector.shape_cast %get3A_50 : vector<16xi32> to vector<16xi32>
    %add3A_52 = arith.addi %mul3A_48, %get3A_51 : vector<16xi32>
    %swap3A_53 = arith.constant 48 : index
    %swap3A_54 = tpu.vector_load %arg8[%swap3A_53] {strides = array<i32>} : memref<512xi32, #tpu.memory_space<vmem>>, vector<16xi32>,
    %swap3A_55 = vector.shape_cast %swap3A_54 : vector<16xi32> to vector<16xi32>
    %swap3A_56 = vector.shape_cast %add3A_52 : vector<16xi32> to vector<16xi32>
    tpu.vector_store %arg8[%swap3A_53], %swap3A_56 {strides = array<i32>} : memref<512xi32, #tpu.memory_space<vmem>>, vector<16xi32>,
    %get3A_57 = arith.constant 64 : index
    %get3A_58 = tpu.vector_load %arg6[%get3A_57] {strides = array<i32>} : memref<512xi32, #tpu.memory_space<vmem>>, vector<16xi32>,
    %get3A_59 = vector.shape_cast %get3A_58 : vector<16xi32> to vector<16xi32>
    %mul3A_60 = arith.constant 4 : i32
    %mul3A_61 = vector.broadcast %mul3A_60 : i32 to vector<16xi32>
    %mul3A_62 = arith.muli %get3A_59, %mul3A_61 : vector<16xi32>
    %get3A_63 = arith.constant 64 : index
    %get3A_64 = tpu.vector_load %arg7[%get3A_63] {strides = array<i32>} : memref<512xi32, #tpu.memory_space<vmem>>, vector<16xi32>,
    %get3A_65 = vector.shape_cast %get3A_64 : vector<16xi32> to vector<16xi32>
    %add3A_66 = arith.addi %mul3A_62, %get3A_65 : vector<16xi32>
    %swap3A_67 = arith.constant 64 : index
    %swap3A_68 = tpu.vector_load %arg8[%swap3A_67] {strides = array<i32>} : memref<512xi32, #tpu.memory_space<vmem>>, vector<16xi32>,
    %swap3A_69 = vector.shape_cast %swap3A_68 : vector<16xi32> to vector<16xi32>
    %swap3A_70 = vector.shape_cast %add3A_66 : vector<16xi32> to vector<16xi32>
    tpu.vector_store %arg8[%swap3A_67], %swap3A_70 {strides = array<i32>} : memref<512xi32, #tpu.memory_space<vmem>>, vector<16xi32>,
    %get3A_71 = arith.constant 80 : index
    %get3A_72 = tpu.vector_load %arg6[%get3A_71] {strides = array<i32>} : memref<512xi32, #tpu.memory_space<vmem>>, vector<16xi32>,
    %get3A_73 = vector.shape_cast %get3A_72 : vector<16xi32> to vector<16xi32>
    %mul3A_74 = arith.constant 4 : i32
    %mul3A_75 = vector.broadcast %mul3A_74 : i32 to vector<16xi32>
    %mul3A_76 = arith.muli %get3A_73, %mul3A_75 : vector<16xi32>
    %get3A_77 = arith.constant 80 : index
    %get3A_78 = tpu.vector_load %arg7[%get3A_77] {strides = array<i32>} : memref<512xi32, #tpu.memory_space<vmem>>, vector<16xi32>,
    %get3A_79 = vector.shape_cast %get3A_78 : vector<16xi32> to vector<16xi32>
    %add3A_80 = arith.addi %mul3A_76, %get3A_79 : vector<16xi32>
    %swap3A_81 = arith.constant 80 : index
    %swap3A_82 = tpu.vector_load %arg8[%swap3A_81] {strides = array<i32>} : memref<512xi32, #tpu.memory_space<vmem>>, vector<16xi32>,
    %swap3A_83 = vector.shape_cast %swap3A_82 : vector<16xi32> to vector<16xi32>
    %swap3A_84 = vector.shape_cast %add3A_80 : vector<16xi32> to vector<16xi32>
    tpu.vector_store %arg8[%swap3A_81], %swap3A_84 {strides = array<i32>} : memref<512xi32, #tpu.memory_space<vmem>>, vector<16xi32>,
    %get3A_85 = arith.constant 96 : index
    %get3A_86 = tpu.vector_load %arg6[%get3A_85] {strides = array<i32>} : memref<512xi32, #tpu.memory_space<vmem>>, vector<16xi32>,
    %get3A_87 = vector.shape_cast %get3A_86 : vector<16xi32> to vector<16xi32>
    %mul3A_88 = arith.constant 4 : i32
    %mul3A_89 = vector.broadcast %mul3A_88 : i32 to vector<16xi32>
    %mul3A_90 = arith.muli %get3A_87, %mul3A_89 : vector<16xi32>
    %get3A_91 = arith.constant 96 : index
    %get3A_92 = tpu.vector_load %arg7[%get3A_91] {strides = array<i32>} : memref<512xi32, #tpu.memory_space<vmem>>, vector<16xi32>,
    %get3A_93 = vector.shape_cast %get3A_92 : vector<16xi32> to vector<16xi32>
    %add3A_94 = arith.addi %mul3A_90, %get3A_93 : vector<16xi32>
    %swap3A_95 = arith.constant 96 : index
    %swap3A_96 = tpu.vector_load %arg8[%swap3A_95] {strides = array<i32>} : memref<512xi32, #tpu.memory_space<vmem>>, vector<16xi32>,
    %swap3A_97 = vector.shape_cast %swap3A_96 : vector<16xi32> to vector<16xi32>
    %swap3A_98 = vector.shape_cast %add3A_94 : vector<16xi32> to vector<16xi32>
    tpu.vector_store %arg8[%swap3A_95], %swap3A_98 {strides = array<i32>} : memref<512xi32, #tpu.memory_space<vmem>>, vector<16xi32>,
    %get3A_99 = arith.constant 112 : index
    %get3A_100 = tpu.vector_load %arg6[%get3A_99] {strides = array<i32>} : memref<512xi32, #tpu.memory_space<vmem>>, vector<16xi32>,
    %get3A_101 = vector.shape_cast %get3A_100 : vector<16xi32> to vector<16xi32>
    %mul3A_102 = arith.constant 4 : i32
    %mul3A_103 = vector.broadcast %mul3A_102 : i32 to vector<16xi32>
    %mul3A_104 = arith.muli %get3A_101, %mul3A_103 : vector<16xi32>
    %get3A_105 = arith.constant 112 : index
    %get3A_106 = tpu.vector_load %arg7[%get3A_105] {strides = array<i32>} : memref<512xi32, #tpu.memory_space<vmem>>, vector<16xi32>,
    %get3A_107 = vector.shape_cast %get3A_106 : vector<16xi32> to vector<16xi32>
    %add3A_108 = arith.addi %mul3A_104, %get3A_107 : vector<16xi32>
    %swap3A_109 = arith.constant 112 : index
    %swap3A_110 = tpu.vector_load %arg8[%swap3A_109] {strides = array<i32>} : memref<512xi32, #tpu.memory_space<vmem>>, vector<16xi32>,
    %swap3A_111 = vector.shape_cast %swap3A_110 : vector<16xi32> to vector<16xi32>
    %swap3A_112 = vector.shape_cast %add3A_108 : vector<16xi32> to vector<16xi32>
    tpu.vector_store %arg8[%swap3A_109], %swap3A_112 {strides = array<i32>} : memref<512xi32, #tpu.memory_space<vmem>>, vector<16xi32>,
    %get3A_113 = arith.constant 128 : index
    %get3A_114 = tpu.vector_load %arg6[%get3A_113] {strides = array<i32>} : memref<512xi32, #tpu.memory_space<vmem>>, vector<16xi32>,
    %get3A_115 = vector.shape_cast %get3A_114 : vector<16xi32> to vector<16xi32>
    %mul3A_116 = arith.constant 4 : i32
    %mul3A_117 = vector.broadcast %mul3A_116 : i32 to vector<16xi32>
    %mul3A_118 = arith.muli %get3A_115, %mul3A_117 : vector<16xi32>
    %get3A_119 = arith.constant 128 : index
    %get3A_120 = tpu.vector_load %arg7[%get3A_119] {strides = array<i32>} : memref<512xi32, #tpu.memory_space<vmem>>, vector<16xi32>,
    %get3A_121 = vector.shape_cast %get3A_120 : vector<16xi32> to vector<16xi32>
    %add3A_122 = arith.addi %mul3A_118, %get3A_121 : vector<16xi32>
    %swap3A_123 = arith.constant 128 : index
    %swap3A_124 = tpu.vector_load %arg8[%swap3A_123] {strides = array<i32>} : memref<512xi32, #tpu.memory_space<vmem>>, vector<16xi32>,
    %swap3A_125 = vector.shape_cast %swap3A_124 : vector<16xi32> to vector<16xi32>
    %swap3A_126 = vector.shape_cast %add3A_122 : vector<16xi32> to vector<16xi32>
    tpu.vector_store %arg8[%swap3A_123], %swap3A_126 {strides = array<i32>} : memref<512xi32, #tpu.memory_space<vmem>>, vector<16xi32>,
    %get3A_127 = arith.constant 144 : index
    %get3A_128 = tpu.vector_load %arg6[%get3A_127] {strides = array<i32>} : memref<512xi32, #tpu.memory_space<vmem>>, vector<16xi32>,
    %get3A_129 = vector.shape_cast %get3A_128 : vector<16xi32> to vector<16xi32>
    %mul3A_130 = arith.constant 4 : i32
    %mul3A_131 = vector.broadcast %mul3A_130 : i32 to vector<16xi32>
    %mul3A_132 = arith.muli %get3A_129, %mul3A_131 : vector<16xi32>
    %get3A_133 = arith.constant 144 : index
    %get3A_134 = tpu.vector_load %arg7[%get3A_133] {strides = array<i32>} : memref<512xi32, #tpu.memory_space<vmem>>, vector<16xi32>,
    %get3A_135 = vector.shape_cast %get3A_134 : vector<16xi32> to vector<16xi32>
    %add3A_136 = arith.addi %mul3A_132, %get3A_135 : vector<16xi32>
    %swap3A_137 = arith.constant 144 : index
    %swap3A_138 = tpu.vector_load %arg8[%swap3A_137] {strides = array<i32>} : memref<512xi32, #tpu.memory_space<vmem>>, vector<16xi32>,
    %swap3A_139 = vector.shape_cast %swap3A_138 : vector<16xi32> to vector<16xi32>
    %swap3A_140 = vector.shape_cast %add3A_136 : vector<16xi32> to vector<16xi32>
    tpu.vector_store %arg8[%swap3A_137], %swap3A_140 {strides = array<i32>} : memref<512xi32, #tpu.memory_space<vmem>>, vector<16xi32>,
    %get3A_141 = arith.constant 160 : index
    %get3A_142 = tpu.vector_load %arg6[%get3A_141] {strides = array<i32>} : memref<512xi32, #tpu.memory_space<vmem>>, vector<16xi32>,
    %get3A_143 = vector.shape_cast %get3A_142 : vector<16xi32> to vector<16xi32>
    %mul3A_144 = arith.constant 4 : i32
    %mul3A_145 = vector.broadcast %mul3A_144 : i32 to vector<16xi32>
    %mul3A_146 = arith.muli %get3A_143, %mul3A_145 : vector<16xi32>
    %get3A_147 = arith.constant 160 : index
    %get3A_148 = tpu.vector_load %arg7[%get3A_147] {strides = array<i32>} : memref<512xi32, #tpu.memory_space<vmem>>, vector<16xi32>,
    %get3A_149 = vector.shape_cast %get3A_148 : vector<16xi32> to vector<16xi32>
    %add3A_150 = arith.addi %mul3A_146, %get3A_149 : vector<16xi32>
    %swap3A_151 = arith.constant 160 : index
    %swap3A_152 = tpu.vector_load %arg8[%swap3A_151] {strides = array<i32>} : memref<512xi32, #tpu.memory_space<vmem>>, vector<16xi32>,
    %swap3A_153 = vector.shape_cast %swap3A_152 : vector<16xi32> to vector<16xi32>
    %swap3A_154 = vector.shape_cast %add3A_150 : vector<16xi32> to vector<16xi32>
    tpu.vector_store %arg8[%swap3A_151], %swap3A_154 {strides = array<i32>} : memref<512xi32, #tpu.memory_space<vmem>>, vector<16xi32>,
    %get3A_155 = arith.constant 176 : index
    %get3A_156 = tpu.vector_load %arg6[%get3A_155] {strides = array<i32>} : memref<512xi32, #tpu.memory_space<vmem>>, vector<16xi32>,
    %get3A_157 = vector.shape_cast %get3A_156 : vector<16xi32> to vector<16xi32>
    %mul3A_158 = arith.constant 4 : i32
    %mul3A_159 = vector.broadcast %mul3A_158 : i32 to vector<16xi32>
    %mul3A_160 = arith.muli %get3A_157, %mul3A_159 : vector<16xi32>
    %get3A_161 = arith.constant 176 : index
    %get3A_162 = tpu.vector_load %arg7[%get3A_161] {strides = array<i32>} : memref<512xi32, #tpu.memory_space<vmem>>, vector<16xi32>,
    %get3A_163 = vector.shape_cast %get3A_162 : vector<16xi32> to vector<16xi32>
    %add3A_164 = arith.addi %mul3A_160, %get3A_163 : vector<16xi32>
    %swap3A_165 = arith.constant 176 : index
    %swap3A_166 = tpu.vector_load %arg8[%swap3A_165] {strides = array<i32>} : memref<512xi32, #tpu.memory_space<vmem>>, vector<16xi32>,
    %swap3A_167 = vector.shape_cast %swap3A_166 : vector<16xi32> to vector<16xi32>
    %swap3A_168 = vector.shape_cast %add3A_164 : vector<16xi32> to vector<16xi32>
    tpu.vector_store %arg8[%swap3A_165], %swap3A_168 {strides = array<i32>} : memref<512xi32, #tpu.memory_space<vmem>>, vector<16xi32>,
    %get3A_169 = arith.constant 192 : index
    %get3A_170 = tpu.vector_load %arg6[%get3A_169] {strides = array<i32>} : memref<512xi32, #tpu.memory_space<vmem>>, vector<16xi32>,
    %get3A_171 = vector.shape_cast %get3A_170 : vector<16xi32> to vector<16xi32>
    %mul3A_172 = arith.constant 4 : i32
    %mul3A_173 = vector.broadcast %mul3A_172 : i32 to vector<16xi32>
    %mul3A_174 = arith.muli %get3A_171, %mul3A_173 : vector<16xi32>
    %get3A_175 = arith.constant 192 : index
    %get3A_176 = tpu.vector_load %arg7[%get3A_175] {strides = array<i32>} : memref<512xi32, #tpu.memory_space<vmem>>, vector<16xi32>,
    %get3A_177 = vector.shape_cast %get3A_176 : vector<16xi32> to vector<16xi32>
    %add3A_178 = arith.addi %mul3A_174, %get3A_177 : vector<16xi32>
    %swap3A_179 = arith.constant 192 : index
    %swap3A_180 = tpu.vector_load %arg8[%swap3A_179] {strides = array<i32>} : memref<512xi32, #tpu.memory_space<vmem>>, vector<16xi32>,
    %swap3A_181 = vector.shape_cast %swap3A_180 : vector<16xi32> to vector<16xi32>
    %swap3A_182 = vector.shape_cast %add3A_178 : vector<16xi32> to vector<16xi32>
    tpu.vector_store %arg8[%swap3A_179], %swap3A_182 {strides = array<i32>} : memref<512xi32, #tpu.memory_space<vmem>>, vector<16xi32>,
    %get3A_183 = arith.constant 208 : index
    %get3A_184 = tpu.vector_load %arg6[%get3A_183] {strides = array<i32>} : memref<512xi32, #tpu.memory_space<vmem>>, vector<16xi32>,
    %get3A_185 = vector.shape_cast %get3A_184 : vector<16xi32> to vector<16xi32>
    %mul3A_186 = arith.constant 4 : i32
    %mul3A_187 = vector.broadcast %mul3A_186 : i32 to vector<16xi32>
    %mul3A_188 = arith.muli %get3A_185, %mul3A_187 : vector<16xi32>
    %get3A_189 = arith.constant 208 : index
    %get3A_190 = tpu.vector_load %arg7[%get3A_189] {strides = array<i32>} : memref<512xi32, #tpu.memory_space<vmem>>, vector<16xi32>,
    %get3A_191 = vector.shape_cast %get3A_190 : vector<16xi32> to vector<16xi32>
    %add3A_192 = arith.addi %mul3A_188, %get3A_191 : vector<16xi32>
    %swap3A_193 = arith.constant 208 : index
    %swap3A_194 = tpu.vector_load %arg8[%swap3A_193] {strides = array<i32>} : memref<512xi32, #tpu.memory_space<vmem>>, vector<16xi32>,
    %swap3A_195 = vector.shape_cast %swap3A_194 : vector<16xi32> to vector<16xi32>
    %swap3A_196 = vector.shape_cast %add3A_192 : vector<16xi32> to vector<16xi32>
    tpu.vector_store %arg8[%swap3A_193], %swap3A_196 {strides = array<i32>} : memref<512xi32, #tpu.memory_space<vmem>>, vector<16xi32>,
    %get3A_197 = arith.constant 224 : index
    %get3A_198 = tpu.vector_load %arg6[%get3A_197] {strides = array<i32>} : memref<512xi32, #tpu.memory_space<vmem>>, vector<16xi32>,
    %get3A_199 = vector.shape_cast %get3A_198 : vector<16xi32> to vector<16xi32>
    %mul3A_200 = arith.constant 4 : i32
    %mul3A_201 = vector.broadcast %mul3A_200 : i32 to vector<16xi32>
    %mul3A_202 = arith.muli %get3A_199, %mul3A_201 : vector<16xi32>
    %get3A_203 = arith.constant 224 : index
    %get3A_204 = tpu.vector_load %arg7[%get3A_203] {strides = array<i32>} : memref<512xi32, #tpu.memory_space<vmem>>, vector<16xi32>,
    %get3A_205 = vector.shape_cast %get3A_204 : vector<16xi32> to vector<16xi32>
    %add3A_206 = arith.addi %mul3A_202, %get3A_205 : vector<16xi32>
    %swap3A_207 = arith.constant 224 : index
    %swap3A_208 = tpu.vector_load %arg8[%swap3A_207] {strides = array<i32>} : memref<512xi32, #tpu.memory_space<vmem>>, vector<16xi32>,
    %swap3A_209 = vector.shape_cast %swap3A_208 : vector<16xi32> to vector<16xi32>
    %swap3A_210 = vector.shape_cast %add3A_206 : vector<16xi32> to vector<16xi32>
    tpu.vector_store %arg8[%swap3A_207], %swap3A_210 {strides = array<i32>} : memref<512xi32, #tpu.memory_space<vmem>>, vector<16xi32>,
    %get3A_211 = arith.constant 240 : index
    %get3A_212 = tpu.vector_load %arg6[%get3A_211] {strides = array<i32>} : memref<512xi32, #tpu.memory_space<vmem>>, vector<16xi32>,
    %get3A_213 = vector.shape_cast %get3A_212 : vector<16xi32> to vector<16xi32>
    %mul3A_214 = arith.constant 4 : i32
    %mul3A_215 = vector.broadcast %mul3A_214 : i32 to vector<16xi32>
    %mul3A_216 = arith.muli %get3A_213, %mul3A_215 : vector<16xi32>
    %get3A_217 = arith.constant 240 : index
    %get3A_218 = tpu.vector_load %arg7[%get3A_217] {strides = array<i32>} : memref<512xi32, #tpu.memory_space<vmem>>, vector<16xi32>,
    %get3A_219 = vector.shape_cast %get3A_218 : vector<16xi32> to vector<16xi32>
    %add3A_220 = arith.addi %mul3A_216, %get3A_219 : vector<16xi32>
    %swap3A_221 = arith.constant 240 : index
    %swap3A_222 = tpu.vector_load %arg8[%swap3A_221] {strides = array<i32>} : memref<512xi32, #tpu.memory_space<vmem>>, vector<16xi32>,
    %swap3A_223 = vector.shape_cast %swap3A_222 : vector<16xi32> to vector<16xi32>
    %swap3A_224 = vector.shape_cast %add3A_220 : vector<16xi32> to vector<16xi32>
    tpu.vector_store %arg8[%swap3A_221], %swap3A_224 {strides = array<i32>} : memref<512xi32, #tpu.memory_space<vmem>>, vector<16xi32>,
    %get3A_225 = arith.constant 256 : index
    %get3A_226 = tpu.vector_load %arg6[%get3A_225] {strides = array<i32>} : memref<512xi32, #tpu.memory_space<vmem>>, vector<16xi32>,
    %get3A_227 = vector.shape_cast %get3A_226 : vector<16xi32> to vector<16xi32>
    %mul3A_228 = arith.constant 4 : i32
    %mul3A_229 = vector.broadcast %mul3A_228 : i32 to vector<16xi32>
    %mul3A_230 = arith.muli %get3A_227, %mul3A_229 : vector<16xi32>
    %get3A_231 = arith.constant 256 : index
    %get3A_232 = tpu.vector_load %arg7[%get3A_231] {strides = array<i32>} : memref<512xi32, #tpu.memory_space<vmem>>, vector<16xi32>,
    %get3A_233 = vector.shape_cast %get3A_232 : vector<16xi32> to vector<16xi32>
    %add3A_234 = arith.addi %mul3A_230, %get3A_233 : vector<16xi32>
    %swap3A_235 = arith.constant 256 : index
    %swap3A_236 = tpu.vector_load %arg8[%swap3A_235] {strides = array<i32>} : memref<512xi32, #tpu.memory_space<vmem>>, vector<16xi32>,
    %swap3A_237 = vector.shape_cast %swap3A_236 : vector<16xi32> to vector<16xi32>
    %swap3A_238 = vector.shape_cast %add3A_234 : vector<16xi32> to vector<16xi32>
    tpu.vector_store %arg8[%swap3A_235], %swap3A_238 {strides = array<i32>} : memref<512xi32, #tpu.memory_space<vmem>>, vector<16xi32>,
    %get3A_239 = arith.constant 272 : index
    %get3A_240 = tpu.vector_load %arg6[%get3A_239] {strides = array<i32>} : memref<512xi32, #tpu.memory_space<vmem>>, vector<16xi32>,
    %get3A_241 = vector.shape_cast %get3A_240 : vector<16xi32> to vector<16xi32>
    %mul3A_242 = arith.constant 4 : i32
    %mul3A_243 = vector.broadcast %mul3A_242 : i32 to vector<16xi32>
    %mul3A_244 = arith.muli %get3A_241, %mul3A_243 : vector<16xi32>
    %get3A_245 = arith.constant 272 : index
    %get3A_246 = tpu.vector_load %arg7[%get3A_245] {strides = array<i32>} : memref<512xi32, #tpu.memory_space<vmem>>, vector<16xi32>,
    %get3A_247 = vector.shape_cast %get3A_246 : vector<16xi32> to vector<16xi32>
    %add3A_248 = arith.addi %mul3A_244, %get3A_247 : vector<16xi32>
    %swap3A_249 = arith.constant 272 : index
    %swap3A_250 = tpu.vector_load %arg8[%swap3A_249] {strides = array<i32>} : memref<512xi32, #tpu.memory_space<vmem>>, vector<16xi32>,
    %swap3A_251 = vector.shape_cast %swap3A_250 : vector<16xi32> to vector<16xi32>
    %swap3A_252 = vector.shape_cast %add3A_248 : vector<16xi32> to vector<16xi32>
    tpu.vector_store %arg8[%swap3A_249], %swap3A_252 {strides = array<i32>} : memref<512xi32, #tpu.memory_space<vmem>>, vector<16xi32>,
    %get3A_253 = arith.constant 288 : index
    %get3A_254 = tpu.vector_load %arg6[%get3A_253] {strides = array<i32>} : memref<512xi32, #tpu.memory_space<vmem>>, vector<16xi32>,
    %get3A_255 = vector.shape_cast %get3A_254 : vector<16xi32> to vector<16xi32>
    %mul3A_256 = arith.constant 4 : i32
    %mul3A_257 = vector.broadcast %mul3A_256 : i32 to vector<16xi32>
    %mul3A_258 = arith.muli %get3A_255, %mul3A_257 : vector<16xi32>
    %get3A_259 = arith.constant 288 : index
    %get3A_260 = tpu.vector_load %arg7[%get3A_259] {strides = array<i32>} : memref<512xi32, #tpu.memory_space<vmem>>, vector<16xi32>,
    %get3A_261 = vector.shape_cast %get3A_260 : vector<16xi32> to vector<16xi32>
    %add3A_262 = arith.addi %mul3A_258, %get3A_261 : vector<16xi32>
    %swap3A_263 = arith.constant 288 : index
    %swap3A_264 = tpu.vector_load %arg8[%swap3A_263] {strides = array<i32>} : memref<512xi32, #tpu.memory_space<vmem>>, vector<16xi32>,
    %swap3A_265 = vector.shape_cast %swap3A_264 : vector<16xi32> to vector<16xi32>
    %swap3A_266 = vector.shape_cast %add3A_262 : vector<16xi32> to vector<16xi32>
    tpu.vector_store %arg8[%swap3A_263], %swap3A_266 {strides = array<i32>} : memref<512xi32, #tpu.memory_space<vmem>>, vector<16xi32>,
    %get3A_267 = arith.constant 304 : index
    %get3A_268 = tpu.vector_load %arg6[%get3A_267] {strides = array<i32>} : memref<512xi32, #tpu.memory_space<vmem>>, vector<16xi32>,
    %get3A_269 = vector.shape_cast %get3A_268 : vector<16xi32> to vector<16xi32>
    %mul3A_270 = arith.constant 4 : i32
    %mul3A_271 = vector.broadcast %mul3A_270 : i32 to vector<16xi32>
    %mul3A_272 = arith.muli %get3A_269, %mul3A_271 : vector<16xi32>
    %get3A_273 = arith.constant 304 : index
    %get3A_274 = tpu.vector_load %arg7[%get3A_273] {strides = array<i32>} : memref<512xi32, #tpu.memory_space<vmem>>, vector<16xi32>,
    %get3A_275 = vector.shape_cast %get3A_274 : vector<16xi32> to vector<16xi32>
    %add3A_276 = arith.addi %mul3A_272, %get3A_275 : vector<16xi32>
    %swap3A_277 = arith.constant 304 : index
    %swap3A_278 = tpu.vector_load %arg8[%swap3A_277] {strides = array<i32>} : memref<512xi32, #tpu.memory_space<vmem>>, vector<16xi32>,
    %swap3A_279 = vector.shape_cast %swap3A_278 : vector<16xi32> to vector<16xi32>
    %swap3A_280 = vector.shape_cast %add3A_276 : vector<16xi32> to vector<16xi32>
    tpu.vector_store %arg8[%swap3A_277], %swap3A_280 {strides = array<i32>} : memref<512xi32, #tpu.memory_space<vmem>>, vector<16xi32>,
    %get3A_281 = arith.constant 320 : index
    %get3A_282 = tpu.vector_load %arg6[%get3A_281] {strides = array<i32>} : memref<512xi32, #tpu.memory_space<vmem>>, vector<16xi32>,
    %get3A_283 = vector.shape_cast %get3A_282 : vector<16xi32> to vector<16xi32>
    %mul3A_284 = arith.constant 4 : i32
    %mul3A_285 = vector.broadcast %mul3A_284 : i32 to vector<16xi32>
    %mul3A_286 = arith.muli %get3A_283, %mul3A_285 : vector<16xi32>
    %get3A_287 = arith.constant 320 : index
    %get3A_288 = tpu.vector_load %arg7[%get3A_287] {strides = array<i32>} : memref<512xi32, #tpu.memory_space<vmem>>, vector<16xi32>,
    %get3A_289 = vector.shape_cast %get3A_288 : vector<16xi32> to vector<16xi32>
    %add3A_290 = arith.addi %mul3A_286, %get3A_289 : vector<16xi32>
    %swap3A_291 = arith.constant 320 : index
    %swap3A_292 = tpu.vector_load %arg8[%swap3A_291] {strides = array<i32>} : memref<512xi32, #tpu.memory_space<vmem>>, vector<16xi32>,
    %swap3A_293 = vector.shape_cast %swap3A_292 : vector<16xi32> to vector<16xi32>
    %swap3A_294 = vector.shape_cast %add3A_290 : vector<16xi32> to vector<16xi32>
    tpu.vector_store %arg8[%swap3A_291], %swap3A_294 {strides = array<i32>} : memref<512xi32, #tpu.memory_space<vmem>>, vector<16xi32>,
    %get3A_295 = arith.constant 336 : index
    %get3A_296 = tpu.vector_load %arg6[%get3A_295] {strides = array<i32>} : memref<512xi32, #tpu.memory_space<vmem>>, vector<16xi32>,
    %get3A_297 = vector.shape_cast %get3A_296 : vector<16xi32> to vector<16xi32>
    %mul3A_298 = arith.constant 4 : i32
    %mul3A_299 = vector.broadcast %mul3A_298 : i32 to vector<16xi32>
    %mul3A_300 = arith.muli %get3A_297, %mul3A_299 : vector<16xi32>
    %get3A_301 = arith.constant 336 : index
    %get3A_302 = tpu.vector_load %arg7[%get3A_301] {strides = array<i32>} : memref<512xi32, #tpu.memory_space<vmem>>, vector<16xi32>,
    %get3A_303 = vector.shape_cast %get3A_302 : vector<16xi32> to vector<16xi32>
    %add3A_304 = arith.addi %mul3A_300, %get3A_303 : vector<16xi32>
    %swap3A_305 = arith.constant 336 : index
    %swap3A_306 = tpu.vector_load %arg8[%swap3A_305] {strides = array<i32>} : memref<512xi32, #tpu.memory_space<vmem>>, vector<16xi32>,
    %swap3A_307 = vector.shape_cast %swap3A_306 : vector<16xi32> to vector<16xi32>
    %swap3A_308 = vector.shape_cast %add3A_304 : vector<16xi32> to vector<16xi32>
    tpu.vector_store %arg8[%swap3A_305], %swap3A_308 {strides = array<i32>} : memref<512xi32, #tpu.memory_space<vmem>>, vector<16xi32>,
    %get3A_309 = arith.constant 352 : index
    %get3A_310 = tpu.vector_load %arg6[%get3A_309] {strides = array<i32>} : memref<512xi32, #tpu.memory_space<vmem>>, vector<16xi32>,
    %get3A_311 = vector.shape_cast %get3A_310 : vector<16xi32> to vector<16xi32>
    %mul3A_312 = arith.constant 4 : i32
    %mul3A_313 = vector.broadcast %mul3A_312 : i32 to vector<16xi32>
    %mul3A_314 = arith.muli %get3A_311, %mul3A_313 : vector<16xi32>
    %get3A_315 = arith.constant 352 : index
    %get3A_316 = tpu.vector_load %arg7[%get3A_315] {strides = array<i32>} : memref<512xi32, #tpu.memory_space<vmem>>, vector<16xi32>,
    %get3A_317 = vector.shape_cast %get3A_316 : vector<16xi32> to vector<16xi32>
    %add3A_318 = arith.addi %mul3A_314, %get3A_317 : vector<16xi32>
    %swap3A_319 = arith.constant 352 : index
    %swap3A_320 = tpu.vector_load %arg8[%swap3A_319] {strides = array<i32>} : memref<512xi32, #tpu.memory_space<vmem>>, vector<16xi32>,
    %swap3A_321 = vector.shape_cast %swap3A_320 : vector<16xi32> to vector<16xi32>
    %swap3A_322 = vector.shape_cast %add3A_318 : vector<16xi32> to vector<16xi32>
    tpu.vector_store %arg8[%swap3A_319], %swap3A_322 {strides = array<i32>} : memref<512xi32, #tpu.memory_space<vmem>>, vector<16xi32>,
    %get3A_323 = arith.constant 368 : index
    %get3A_324 = tpu.vector_load %arg6[%get3A_323] {strides = array<i32>} : memref<512xi32, #tpu.memory_space<vmem>>, vector<16xi32>,
    %get3A_325 = vector.shape_cast %get3A_324 : vector<16xi32> to vector<16xi32>
    %mul3A_326 = arith.constant 4 : i32
    %mul3A_327 = vector.broadcast %mul3A_326 : i32 to vector<16xi32>
    %mul3A_328 = arith.muli %get3A_325, %mul3A_327 : vector<16xi32>
    %get3A_329 = arith.constant 368 : index
    %get3A_330 = tpu.vector_load %arg7[%get3A_329] {strides = array<i32>} : memref<512xi32, #tpu.memory_space<vmem>>, vector<16xi32>,
    %get3A_331 = vector.shape_cast %get3A_330 : vector<16xi32> to vector<16xi32>
    %add3A_332 = arith.addi %mul3A_328, %get3A_331 : vector<16xi32>
    %swap3A_333 = arith.constant 368 : index
    %swap3A_334 = tpu.vector_load %arg8[%swap3A_333] {strides = array<i32>} : memref<512xi32, #tpu.memory_space<vmem>>, vector<16xi32>,
    %swap3A_335 = vector.shape_cast %swap3A_334 : vector<16xi32> to vector<16xi32>
    %swap3A_336 = vector.shape_cast %add3A_332 : vector<16xi32> to vector<16xi32>
    tpu.vector_store %arg8[%swap3A_333], %swap3A_336 {strides = array<i32>} : memref<512xi32, #tpu.memory_space<vmem>>, vector<16xi32>,
    %get3A_337 = arith.constant 384 : index
    %get3A_338 = tpu.vector_load %arg6[%get3A_337] {strides = array<i32>} : memref<512xi32, #tpu.memory_space<vmem>>, vector<16xi32>,
    %get3A_339 = vector.shape_cast %get3A_338 : vector<16xi32> to vector<16xi32>
    %mul3A_340 = arith.constant 4 : i32
    %mul3A_341 = vector.broadcast %mul3A_340 : i32 to vector<16xi32>
    %mul3A_342 = arith.muli %get3A_339, %mul3A_341 : vector<16xi32>
    %get3A_343 = arith.constant 384 : index
    %get3A_344 = tpu.vector_load %arg7[%get3A_343] {strides = array<i32>} : memref<512xi32, #tpu.memory_space<vmem>>, vector<16xi32>,
    %get3A_345 = vector.shape_cast %get3A_344 : vector<16xi32> to vector<16xi32>
    %add3A_346 = arith.addi %mul3A_342, %get3A_345 : vector<16xi32>
    %swap3A_347 = arith.constant 384 : index
    %swap3A_348 = tpu.vector_load %arg8[%swap3A_347] {strides = array<i32>} : memref<512xi32, #tpu.memory_space<vmem>>, vector<16xi32>,
    %swap3A_349 = vector.shape_cast %swap3A_348 : vector<16xi32> to vector<16xi32>
    %swap3A_350 = vector.shape_cast %add3A_346 : vector<16xi32> to vector<16xi32>
    tpu.vector_store %arg8[%swap3A_347], %swap3A_350 {strides = array<i32>} : memref<512xi32, #tpu.memory_space<vmem>>, vector<16xi32>,
    %get3A_351 = arith.constant 400 : index
    %get3A_352 = tpu.vector_load %arg6[%get3A_351] {strides = array<i32>} : memref<512xi32, #tpu.memory_space<vmem>>, vector<16xi32>,
    %get3A_353 = vector.shape_cast %get3A_352 : vector<16xi32> to vector<16xi32>
    %mul3A_354 = arith.constant 4 : i32
    %mul3A_355 = vector.broadcast %mul3A_354 : i32 to vector<16xi32>
    %mul3A_356 = arith.muli %get3A_353, %mul3A_355 : vector<16xi32>
    %get3A_357 = arith.constant 400 : index
    %get3A_358 = tpu.vector_load %arg7[%get3A_357] {strides = array<i32>} : memref<512xi32, #tpu.memory_space<vmem>>, vector<16xi32>,
    %get3A_359 = vector.shape_cast %get3A_358 : vector<16xi32> to vector<16xi32>
    %add3A_360 = arith.addi %mul3A_356, %get3A_359 : vector<16xi32>
    %swap3A_361 = arith.constant 400 : index
    %swap3A_362 = tpu.vector_load %arg8[%swap3A_361] {strides = array<i32>} : memref<512xi32, #tpu.memory_space<vmem>>, vector<16xi32>,
    %swap3A_363 = vector.shape_cast %swap3A_362 : vector<16xi32> to vector<16xi32>
    %swap3A_364 = vector.shape_cast %add3A_360 : vector<16xi32> to vector<16xi32>
    tpu.vector_store %arg8[%swap3A_361], %swap3A_364 {strides = array<i32>} : memref<512xi32, #tpu.memory_space<vmem>>, vector<16xi32>,
    %get3A_365 = arith.constant 416 : index
    %get3A_366 = tpu.vector_load %arg6[%get3A_365] {strides = array<i32>} : memref<512xi32, #tpu.memory_space<vmem>>, vector<16xi32>,
    %get3A_367 = vector.shape_cast %get3A_366 : vector<16xi32> to vector<16xi32>
    %mul3A_368 = arith.constant 4 : i32
    %mul3A_369 = vector.broadcast %mul3A_368 : i32 to vector<16xi32>
    %mul3A_370 = arith.muli %get3A_367, %mul3A_369 : vector<16xi32>
    %get3A_371 = arith.constant 416 : index
    %get3A_372 = tpu.vector_load %arg7[%get3A_371] {strides = array<i32>} : memref<512xi32, #tpu.memory_space<vmem>>, vector<16xi32>,
    %get3A_373 = vector.shape_cast %get3A_372 : vector<16xi32> to vector<16xi32>
    %add3A_374 = arith.addi %mul3A_370, %get3A_373 : vector<16xi32>
    %swap3A_375 = arith.constant 416 : index
    %swap3A_376 = tpu.vector_load %arg8[%swap3A_375] {strides = array<i32>} : memref<512xi32, #tpu.memory_space<vmem>>, vector<16xi32>,
    %swap3A_377 = vector.shape_cast %swap3A_376 : vector<16xi32> to vector<16xi32>
    %swap3A_378 = vector.shape_cast %add3A_374 : vector<16xi32> to vector<16xi32>
    tpu.vector_store %arg8[%swap3A_375], %swap3A_378 {strides = array<i32>} : memref<512xi32, #tpu.memory_space<vmem>>, vector<16xi32>,
    %get3A_379 = arith.constant 432 : index
    %get3A_380 = tpu.vector_load %arg6[%get3A_379] {strides = array<i32>} : memref<512xi32, #tpu.memory_space<vmem>>, vector<16xi32>,
    %get3A_381 = vector.shape_cast %get3A_380 : vector<16xi32> to vector<16xi32>
    %mul3A_382 = arith.constant 4 : i32
    %mul3A_383 = vector.broadcast %mul3A_382 : i32 to vector<16xi32>
    %mul3A_384 = arith.muli %get3A_381, %mul3A_383 : vector<16xi32>
    %get3A_385 = arith.constant 432 : index
    %get3A_386 = tpu.vector_load %arg7[%get3A_385] {strides = array<i32>} : memref<512xi32, #tpu.memory_space<vmem>>, vector<16xi32>,
    %get3A_387 = vector.shape_cast %get3A_386 : vector<16xi32> to vector<16xi32>
    %add3A_388 = arith.addi %mul3A_384, %get3A_387 : vector<16xi32>
    %swap3A_389 = arith.constant 432 : index
    %swap3A_390 = tpu.vector_load %arg8[%swap3A_389] {strides = array<i32>} : memref<512xi32, #tpu.memory_space<vmem>>, vector<16xi32>,
    %swap3A_391 = vector.shape_cast %swap3A_390 : vector<16xi32> to vector<16xi32>
    %swap3A_392 = vector.shape_cast %add3A_388 : vector<16xi32> to vector<16xi32>
    tpu.vector_store %arg8[%swap3A_389], %swap3A_392 {strides = array<i32>} : memref<512xi32, #tpu.memory_space<vmem>>, vector<16xi32>,
    %get3A_393 = arith.constant 448 : index
    %get3A_394 = tpu.vector_load %arg6[%get3A_393] {strides = array<i32>} : memref<512xi32, #tpu.memory_space<vmem>>, vector<16xi32>,
    %get3A_395 = vector.shape_cast %get3A_394 : vector<16xi32> to vector<16xi32>
    %mul3A_396 = arith.constant 4 : i32
    %mul3A_397 = vector.broadcast %mul3A_396 : i32 to vector<16xi32>
    %mul3A_398 = arith.muli %get3A_395, %mul3A_397 : vector<16xi32>
    %get3A_399 = arith.constant 448 : index
    %get3A_400 = tpu.vector_load %arg7[%get3A_399] {strides = array<i32>} : memref<512xi32, #tpu.memory_space<vmem>>, vector<16xi32>,
    %get3A_401 = vector.shape_cast %get3A_400 : vector<16xi32> to vector<16xi32>
    %add3A_402 = arith.addi %mul3A_398, %get3A_401 : vector<16xi32>
    %swap3A_403 = arith.constant 448 : index
    %swap3A_404 = tpu.vector_load %arg8[%swap3A_403] {strides = array<i32>} : memref<512xi32, #tpu.memory_space<vmem>>, vector<16xi32>,
    %swap3A_405 = vector.shape_cast %swap3A_404 : vector<16xi32> to vector<16xi32>
    %swap3A_406 = vector.shape_cast %add3A_402 : vector<16xi32> to vector<16xi32>
    tpu.vector_store %arg8[%swap3A_403], %swap3A_406 {strides = array<i32>} : memref<512xi32, #tpu.memory_space<vmem>>, vector<16xi32>,
    %get3A_407 = arith.constant 464 : index
    %get3A_408 = tpu.vector_load %arg6[%get3A_407] {strides = array<i32>} : memref<512xi32, #tpu.memory_space<vmem>>, vector<16xi32>,
    %get3A_409 = vector.shape_cast %get3A_408 : vector<16xi32> to vector<16xi32>
    %mul3A_410 = arith.constant 4 : i32
    %mul3A_411 = vector.broadcast %mul3A_410 : i32 to vector<16xi32>
    %mul3A_412 = arith.muli %get3A_409, %mul3A_411 : vector<16xi32>
    %get3A_413 = arith.constant 464 : index
    %get3A_414 = tpu.vector_load %arg7[%get3A_413] {strides = array<i32>} : memref<512xi32, #tpu.memory_space<vmem>>, vector<16xi32>,
    %get3A_415 = vector.shape_cast %get3A_414 : vector<16xi32> to vector<16xi32>
    %add3A_416 = arith.addi %mul3A_412, %get3A_415 : vector<16xi32>
    %swap3A_417 = arith.constant 464 : index
    %swap3A_418 = tpu.vector_load %arg8[%swap3A_417] {strides = array<i32>} : memref<512xi32, #tpu.memory_space<vmem>>, vector<16xi32>,
    %swap3A_419 = vector.shape_cast %swap3A_418 : vector<16xi32> to vector<16xi32>
    %swap3A_420 = vector.shape_cast %add3A_416 : vector<16xi32> to vector<16xi32>
    tpu.vector_store %arg8[%swap3A_417], %swap3A_420 {strides = array<i32>} : memref<512xi32, #tpu.memory_space<vmem>>, vector<16xi32>,
    %get3A_421 = arith.constant 480 : index
    %get3A_422 = tpu.vector_load %arg6[%get3A_421] {strides = array<i32>} : memref<512xi32, #tpu.memory_space<vmem>>, vector<16xi32>,
    %get3A_423 = vector.shape_cast %get3A_422 : vector<16xi32> to vector<16xi32>
    %mul3A_424 = arith.constant 4 : i32
    %mul3A_425 = vector.broadcast %mul3A_424 : i32 to vector<16xi32>
    %mul3A_426 = arith.muli %get3A_423, %mul3A_425 : vector<16xi32>
    %get3A_427 = arith.constant 480 : index
    %get3A_428 = tpu.vector_load %arg7[%get3A_427] {strides = array<i32>} : memref<512xi32, #tpu.memory_space<vmem>>, vector<16xi32>,
    %get3A_429 = vector.shape_cast %get3A_428 : vector<16xi32> to vector<16xi32>
    %add3A_430 = arith.addi %mul3A_426, %get3A_429 : vector<16xi32>
    %swap3A_431 = arith.constant 480 : index
    %swap3A_432 = tpu.vector_load %arg8[%swap3A_431] {strides = array<i32>} : memref<512xi32, #tpu.memory_space<vmem>>, vector<16xi32>,
    %swap3A_433 = vector.shape_cast %swap3A_432 : vector<16xi32> to vector<16xi32>
    %swap3A_434 = vector.shape_cast %add3A_430 : vector<16xi32> to vector<16xi32>
    tpu.vector_store %arg8[%swap3A_431], %swap3A_434 {strides = array<i32>} : memref<512xi32, #tpu.memory_space<vmem>>, vector<16xi32>,
    %get3A_435 = arith.constant 496 : index
    %get3A_436 = tpu.vector_load %arg6[%get3A_435] {strides = array<i32>} : memref<512xi32, #tpu.memory_space<vmem>>, vector<16xi32>,
    %get3A_437 = vector.shape_cast %get3A_436 : vector<16xi32> to vector<16xi32>
    %mul3A_438 = arith.constant 4 : i32
    %mul3A_439 = vector.broadcast %mul3A_438 : i32 to vector<16xi32>
    %mul3A_440 = arith.muli %get3A_437, %mul3A_439 : vector<16xi32>
    %get3A_441 = arith.constant 496 : index
    %get3A_442 = tpu.vector_load %arg7[%get3A_441] {strides = array<i32>} : memref<512xi32, #tpu.memory_space<vmem>>, vector<16xi32>,
    %get3A_443 = vector.shape_cast %get3A_442 : vector<16xi32> to vector<16xi32>
    %add3A_444 = arith.addi %mul3A_440, %get3A_443 : vector<16xi32>
    %swap3A_445 = arith.constant 496 : index
    %swap3A_446 = tpu.vector_load %arg8[%swap3A_445] {strides = array<i32>} : memref<512xi32, #tpu.memory_space<vmem>>, vector<16xi32>,
    %swap3A_447 = vector.shape_cast %swap3A_446 : vector<16xi32> to vector<16xi32>
    %swap3A_448 = vector.shape_cast %add3A_444 : vector<16xi32> to vector<16xi32>
    tpu.vector_store %arg8[%swap3A_445], %swap3A_448 {strides = array<i32>} : memref<512xi32, #tpu.memory_space<vmem>>, vector<16xi32>,
    %dma_start3A = arith.constant 0 : i32
    %dma_start3A_449 = tpu.memref_slice %arg8[%dma_start3A] : memref<512xi32, #tpu.memory_space<vmem>> -> memref<128xi32, #tpu.memory_space<vmem>>
    %dma_start3A_450 = arith.constant 0 : i32
    %dma_start3A_451 = arith.constant 0 : i32
    %dma_start3A_452 = tpu.memref_slice %arg4[%dma_start3A_450, %dma_start3A_451] : memref<512x512xf32, #tpu.memory_space<hbm>> -> memref<512x512xf32, #tpu.memory_space<hbm>>
    tpu.enqueue_indirect_dma source(%dma_start3A_452 : memref<512x512xf32, #tpu.memory_space<hbm>>) target(%arg9 : memref<128x512xf32, #tpu.memory_space<vmem>>) offsets(%dma_start3A_449 : memref<128xi32, #tpu.memory_space<vmem>>) semaphore(%arg10 : memref<!tpu.dma_semaphore, #tpu.memory_space<semaphore_mem>>)
    %dma_wait3A = arith.constant 0 : i32
    %dma_wait3A_453 = tpu.memref_slice %arg8[%dma_wait3A] : memref<512xi32, #tpu.memory_space<vmem>> -> memref<128xi32, #tpu.memory_space<vmem>>
    %dma_wait3A_454 = arith.constant 0 : i32
    %dma_wait3A_455 = arith.constant 0 : i32
    %dma_wait3A_456 = tpu.memref_slice %arg4[%dma_wait3A_454, %dma_wait3A_455] : memref<512x512xf32, #tpu.memory_space<hbm>> -> memref<512x512xf32, #tpu.memory_space<hbm>>
    tpu.wait_indirect_dma semaphore(%arg10 : memref<!tpu.dma_semaphore, #tpu.memory_space<semaphore_mem>>) src(%dma_wait3A_456 : memref<512x512xf32, #tpu.memory_space<hbm>>) dst(%arg9 : memref<128x512xf32, #tpu.memory_space<vmem>>)
    %add3A_457 = arith.constant 0 : i32
    %add3A_458 = arith.addi %mul3A_2, %add3A_457 : i32
    "tpu.region"() ({
      %run_scoped3A = tpu.sem_alloc : memref<!tpu.dma_semaphore, #tpu.memory_space<semaphore_mem>>
      %dma_start3A_495 = arith.constant 0 : i32
      %dma_start3A_496 = tpu.memref_slice %arg5[%add3A_458, %dma_start3A_495] : memref<16384x512xf32, #tpu.memory_space<hbm>> -> memref<128x512xf32, #tpu.memory_space<hbm>>
      %dma_start3A_497 = arith.constant 0 : i32
      %dma_start3A_498 = tpu.memref_slice %arg5[%add3A_458, %dma_start3A_497] : memref<16384x512xf32, #tpu.memory_space<hbm>> -> memref<128x512xf32, #tpu.memory_space<hbm>>
      tpu.enqueue_dma source(%arg9 : memref<128x512xf32, #tpu.memory_space<vmem>>) target(%dma_start3A_498 : memref<128x512xf32, #tpu.memory_space<hbm>>) target_semaphore(%run_scoped3A : memref<!tpu.dma_semaphore, #tpu.memory_space<semaphore_mem>>)
      %dma_wait3A_499 = arith.constant 0 : i32
      %dma_wait3A_500 = tpu.memref_slice %arg5[%add3A_458, %dma_wait3A_499] : memref<16384x512xf32, #tpu.memory_space<hbm>> -> memref<128x512xf32, #tpu.memory_space<hbm>>
      %dma_wait3A_501 = arith.constant 0 : i32
      %dma_wait3A_502 = tpu.memref_slice %arg5[%add3A_458, %dma_wait3A_501] : memref<16384x512xf32, #tpu.memory_space<hbm>> -> memref<128x512xf32, #tpu.memory_space<hbm>>
      tpu.wait_dma2 semaphore(%run_scoped3A : memref<!tpu.dma_semaphore, #tpu.memory_space<semaphore_mem>>) src(%arg9 : memref<128x512xf32, #tpu.memory_space<vmem>>) dst(%dma_wait3A_502 : memref<128x512xf32, #tpu.memory_space<hbm>>)
      tpu.yield
    }) : () -> ()
    %dma_start3A_459 = arith.constant 128 : i32
    %dma_start3A_460 = tpu.memref_slice %arg8[%dma_start3A_459] : memref<512xi32, #tpu.memory_space<vmem>> -> memref<128xi32, #tpu.memory_space<vmem>>
    %dma_start3A_461 = arith.constant 0 : i32
    %dma_start3A_462 = arith.constant 0 : i32
    %dma_start3A_463 = tpu.memref_slice %arg4[%dma_start3A_461, %dma_start3A_462] : memref<512x512xf32, #tpu.memory_space<hbm>> -> memref<512x512xf32, #tpu.memory_space<hbm>>
    tpu.enqueue_indirect_dma source(%dma_start3A_463 : memref<512x512xf32, #tpu.memory_space<hbm>>) target(%arg9 : memref<128x512xf32, #tpu.memory_space<vmem>>) offsets(%dma_start3A_460 : memref<128xi32, #tpu.memory_space<vmem>>) semaphore(%arg10 : memref<!tpu.dma_semaphore, #tpu.memory_space<semaphore_mem>>)
    %dma_wait3A_464 = arith.constant 128 : i32
    %dma_wait3A_465 = tpu.memref_slice %arg8[%dma_wait3A_464] : memref<512xi32, #tpu.memory_space<vmem>> -> memref<128xi32, #tpu.memory_space<vmem>>
    %dma_wait3A_466 = arith.constant 0 : i32
    %dma_wait3A_467 = arith.constant 0 : i32
    %dma_wait3A_468 = tpu.memref_slice %arg4[%dma_wait3A_466, %dma_wait3A_467] : memref<512x512xf32, #tpu.memory_space<hbm>> -> memref<512x512xf32, #tpu.memory_space<hbm>>
    tpu.wait_indirect_dma semaphore(%arg10 : memref<!tpu.dma_semaphore, #tpu.memory_space<semaphore_mem>>) src(%dma_wait3A_468 : memref<512x512xf32, #tpu.memory_space<hbm>>) dst(%arg9 : memref<128x512xf32, #tpu.memory_space<vmem>>)
    %add3A_469 = arith.constant 128 : i32
    %add3A_470 = arith.addi %mul3A_2, %add3A_469 : i32
    "tpu.region"() ({
      %run_scoped3A = tpu.sem_alloc : memref<!tpu.dma_semaphore, #tpu.memory_space<semaphore_mem>>
      %dma_start3A_495 = arith.constant 0 : i32
      %dma_start3A_496 = tpu.memref_slice %arg5[%add3A_470, %dma_start3A_495] : memref<16384x512xf32, #tpu.memory_space<hbm>> -> memref<128x512xf32, #tpu.memory_space<hbm>>
      %dma_start3A_497 = arith.constant 0 : i32
      %dma_start3A_498 = tpu.memref_slice %arg5[%add3A_470, %dma_start3A_497] : memref<16384x512xf32, #tpu.memory_space<hbm>> -> memref<128x512xf32, #tpu.memory_space<hbm>>
      tpu.enqueue_dma source(%arg9 : memref<128x512xf32, #tpu.memory_space<vmem>>) target(%dma_start3A_498 : memref<128x512xf32, #tpu.memory_space<hbm>>) target_semaphore(%run_scoped3A : memref<!tpu.dma_semaphore, #tpu.memory_space<semaphore_mem>>)
      %dma_wait3A_499 = arith.constant 0 : i32
      %dma_wait3A_500 = tpu.memref_slice %arg5[%add3A_470, %dma_wait3A_499] : memref<16384x512xf32, #tpu.memory_space<hbm>> -> memref<128x512xf32, #tpu.memory_space<hbm>>
      %dma_wait3A_501 = arith.constant 0 : i32
      %dma_wait3A_502 = tpu.memref_slice %arg5[%add3A_470, %dma_wait3A_501] : memref<16384x512xf32, #tpu.memory_space<hbm>> -> memref<128x512xf32, #tpu.memory_space<hbm>>
      tpu.wait_dma2 semaphore(%run_scoped3A : memref<!tpu.dma_semaphore, #tpu.memory_space<semaphore_mem>>) src(%arg9 : memref<128x512xf32, #tpu.memory_space<vmem>>) dst(%dma_wait3A_502 : memref<128x512xf32, #tpu.memory_space<hbm>>)
      tpu.yield
    }) : () -> ()
    %dma_start3A_471 = arith.constant 256 : i32
    %dma_start3A_472 = tpu.memref_slice %arg8[%dma_start3A_471] : memref<512xi32, #tpu.memory_space<vmem>> -> memref<128xi32, #tpu.memory_space<vmem>>
    %dma_start3A_473 = arith.constant 0 : i32
    %dma_start3A_474 = arith.constant 0 : i32
    %dma_start3A_475 = tpu.memref_slice %arg4[%dma_start3A_473, %dma_start3A_474] : memref<512x512xf32, #tpu.memory_space<hbm>> -> memref<512x512xf32, #tpu.memory_space<hbm>>
    tpu.enqueue_indirect_dma source(%dma_start3A_475 : memref<512x512xf32, #tpu.memory_space<hbm>>) target(%arg9 : memref<128x512xf32, #tpu.memory_space<vmem>>) offsets(%dma_start3A_472 : memref<128xi32, #tpu.memory_space<vmem>>) semaphore(%arg10 : memref<!tpu.dma_semaphore, #tpu.memory_space<semaphore_mem>>)
    %dma_wait3A_476 = arith.constant 256 : i32
    %dma_wait3A_477 = tpu.memref_slice %arg8[%dma_wait3A_476] : memref<512xi32, #tpu.memory_space<vmem>> -> memref<128xi32, #tpu.memory_space<vmem>>
    %dma_wait3A_478 = arith.constant 0 : i32
    %dma_wait3A_479 = arith.constant 0 : i32
    %dma_wait3A_480 = tpu.memref_slice %arg4[%dma_wait3A_478, %dma_wait3A_479] : memref<512x512xf32, #tpu.memory_space<hbm>> -> memref<512x512xf32, #tpu.memory_space<hbm>>
    tpu.wait_indirect_dma semaphore(%arg10 : memref<!tpu.dma_semaphore, #tpu.memory_space<semaphore_mem>>) src(%dma_wait3A_480 : memref<512x512xf32, #tpu.memory_space<hbm>>) dst(%arg9 : memref<128x512xf32, #tpu.memory_space<vmem>>)
    %add3A_481 = arith.constant 256 : i32
    %add3A_482 = arith.addi %mul3A_2, %add3A_481 : i32
    "tpu.region"() ({
      %run_scoped3A = tpu.sem_alloc : memref<!tpu.dma_semaphore, #tpu.memory_space<semaphore_mem>>
      %dma_start3A_495 = arith.constant 0 : i32
      %dma_start3A_496 = tpu.memref_slice %arg5[%add3A_482, %dma_start3A_495] : memref<16384x512xf32, #tpu.memory_space<hbm>> -> memref<128x512xf32, #tpu.memory_space<hbm>>
      %dma_start3A_497 = arith.constant 0 : i32
      %dma_start3A_498 = tpu.memref_slice %arg5[%add3A_482, %dma_start3A_497] : memref<16384x512xf32, #tpu.memory_space<hbm>> -> memref<128x512xf32, #tpu.memory_space<hbm>>
      tpu.enqueue_dma source(%arg9 : memref<128x512xf32, #tpu.memory_space<vmem>>) target(%dma_start3A_498 : memref<128x512xf32, #tpu.memory_space<hbm>>) target_semaphore(%run_scoped3A : memref<!tpu.dma_semaphore, #tpu.memory_space<semaphore_mem>>)
      %dma_wait3A_499 = arith.constant 0 : i32
      %dma_wait3A_500 = tpu.memref_slice %arg5[%add3A_482, %dma_wait3A_499] : memref<16384x512xf32, #tpu.memory_space<hbm>> -> memref<128x512xf32, #tpu.memory_space<hbm>>
      %dma_wait3A_501 = arith.constant 0 : i32
      %dma_wait3A_502 = tpu.memref_slice %arg5[%add3A_482, %dma_wait3A_501] : memref<16384x512xf32, #tpu.memory_space<hbm>> -> memref<128x512xf32, #tpu.memory_space<hbm>>
      tpu.wait_dma2 semaphore(%run_scoped3A : memref<!tpu.dma_semaphore, #tpu.memory_space<semaphore_mem>>) src(%arg9 : memref<128x512xf32, #tpu.memory_space<vmem>>) dst(%dma_wait3A_502 : memref<128x512xf32, #tpu.memory_space<hbm>>)
      tpu.yield
    }) : () -> ()
    %dma_start3A_483 = arith.constant 384 : i32
    %dma_start3A_484 = tpu.memref_slice %arg8[%dma_start3A_483] : memref<512xi32, #tpu.memory_space<vmem>> -> memref<128xi32, #tpu.memory_space<vmem>>
    %dma_start3A_485 = arith.constant 0 : i32
    %dma_start3A_486 = arith.constant 0 : i32
    %dma_start3A_487 = tpu.memref_slice %arg4[%dma_start3A_485, %dma_start3A_486] : memref<512x512xf32, #tpu.memory_space<hbm>> -> memref<512x512xf32, #tpu.memory_space<hbm>>
    tpu.enqueue_indirect_dma source(%dma_start3A_487 : memref<512x512xf32, #tpu.memory_space<hbm>>) target(%arg9 : memref<128x512xf32, #tpu.memory_space<vmem>>) offsets(%dma_start3A_484 : memref<128xi32, #tpu.memory_space<vmem>>) semaphore(%arg10 : memref<!tpu.dma_semaphore, #tpu.memory_space<semaphore_mem>>)
    %dma_wait3A_488 = arith.constant 384 : i32
    %dma_wait3A_489 = tpu.memref_slice %arg8[%dma_wait3A_488] : memref<512xi32, #tpu.memory_space<vmem>> -> memref<128xi32, #tpu.memory_space<vmem>>
    %dma_wait3A_490 = arith.constant 0 : i32
    %dma_wait3A_491 = arith.constant 0 : i32
    %dma_wait3A_492 = tpu.memref_slice %arg4[%dma_wait3A_490, %dma_wait3A_491] : memref<512x512xf32, #tpu.memory_space<hbm>> -> memref<512x512xf32, #tpu.memory_space<hbm>>
    tpu.wait_indirect_dma semaphore(%arg10 : memref<!tpu.dma_semaphore, #tpu.memory_space<semaphore_mem>>) src(%dma_wait3A_492 : memref<512x512xf32, #tpu.memory_space<hbm>>) dst(%arg9 : memref<128x512xf32, #tpu.memory_space<vmem>>)
    %add3A_493 = arith.constant 384 : i32
    %add3A_494 = arith.addi %mul3A_2, %add3A_493 : i32
    "tpu.region"() ({
      %run_scoped3A = tpu.sem_alloc : memref<!tpu.dma_semaphore, #tpu.memory_space<semaphore_mem>>
      %dma_start3A_495 = arith.constant 0 : i32
      %dma_start3A_496 = tpu.memref_slice %arg5[%add3A_494, %dma_start3A_495] : memref<16384x512xf32, #tpu.memory_space<hbm>> -> memref<128x512xf32, #tpu.memory_space<hbm>>
      %dma_start3A_497 = arith.constant 0 : i32
      %dma_start3A_498 = tpu.memref_slice %arg5[%add3A_494, %dma_start3A_497] : memref<16384x512xf32, #tpu.memory_space<hbm>> -> memref<128x512xf32, #tpu.memory_space<hbm>>
      tpu.enqueue_dma source(%arg9 : memref<128x512xf32, #tpu.memory_space<vmem>>) target(%dma_start3A_498 : memref<128x512xf32, #tpu.memory_space<hbm>>) target_semaphore(%run_scoped3A : memref<!tpu.dma_semaphore, #tpu.memory_space<semaphore_mem>>)
      %dma_wait3A_499 = arith.constant 0 : i32
      %dma_wait3A_500 = tpu.memref_slice %arg5[%add3A_494, %dma_wait3A_499] : memref<16384x512xf32, #tpu.memory_space<hbm>> -> memref<128x512xf32, #tpu.memory_space<hbm>>
      %dma_wait3A_501 = arith.constant 0 : i32
      %dma_wait3A_502 = tpu.memref_slice %arg5[%add3A_494, %dma_wait3A_501] : memref<16384x512xf32, #tpu.memory_space<hbm>> -> memref<128x512xf32, #tpu.memory_space<hbm>>
      tpu.wait_dma2 semaphore(%run_scoped3A : memref<!tpu.dma_semaphore, #tpu.memory_space<semaphore_mem>>) src(%arg9 : memref<128x512xf32, #tpu.memory_space<vmem>>) dst(%dma_wait3A_502 : memref<128x512xf32, #tpu.memory_space<hbm>>)
      tpu.yield
    }) : () -> ()
    return
  }
}

module attributes {stable_mosaic.version = 14 : i64} {
  func.func @_tc_body(%arg0: i32, %arg1: memref<1x1x256xi32, #tpu.memory_space<vmem>>, %arg2: memref<128x128xi32, #tpu.memory_space<vmem>>, %arg3: memref<2x128x128xi32, #tpu.memory_space<vmem>>, %arg4: memref<2048x128xbf16, #tpu.memory_space<vmem>>, %arg5: memref<16x128xf32, #tpu.memory_space<vmem>>, %arg6: memref<2x16x128x128xf32, #tpu.memory_space<vmem>>) attributes {dimension_semantics = [#tpu.dimension_semantics<arbitrary>], iteration_bounds = array<i64: 64>, scalar_prefetch = 0 : i64, scratch_operands = 0 : i64, tpu.core_type = #tpu.core_type<tc>, window_params = [{transform_indices = @transform_0, window_bounds = array<i64: 1, 1, 256>}, {pipeline_mode = #tpu.pipeline_mode<synchronous>, transform_indices = @transform_1, window_bounds = array<i64: 128, 128>}, {transform_indices = @transform_2, window_bounds = array<i64: 2, 128, 128>}, {pipeline_mode = #tpu.pipeline_mode<synchronous>, transform_indices = @transform_3, window_bounds = array<i64: 2048, 128>}, {pipeline_mode = #tpu.pipeline_mode<synchronous>, transform_indices = @transform_4, window_bounds = array<i64: 16, 128>}, {transform_indices = @transform_5, window_bounds = array<i64: 2, 16, 128, 128>}]} {
    %iota3A = tpu.iota {dimensions = array<i32: 1>} : vector<128x128xi32>
    %get3A = arith.constant 0 : index
    %get3A_0 = arith.constant 0 : index
    %get3A_1 = arith.constant 0 : index
    %get3A_2 = vector.load %arg1[%get3A, %get3A_0, %get3A_1] : memref<1x1x256xi32, #tpu.memory_space<vmem>>, vector<1x1x256xi32>
    %get3A_3 = vector.shape_cast %get3A_2 : vector<1x1x256xi32> to vector<1x256xi32>
    %iota3A_4 = tpu.iota {dimensions = array<i32: 0>} : vector<128x256xi32>
    %eq3A = vector.broadcast %get3A_3 : vector<1x256xi32> to vector<128x256xi32>
    %eq3A_5 = arith.cmpi eq, %iota3A_4, %eq3A : vector<128x256xi32>
    %convert_element_type3A = arith.extui %eq3A_5 : vector<128x256xi1> to vector<128x256xi32>
    %convert_element_type3A_6 = arith.sitofp %convert_element_type3A : vector<128x256xi32> to vector<128x256xf32>
    %convert_element_type3A_7 = arith.truncf %convert_element_type3A_6 : vector<128x256xf32> to vector<128x256xbf16>
    %get3A_8 = arith.constant 0 : index
    %get3A_9 = arith.constant 0 : index
    %get3A_10 = vector.load %arg4[%get3A_8, %get3A_9] : memref<2048x128xbf16, #tpu.memory_space<vmem>>, vector<2048x128xbf16>
    %dot_general3A = arith.constant dense<0.000000e+00> : vector<2048x256xf32>
    %dot_general3A_11 = tpu.matmul %get3A_10, %convert_element_type3A_7, %dot_general3A {dimension_numbers = #tpu.dot_dimension_numbers<[1], [0], [0], [1], [0, 0, 1, 1], [], []>, transpose_lhs_hint = false} : vector<2048x128xbf16>, vector<128x256xbf16>, vector<2048x256xf32> -> vector<2048x256xf32>
    %reshape3A = vector.shape_cast %dot_general3A_11 : vector<2048x256xf32> to vector<16x128x256xf32>
    %convert_element_type3A_12 = arith.truncf %reshape3A : vector<16x128x256xf32> to vector<16x128x256xbf16>
    %iota3A_13 = tpu.iota {dimensions = array<i32: 1>} : vector<16x128xi32>
    %eq3A_14 = arith.constant 0 : i32
    %eq3A_15 = vector.broadcast %eq3A_14 : i32 to vector<16x128xi32>
    %eq3A_16 = arith.cmpi eq, %iota3A_13, %eq3A_15 : vector<16x128xi32>
    %get3A_17 = arith.constant 0 : index
    %get3A_18 = arith.constant 0 : index
    %get3A_19 = vector.load %arg5[%get3A_17, %get3A_18] : memref<16x128xf32, #tpu.memory_space<vmem>>, vector<16x128xf32>
    %jit3A = arith.constant 0.000000e+00 : f32
    %broadcast_in_dim3A = vector.broadcast %jit3A : f32 to vector<16x128xf32>
    %select_n3A = arith.select %eq3A_16, %broadcast_in_dim3A, %get3A_19 : vector<16x128xi1>, vector<16x128xf32>
    %slice3A = vector.extract_strided_slice %convert_element_type3A_12 {offsets = [0, 0, 0], sizes = [1, 128, 256], strides = [1, 1, 1]} : vector<16x128x256xbf16> to vector<1x128x256xbf16>
    %squeeze3A = vector.shape_cast %slice3A : vector<1x128x256xbf16> to vector<128x256xbf16>
    %slice3A_20 = vector.extract_strided_slice %squeeze3A {offsets = [0, 0], sizes = [128, 128], strides = [1, 1]} : vector<128x256xbf16> to vector<128x128xbf16>
    %slice3A_21 = vector.extract_strided_slice %convert_element_type3A_12 {offsets = [1, 0, 0], sizes = [1, 128, 256], strides = [1, 1, 1]} : vector<16x128x256xbf16> to vector<1x128x256xbf16>
    %squeeze3A_22 = vector.shape_cast %slice3A_21 : vector<1x128x256xbf16> to vector<128x256xbf16>
    %slice3A_23 = vector.extract_strided_slice %squeeze3A_22 {offsets = [0, 0], sizes = [128, 128], strides = [1, 1]} : vector<128x256xbf16> to vector<128x128xbf16>
    %slice3A_24 = vector.extract_strided_slice %convert_element_type3A_12 {offsets = [2, 0, 0], sizes = [1, 128, 256], strides = [1, 1, 1]} : vector<16x128x256xbf16> to vector<1x128x256xbf16>
    %squeeze3A_25 = vector.shape_cast %slice3A_24 : vector<1x128x256xbf16> to vector<128x256xbf16>
    %slice3A_26 = vector.extract_strided_slice %squeeze3A_25 {offsets = [0, 0], sizes = [128, 128], strides = [1, 1]} : vector<128x256xbf16> to vector<128x128xbf16>
    %slice3A_27 = vector.extract_strided_slice %convert_element_type3A_12 {offsets = [3, 0, 0], sizes = [1, 128, 256], strides = [1, 1, 1]} : vector<16x128x256xbf16> to vector<1x128x256xbf16>
    %squeeze3A_28 = vector.shape_cast %slice3A_27 : vector<1x128x256xbf16> to vector<128x256xbf16>
    %slice3A_29 = vector.extract_strided_slice %squeeze3A_28 {offsets = [0, 0], sizes = [128, 128], strides = [1, 1]} : vector<128x256xbf16> to vector<128x128xbf16>
    %slice3A_30 = vector.extract_strided_slice %convert_element_type3A_12 {offsets = [4, 0, 0], sizes = [1, 128, 256], strides = [1, 1, 1]} : vector<16x128x256xbf16> to vector<1x128x256xbf16>
    %squeeze3A_31 = vector.shape_cast %slice3A_30 : vector<1x128x256xbf16> to vector<128x256xbf16>
    %slice3A_32 = vector.extract_strided_slice %squeeze3A_31 {offsets = [0, 0], sizes = [128, 128], strides = [1, 1]} : vector<128x256xbf16> to vector<128x128xbf16>
    %slice3A_33 = vector.extract_strided_slice %convert_element_type3A_12 {offsets = [5, 0, 0], sizes = [1, 128, 256], strides = [1, 1, 1]} : vector<16x128x256xbf16> to vector<1x128x256xbf16>
    %squeeze3A_34 = vector.shape_cast %slice3A_33 : vector<1x128x256xbf16> to vector<128x256xbf16>
    %slice3A_35 = vector.extract_strided_slice %squeeze3A_34 {offsets = [0, 0], sizes = [128, 128], strides = [1, 1]} : vector<128x256xbf16> to vector<128x128xbf16>
    %slice3A_36 = vector.extract_strided_slice %convert_element_type3A_12 {offsets = [6, 0, 0], sizes = [1, 128, 256], strides = [1, 1, 1]} : vector<16x128x256xbf16> to vector<1x128x256xbf16>
    %squeeze3A_37 = vector.shape_cast %slice3A_36 : vector<1x128x256xbf16> to vector<128x256xbf16>
    %slice3A_38 = vector.extract_strided_slice %squeeze3A_37 {offsets = [0, 0], sizes = [128, 128], strides = [1, 1]} : vector<128x256xbf16> to vector<128x128xbf16>
    %slice3A_39 = vector.extract_strided_slice %convert_element_type3A_12 {offsets = [7, 0, 0], sizes = [1, 128, 256], strides = [1, 1, 1]} : vector<16x128x256xbf16> to vector<1x128x256xbf16>
    %squeeze3A_40 = vector.shape_cast %slice3A_39 : vector<1x128x256xbf16> to vector<128x256xbf16>
    %slice3A_41 = vector.extract_strided_slice %squeeze3A_40 {offsets = [0, 0], sizes = [128, 128], strides = [1, 1]} : vector<128x256xbf16> to vector<128x128xbf16>
    %slice3A_42 = vector.extract_strided_slice %convert_element_type3A_12 {offsets = [8, 0, 0], sizes = [1, 128, 256], strides = [1, 1, 1]} : vector<16x128x256xbf16> to vector<1x128x256xbf16>
    %squeeze3A_43 = vector.shape_cast %slice3A_42 : vector<1x128x256xbf16> to vector<128x256xbf16>
    %slice3A_44 = vector.extract_strided_slice %squeeze3A_43 {offsets = [0, 0], sizes = [128, 128], strides = [1, 1]} : vector<128x256xbf16> to vector<128x128xbf16>
    %slice3A_45 = vector.extract_strided_slice %convert_element_type3A_12 {offsets = [9, 0, 0], sizes = [1, 128, 256], strides = [1, 1, 1]} : vector<16x128x256xbf16> to vector<1x128x256xbf16>
    %squeeze3A_46 = vector.shape_cast %slice3A_45 : vector<1x128x256xbf16> to vector<128x256xbf16>
    %slice3A_47 = vector.extract_strided_slice %squeeze3A_46 {offsets = [0, 0], sizes = [128, 128], strides = [1, 1]} : vector<128x256xbf16> to vector<128x128xbf16>
    %slice3A_48 = vector.extract_strided_slice %convert_element_type3A_12 {offsets = [10, 0, 0], sizes = [1, 128, 256], strides = [1, 1, 1]} : vector<16x128x256xbf16> to vector<1x128x256xbf16>
    %squeeze3A_49 = vector.shape_cast %slice3A_48 : vector<1x128x256xbf16> to vector<128x256xbf16>
    %slice3A_50 = vector.extract_strided_slice %squeeze3A_49 {offsets = [0, 0], sizes = [128, 128], strides = [1, 1]} : vector<128x256xbf16> to vector<128x128xbf16>
    %slice3A_51 = vector.extract_strided_slice %convert_element_type3A_12 {offsets = [11, 0, 0], sizes = [1, 128, 256], strides = [1, 1, 1]} : vector<16x128x256xbf16> to vector<1x128x256xbf16>
    %squeeze3A_52 = vector.shape_cast %slice3A_51 : vector<1x128x256xbf16> to vector<128x256xbf16>
    %slice3A_53 = vector.extract_strided_slice %squeeze3A_52 {offsets = [0, 0], sizes = [128, 128], strides = [1, 1]} : vector<128x256xbf16> to vector<128x128xbf16>
    %slice3A_54 = vector.extract_strided_slice %convert_element_type3A_12 {offsets = [12, 0, 0], sizes = [1, 128, 256], strides = [1, 1, 1]} : vector<16x128x256xbf16> to vector<1x128x256xbf16>
    %squeeze3A_55 = vector.shape_cast %slice3A_54 : vector<1x128x256xbf16> to vector<128x256xbf16>
    %slice3A_56 = vector.extract_strided_slice %squeeze3A_55 {offsets = [0, 0], sizes = [128, 128], strides = [1, 1]} : vector<128x256xbf16> to vector<128x128xbf16>
    %slice3A_57 = vector.extract_strided_slice %convert_element_type3A_12 {offsets = [13, 0, 0], sizes = [1, 128, 256], strides = [1, 1, 1]} : vector<16x128x256xbf16> to vector<1x128x256xbf16>
    %squeeze3A_58 = vector.shape_cast %slice3A_57 : vector<1x128x256xbf16> to vector<128x256xbf16>
    %slice3A_59 = vector.extract_strided_slice %squeeze3A_58 {offsets = [0, 0], sizes = [128, 128], strides = [1, 1]} : vector<128x256xbf16> to vector<128x128xbf16>
    %slice3A_60 = vector.extract_strided_slice %convert_element_type3A_12 {offsets = [14, 0, 0], sizes = [1, 128, 256], strides = [1, 1, 1]} : vector<16x128x256xbf16> to vector<1x128x256xbf16>
    %squeeze3A_61 = vector.shape_cast %slice3A_60 : vector<1x128x256xbf16> to vector<128x256xbf16>
    %slice3A_62 = vector.extract_strided_slice %squeeze3A_61 {offsets = [0, 0], sizes = [128, 128], strides = [1, 1]} : vector<128x256xbf16> to vector<128x128xbf16>
    %slice3A_63 = vector.extract_strided_slice %convert_element_type3A_12 {offsets = [15, 0, 0], sizes = [1, 128, 256], strides = [1, 1, 1]} : vector<16x128x256xbf16> to vector<1x128x256xbf16>
    %squeeze3A_64 = vector.shape_cast %slice3A_63 : vector<1x128x256xbf16> to vector<128x256xbf16>
    %slice3A_65 = vector.extract_strided_slice %squeeze3A_64 {offsets = [0, 0], sizes = [128, 128], strides = [1, 1]} : vector<128x256xbf16> to vector<128x128xbf16>
    %concatenate3A = tpu.concatenate %slice3A_20, %slice3A_23, %slice3A_26, %slice3A_29, %slice3A_32, %slice3A_35, %slice3A_38, %slice3A_41, %slice3A_44, %slice3A_47, %slice3A_50, %slice3A_53, %slice3A_56, %slice3A_59, %slice3A_62, %slice3A_65 in 1 : vector<128x128xbf16>, vector<128x128xbf16>, vector<128x128xbf16>, vector<128x128xbf16>, vector<128x128xbf16>, vector<128x128xbf16>, vector<128x128xbf16>, vector<128x128xbf16>, vector<128x128xbf16>, vector<128x128xbf16>, vector<128x128xbf16>, vector<128x128xbf16>, vector<128x128xbf16>, vector<128x128xbf16>, vector<128x128xbf16>, vector<128x128xbf16> -> vector<128x2048xbf16>
    %mul3A = arith.constant 2 : i32
    %mul3A_66 = arith.muli %mul3A, %arg0 : i32
    %add3A = arith.constant 0 : i32
    %add3A_67 = arith.addi %mul3A_66, %add3A : i32
    %broadcast_in_dim3A_68 = vector.broadcast %add3A_67 : i32 to vector<128x128xi32>
    %get3A_69 = arith.constant 0 : index
    %get3A_70 = arith.constant 0 : index
    %get3A_71 = vector.load %arg2[%get3A_69, %get3A_70] : memref<128x128xi32, #tpu.memory_space<vmem>>, vector<128x128xi32>
    %reshape3A_72 = vector.shape_cast %broadcast_in_dim3A_68 : vector<128x128xi32> to vector<128x128x1xi32>
    %gather3A = vector.shape_cast %reshape3A_72 : vector<128x128x1xi32> to vector<128x128xi32>
    %gather3A_73 = tpu.dynamic_gather %get3A_71[%gather3A] in [1] : vector<128x128xi32>, vector<128x128xi32> -> vector<128x128xi32>
    %eq3A_74 = arith.cmpi eq, %iota3A, %gather3A_73 : vector<128x128xi32>
    %convert_element_type3A_75 = arith.extui %eq3A_74 : vector<128x128xi1> to vector<128x128xi32>
    %convert_element_type3A_76 = arith.sitofp %convert_element_type3A_75 : vector<128x128xi32> to vector<128x128xf32>
    %convert_element_type3A_77 = arith.truncf %convert_element_type3A_76 : vector<128x128xf32> to vector<128x128xbf16>
    %dot_general3A_78 = arith.constant dense<0.000000e+00> : vector<128x2048xf32>
    %dot_general3A_79 = tpu.matmul %convert_element_type3A_77, %concatenate3A, %dot_general3A_78 {dimension_numbers = #tpu.dot_dimension_numbers<[1], [0], [0], [1], [0, 0, 1, 1], [], []>, transpose_lhs_hint = false} : vector<128x128xbf16>, vector<128x2048xbf16>, vector<128x2048xf32> -> vector<128x2048xf32>
    %get3A_80 = arith.constant 0 : index
    %get3A_81 = arith.constant 0 : index
    %get3A_82 = arith.constant 0 : index
    %get3A_83 = vector.load %arg3[%get3A_80, %get3A_81, %get3A_82] : memref<2x128x128xi32, #tpu.memory_space<vmem>>, vector<1x128x128xi32>
    %get3A_84 = vector.shape_cast %get3A_83 : vector<1x128x128xi32> to vector<128x128xi32>
    %slice3A_85 = vector.extract_strided_slice %get3A_3 {offsets = [0, 0], sizes = [1, 128], strides = [1, 1]} : vector<1x256xi32> to vector<1x128xi32>
    %eq3A_86 = arith.constant 0 : i32
    %eq3A_87 = vector.broadcast %eq3A_86 : i32 to vector<1x128xi32>
    %eq3A_88 = arith.cmpi eq, %slice3A_85, %eq3A_87 : vector<1x128xi32>
    %slice3A_89 = vector.extract_strided_slice %select_n3A {offsets = [0, 0], sizes = [1, 128], strides = [1, 1]} : vector<16x128xf32> to vector<1x128xf32>
    %squeeze3A_90 = vector.shape_cast %slice3A_89 : vector<1x128xf32> to vector<128xf32>
    %reshape3A_91 = vector.shape_cast %squeeze3A_90 : vector<128xf32> to vector<1x128xf32>
    %broadcast_in_dim3A_92 = vector.shape_cast %reshape3A_91 : vector<1x128xf32> to vector<1x128xf32>
    %broadcast_in_dim3A_93 = vector.broadcast %broadcast_in_dim3A_92 : vector<1x128xf32> to vector<128x128xf32>
    %reshape3A_94 = vector.shape_cast %get3A_84 : vector<128x128xi32> to vector<128x128x1xi32>
    %gather3A_95 = vector.shape_cast %reshape3A_94 : vector<128x128x1xi32> to vector<128x128xi32>
    %gather3A_96 = tpu.dynamic_gather %broadcast_in_dim3A_93[%gather3A_95] in [1] : vector<128x128xf32>, vector<128x128xi32> -> vector<128x128xf32>
    %slice3A_97 = vector.extract_strided_slice %dot_general3A_79 {offsets = [0, 0], sizes = [128, 128], strides = [1, 1]} : vector<128x2048xf32> to vector<128x128xf32>
    %add3A_98 = arith.addf %slice3A_97, %gather3A_96 : vector<128x128xf32>
    %jit3A_99 = arith.constant 0xFF800000 : f32
    %broadcast_in_dim3A_100 = vector.shape_cast %eq3A_88 : vector<1x128xi1> to vector<1x128xi1>
    %broadcast_in_dim3A_101 = vector.broadcast %broadcast_in_dim3A_100 : vector<1x128xi1> to vector<128x128xi1>
    %broadcast_in_dim3A_102 = vector.broadcast %jit3A_99 : f32 to vector<128x128xf32>
    %select_n3A_103 = arith.select %broadcast_in_dim3A_101, %broadcast_in_dim3A_102, %add3A_98 : vector<128x128xi1>, vector<128x128xf32>
    %swap3A = arith.constant 0 : index
    %swap3A_104 = arith.constant 0 : index
    %swap3A_105 = arith.constant 0 : index
    %swap3A_106 = arith.constant 0 : index
    %swap3A_107 = vector.load %arg6[%swap3A, %swap3A_104, %swap3A_105, %swap3A_106] : memref<2x16x128x128xf32, #tpu.memory_space<vmem>>, vector<1x1x128x128xf32>
    %swap3A_108 = vector.shape_cast %swap3A_107 : vector<1x1x128x128xf32> to vector<128x128xf32>
    %swap3A_109 = vector.shape_cast %select_n3A_103 : vector<128x128xf32> to vector<1x1x128x128xf32>
    tpu.vector_store %arg6[%swap3A, %swap3A_104, %swap3A_105, %swap3A_106], %swap3A_109 {strides = array<i32>} : memref<2x16x128x128xf32, #tpu.memory_space<vmem>>, vector<1x1x128x128xf32>,
    %slice3A_110 = vector.extract_strided_slice %select_n3A {offsets = [1, 0], sizes = [1, 128], strides = [1, 1]} : vector<16x128xf32> to vector<1x128xf32>
    %squeeze3A_111 = vector.shape_cast %slice3A_110 : vector<1x128xf32> to vector<128xf32>
    %reshape3A_112 = vector.shape_cast %squeeze3A_111 : vector<128xf32> to vector<1x128xf32>
    %broadcast_in_dim3A_113 = vector.shape_cast %reshape3A_112 : vector<1x128xf32> to vector<1x128xf32>
    %broadcast_in_dim3A_114 = vector.broadcast %broadcast_in_dim3A_113 : vector<1x128xf32> to vector<128x128xf32>
    %reshape3A_115 = vector.shape_cast %get3A_84 : vector<128x128xi32> to vector<128x128x1xi32>
    %gather3A_116 = vector.shape_cast %reshape3A_115 : vector<128x128x1xi32> to vector<128x128xi32>
    %gather3A_117 = tpu.dynamic_gather %broadcast_in_dim3A_114[%gather3A_116] in [1] : vector<128x128xf32>, vector<128x128xi32> -> vector<128x128xf32>
    %slice3A_118 = vector.extract_strided_slice %dot_general3A_79 {offsets = [0, 128], sizes = [128, 128], strides = [1, 1]} : vector<128x2048xf32> to vector<128x128xf32>
    %add3A_119 = arith.addf %slice3A_118, %gather3A_117 : vector<128x128xf32>
    %jit3A_120 = arith.constant 0xFF800000 : f32
    %broadcast_in_dim3A_121 = vector.shape_cast %eq3A_88 : vector<1x128xi1> to vector<1x128xi1>
    %broadcast_in_dim3A_122 = vector.broadcast %broadcast_in_dim3A_121 : vector<1x128xi1> to vector<128x128xi1>
    %broadcast_in_dim3A_123 = vector.broadcast %jit3A_120 : f32 to vector<128x128xf32>
    %select_n3A_124 = arith.select %broadcast_in_dim3A_122, %broadcast_in_dim3A_123, %add3A_119 : vector<128x128xi1>, vector<128x128xf32>
    %swap3A_125 = arith.constant 0 : index
    %swap3A_126 = arith.constant 1 : index
    %swap3A_127 = arith.constant 0 : index
    %swap3A_128 = arith.constant 0 : index
    %swap3A_129 = vector.load %arg6[%swap3A_125, %swap3A_126, %swap3A_127, %swap3A_128] : memref<2x16x128x128xf32, #tpu.memory_space<vmem>>, vector<1x1x128x128xf32>
    %swap3A_130 = vector.shape_cast %swap3A_129 : vector<1x1x128x128xf32> to vector<128x128xf32>
    %swap3A_131 = vector.shape_cast %select_n3A_124 : vector<128x128xf32> to vector<1x1x128x128xf32>
    tpu.vector_store %arg6[%swap3A_125, %swap3A_126, %swap3A_127, %swap3A_128], %swap3A_131 {strides = array<i32>} : memref<2x16x128x128xf32, #tpu.memory_space<vmem>>, vector<1x1x128x128xf32>,
    %slice3A_132 = vector.extract_strided_slice %select_n3A {offsets = [2, 0], sizes = [1, 128], strides = [1, 1]} : vector<16x128xf32> to vector<1x128xf32>
    %squeeze3A_133 = vector.shape_cast %slice3A_132 : vector<1x128xf32> to vector<128xf32>
    %reshape3A_134 = vector.shape_cast %squeeze3A_133 : vector<128xf32> to vector<1x128xf32>
    %broadcast_in_dim3A_135 = vector.shape_cast %reshape3A_134 : vector<1x128xf32> to vector<1x128xf32>
    %broadcast_in_dim3A_136 = vector.broadcast %broadcast_in_dim3A_135 : vector<1x128xf32> to vector<128x128xf32>
    %reshape3A_137 = vector.shape_cast %get3A_84 : vector<128x128xi32> to vector<128x128x1xi32>
    %gather3A_138 = vector.shape_cast %reshape3A_137 : vector<128x128x1xi32> to vector<128x128xi32>
    %gather3A_139 = tpu.dynamic_gather %broadcast_in_dim3A_136[%gather3A_138] in [1] : vector<128x128xf32>, vector<128x128xi32> -> vector<128x128xf32>
    %slice3A_140 = vector.extract_strided_slice %dot_general3A_79 {offsets = [0, 256], sizes = [128, 128], strides = [1, 1]} : vector<128x2048xf32> to vector<128x128xf32>
    %add3A_141 = arith.addf %slice3A_140, %gather3A_139 : vector<128x128xf32>
    %jit3A_142 = arith.constant 0xFF800000 : f32
    %broadcast_in_dim3A_143 = vector.shape_cast %eq3A_88 : vector<1x128xi1> to vector<1x128xi1>
    %broadcast_in_dim3A_144 = vector.broadcast %broadcast_in_dim3A_143 : vector<1x128xi1> to vector<128x128xi1>
    %broadcast_in_dim3A_145 = vector.broadcast %jit3A_142 : f32 to vector<128x128xf32>
    %select_n3A_146 = arith.select %broadcast_in_dim3A_144, %broadcast_in_dim3A_145, %add3A_141 : vector<128x128xi1>, vector<128x128xf32>
    %swap3A_147 = arith.constant 0 : index
    %swap3A_148 = arith.constant 2 : index
    %swap3A_149 = arith.constant 0 : index
    %swap3A_150 = arith.constant 0 : index
    %swap3A_151 = vector.load %arg6[%swap3A_147, %swap3A_148, %swap3A_149, %swap3A_150] : memref<2x16x128x128xf32, #tpu.memory_space<vmem>>, vector<1x1x128x128xf32>
    %swap3A_152 = vector.shape_cast %swap3A_151 : vector<1x1x128x128xf32> to vector<128x128xf32>
    %swap3A_153 = vector.shape_cast %select_n3A_146 : vector<128x128xf32> to vector<1x1x128x128xf32>
    tpu.vector_store %arg6[%swap3A_147, %swap3A_148, %swap3A_149, %swap3A_150], %swap3A_153 {strides = array<i32>} : memref<2x16x128x128xf32, #tpu.memory_space<vmem>>, vector<1x1x128x128xf32>,
    %slice3A_154 = vector.extract_strided_slice %select_n3A {offsets = [3, 0], sizes = [1, 128], strides = [1, 1]} : vector<16x128xf32> to vector<1x128xf32>
    %squeeze3A_155 = vector.shape_cast %slice3A_154 : vector<1x128xf32> to vector<128xf32>
    %reshape3A_156 = vector.shape_cast %squeeze3A_155 : vector<128xf32> to vector<1x128xf32>
    %broadcast_in_dim3A_157 = vector.shape_cast %reshape3A_156 : vector<1x128xf32> to vector<1x128xf32>
    %broadcast_in_dim3A_158 = vector.broadcast %broadcast_in_dim3A_157 : vector<1x128xf32> to vector<128x128xf32>
    %reshape3A_159 = vector.shape_cast %get3A_84 : vector<128x128xi32> to vector<128x128x1xi32>
    %gather3A_160 = vector.shape_cast %reshape3A_159 : vector<128x128x1xi32> to vector<128x128xi32>
    %gather3A_161 = tpu.dynamic_gather %broadcast_in_dim3A_158[%gather3A_160] in [1] : vector<128x128xf32>, vector<128x128xi32> -> vector<128x128xf32>
    %slice3A_162 = vector.extract_strided_slice %dot_general3A_79 {offsets = [0, 384], sizes = [128, 128], strides = [1, 1]} : vector<128x2048xf32> to vector<128x128xf32>
    %add3A_163 = arith.addf %slice3A_162, %gather3A_161 : vector<128x128xf32>
    %jit3A_164 = arith.constant 0xFF800000 : f32
    %broadcast_in_dim3A_165 = vector.shape_cast %eq3A_88 : vector<1x128xi1> to vector<1x128xi1>
    %broadcast_in_dim3A_166 = vector.broadcast %broadcast_in_dim3A_165 : vector<1x128xi1> to vector<128x128xi1>
    %broadcast_in_dim3A_167 = vector.broadcast %jit3A_164 : f32 to vector<128x128xf32>
    %select_n3A_168 = arith.select %broadcast_in_dim3A_166, %broadcast_in_dim3A_167, %add3A_163 : vector<128x128xi1>, vector<128x128xf32>
    %swap3A_169 = arith.constant 0 : index
    %swap3A_170 = arith.constant 3 : index
    %swap3A_171 = arith.constant 0 : index
    %swap3A_172 = arith.constant 0 : index
    %swap3A_173 = vector.load %arg6[%swap3A_169, %swap3A_170, %swap3A_171, %swap3A_172] : memref<2x16x128x128xf32, #tpu.memory_space<vmem>>, vector<1x1x128x128xf32>
    %swap3A_174 = vector.shape_cast %swap3A_173 : vector<1x1x128x128xf32> to vector<128x128xf32>
    %swap3A_175 = vector.shape_cast %select_n3A_168 : vector<128x128xf32> to vector<1x1x128x128xf32>
    tpu.vector_store %arg6[%swap3A_169, %swap3A_170, %swap3A_171, %swap3A_172], %swap3A_175 {strides = array<i32>} : memref<2x16x128x128xf32, #tpu.memory_space<vmem>>, vector<1x1x128x128xf32>,
    %slice3A_176 = vector.extract_strided_slice %select_n3A {offsets = [4, 0], sizes = [1, 128], strides = [1, 1]} : vector<16x128xf32> to vector<1x128xf32>
    %squeeze3A_177 = vector.shape_cast %slice3A_176 : vector<1x128xf32> to vector<128xf32>
    %reshape3A_178 = vector.shape_cast %squeeze3A_177 : vector<128xf32> to vector<1x128xf32>
    %broadcast_in_dim3A_179 = vector.shape_cast %reshape3A_178 : vector<1x128xf32> to vector<1x128xf32>
    %broadcast_in_dim3A_180 = vector.broadcast %broadcast_in_dim3A_179 : vector<1x128xf32> to vector<128x128xf32>
    %reshape3A_181 = vector.shape_cast %get3A_84 : vector<128x128xi32> to vector<128x128x1xi32>
    %gather3A_182 = vector.shape_cast %reshape3A_181 : vector<128x128x1xi32> to vector<128x128xi32>
    %gather3A_183 = tpu.dynamic_gather %broadcast_in_dim3A_180[%gather3A_182] in [1] : vector<128x128xf32>, vector<128x128xi32> -> vector<128x128xf32>
    %slice3A_184 = vector.extract_strided_slice %dot_general3A_79 {offsets = [0, 512], sizes = [128, 128], strides = [1, 1]} : vector<128x2048xf32> to vector<128x128xf32>
    %add3A_185 = arith.addf %slice3A_184, %gather3A_183 : vector<128x128xf32>
    %jit3A_186 = arith.constant 0xFF800000 : f32
    %broadcast_in_dim3A_187 = vector.shape_cast %eq3A_88 : vector<1x128xi1> to vector<1x128xi1>
    %broadcast_in_dim3A_188 = vector.broadcast %broadcast_in_dim3A_187 : vector<1x128xi1> to vector<128x128xi1>
    %broadcast_in_dim3A_189 = vector.broadcast %jit3A_186 : f32 to vector<128x128xf32>
    %select_n3A_190 = arith.select %broadcast_in_dim3A_188, %broadcast_in_dim3A_189, %add3A_185 : vector<128x128xi1>, vector<128x128xf32>
    %swap3A_191 = arith.constant 0 : index
    %swap3A_192 = arith.constant 4 : index
    %swap3A_193 = arith.constant 0 : index
    %swap3A_194 = arith.constant 0 : index
    %swap3A_195 = vector.load %arg6[%swap3A_191, %swap3A_192, %swap3A_193, %swap3A_194] : memref<2x16x128x128xf32, #tpu.memory_space<vmem>>, vector<1x1x128x128xf32>
    %swap3A_196 = vector.shape_cast %swap3A_195 : vector<1x1x128x128xf32> to vector<128x128xf32>
    %swap3A_197 = vector.shape_cast %select_n3A_190 : vector<128x128xf32> to vector<1x1x128x128xf32>
    tpu.vector_store %arg6[%swap3A_191, %swap3A_192, %swap3A_193, %swap3A_194], %swap3A_197 {strides = array<i32>} : memref<2x16x128x128xf32, #tpu.memory_space<vmem>>, vector<1x1x128x128xf32>,
    %slice3A_198 = vector.extract_strided_slice %select_n3A {offsets = [5, 0], sizes = [1, 128], strides = [1, 1]} : vector<16x128xf32> to vector<1x128xf32>
    %squeeze3A_199 = vector.shape_cast %slice3A_198 : vector<1x128xf32> to vector<128xf32>
    %reshape3A_200 = vector.shape_cast %squeeze3A_199 : vector<128xf32> to vector<1x128xf32>
    %broadcast_in_dim3A_201 = vector.shape_cast %reshape3A_200 : vector<1x128xf32> to vector<1x128xf32>
    %broadcast_in_dim3A_202 = vector.broadcast %broadcast_in_dim3A_201 : vector<1x128xf32> to vector<128x128xf32>
    %reshape3A_203 = vector.shape_cast %get3A_84 : vector<128x128xi32> to vector<128x128x1xi32>
    %gather3A_204 = vector.shape_cast %reshape3A_203 : vector<128x128x1xi32> to vector<128x128xi32>
    %gather3A_205 = tpu.dynamic_gather %broadcast_in_dim3A_202[%gather3A_204] in [1] : vector<128x128xf32>, vector<128x128xi32> -> vector<128x128xf32>
    %slice3A_206 = vector.extract_strided_slice %dot_general3A_79 {offsets = [0, 640], sizes = [128, 128], strides = [1, 1]} : vector<128x2048xf32> to vector<128x128xf32>
    %add3A_207 = arith.addf %slice3A_206, %gather3A_205 : vector<128x128xf32>
    %jit3A_208 = arith.constant 0xFF800000 : f32
    %broadcast_in_dim3A_209 = vector.shape_cast %eq3A_88 : vector<1x128xi1> to vector<1x128xi1>
    %broadcast_in_dim3A_210 = vector.broadcast %broadcast_in_dim3A_209 : vector<1x128xi1> to vector<128x128xi1>
    %broadcast_in_dim3A_211 = vector.broadcast %jit3A_208 : f32 to vector<128x128xf32>
    %select_n3A_212 = arith.select %broadcast_in_dim3A_210, %broadcast_in_dim3A_211, %add3A_207 : vector<128x128xi1>, vector<128x128xf32>
    %swap3A_213 = arith.constant 0 : index
    %swap3A_214 = arith.constant 5 : index
    %swap3A_215 = arith.constant 0 : index
    %swap3A_216 = arith.constant 0 : index
    %swap3A_217 = vector.load %arg6[%swap3A_213, %swap3A_214, %swap3A_215, %swap3A_216] : memref<2x16x128x128xf32, #tpu.memory_space<vmem>>, vector<1x1x128x128xf32>
    %swap3A_218 = vector.shape_cast %swap3A_217 : vector<1x1x128x128xf32> to vector<128x128xf32>
    %swap3A_219 = vector.shape_cast %select_n3A_212 : vector<128x128xf32> to vector<1x1x128x128xf32>
    tpu.vector_store %arg6[%swap3A_213, %swap3A_214, %swap3A_215, %swap3A_216], %swap3A_219 {strides = array<i32>} : memref<2x16x128x128xf32, #tpu.memory_space<vmem>>, vector<1x1x128x128xf32>,
    %slice3A_220 = vector.extract_strided_slice %select_n3A {offsets = [6, 0], sizes = [1, 128], strides = [1, 1]} : vector<16x128xf32> to vector<1x128xf32>
    %squeeze3A_221 = vector.shape_cast %slice3A_220 : vector<1x128xf32> to vector<128xf32>
    %reshape3A_222 = vector.shape_cast %squeeze3A_221 : vector<128xf32> to vector<1x128xf32>
    %broadcast_in_dim3A_223 = vector.shape_cast %reshape3A_222 : vector<1x128xf32> to vector<1x128xf32>
    %broadcast_in_dim3A_224 = vector.broadcast %broadcast_in_dim3A_223 : vector<1x128xf32> to vector<128x128xf32>
    %reshape3A_225 = vector.shape_cast %get3A_84 : vector<128x128xi32> to vector<128x128x1xi32>
    %gather3A_226 = vector.shape_cast %reshape3A_225 : vector<128x128x1xi32> to vector<128x128xi32>
    %gather3A_227 = tpu.dynamic_gather %broadcast_in_dim3A_224[%gather3A_226] in [1] : vector<128x128xf32>, vector<128x128xi32> -> vector<128x128xf32>
    %slice3A_228 = vector.extract_strided_slice %dot_general3A_79 {offsets = [0, 768], sizes = [128, 128], strides = [1, 1]} : vector<128x2048xf32> to vector<128x128xf32>
    %add3A_229 = arith.addf %slice3A_228, %gather3A_227 : vector<128x128xf32>
    %jit3A_230 = arith.constant 0xFF800000 : f32
    %broadcast_in_dim3A_231 = vector.shape_cast %eq3A_88 : vector<1x128xi1> to vector<1x128xi1>
    %broadcast_in_dim3A_232 = vector.broadcast %broadcast_in_dim3A_231 : vector<1x128xi1> to vector<128x128xi1>
    %broadcast_in_dim3A_233 = vector.broadcast %jit3A_230 : f32 to vector<128x128xf32>
    %select_n3A_234 = arith.select %broadcast_in_dim3A_232, %broadcast_in_dim3A_233, %add3A_229 : vector<128x128xi1>, vector<128x128xf32>
    %swap3A_235 = arith.constant 0 : index
    %swap3A_236 = arith.constant 6 : index
    %swap3A_237 = arith.constant 0 : index
    %swap3A_238 = arith.constant 0 : index
    %swap3A_239 = vector.load %arg6[%swap3A_235, %swap3A_236, %swap3A_237, %swap3A_238] : memref<2x16x128x128xf32, #tpu.memory_space<vmem>>, vector<1x1x128x128xf32>
    %swap3A_240 = vector.shape_cast %swap3A_239 : vector<1x1x128x128xf32> to vector<128x128xf32>
    %swap3A_241 = vector.shape_cast %select_n3A_234 : vector<128x128xf32> to vector<1x1x128x128xf32>
    tpu.vector_store %arg6[%swap3A_235, %swap3A_236, %swap3A_237, %swap3A_238], %swap3A_241 {strides = array<i32>} : memref<2x16x128x128xf32, #tpu.memory_space<vmem>>, vector<1x1x128x128xf32>,
    %slice3A_242 = vector.extract_strided_slice %select_n3A {offsets = [7, 0], sizes = [1, 128], strides = [1, 1]} : vector<16x128xf32> to vector<1x128xf32>
    %squeeze3A_243 = vector.shape_cast %slice3A_242 : vector<1x128xf32> to vector<128xf32>
    %reshape3A_244 = vector.shape_cast %squeeze3A_243 : vector<128xf32> to vector<1x128xf32>
    %broadcast_in_dim3A_245 = vector.shape_cast %reshape3A_244 : vector<1x128xf32> to vector<1x128xf32>
    %broadcast_in_dim3A_246 = vector.broadcast %broadcast_in_dim3A_245 : vector<1x128xf32> to vector<128x128xf32>
    %reshape3A_247 = vector.shape_cast %get3A_84 : vector<128x128xi32> to vector<128x128x1xi32>
    %gather3A_248 = vector.shape_cast %reshape3A_247 : vector<128x128x1xi32> to vector<128x128xi32>
    %gather3A_249 = tpu.dynamic_gather %broadcast_in_dim3A_246[%gather3A_248] in [1] : vector<128x128xf32>, vector<128x128xi32> -> vector<128x128xf32>
    %slice3A_250 = vector.extract_strided_slice %dot_general3A_79 {offsets = [0, 896], sizes = [128, 128], strides = [1, 1]} : vector<128x2048xf32> to vector<128x128xf32>
    %add3A_251 = arith.addf %slice3A_250, %gather3A_249 : vector<128x128xf32>
    %jit3A_252 = arith.constant 0xFF800000 : f32
    %broadcast_in_dim3A_253 = vector.shape_cast %eq3A_88 : vector<1x128xi1> to vector<1x128xi1>
    %broadcast_in_dim3A_254 = vector.broadcast %broadcast_in_dim3A_253 : vector<1x128xi1> to vector<128x128xi1>
    %broadcast_in_dim3A_255 = vector.broadcast %jit3A_252 : f32 to vector<128x128xf32>
    %select_n3A_256 = arith.select %broadcast_in_dim3A_254, %broadcast_in_dim3A_255, %add3A_251 : vector<128x128xi1>, vector<128x128xf32>
    %swap3A_257 = arith.constant 0 : index
    %swap3A_258 = arith.constant 7 : index
    %swap3A_259 = arith.constant 0 : index
    %swap3A_260 = arith.constant 0 : index
    %swap3A_261 = vector.load %arg6[%swap3A_257, %swap3A_258, %swap3A_259, %swap3A_260] : memref<2x16x128x128xf32, #tpu.memory_space<vmem>>, vector<1x1x128x128xf32>
    %swap3A_262 = vector.shape_cast %swap3A_261 : vector<1x1x128x128xf32> to vector<128x128xf32>
    %swap3A_263 = vector.shape_cast %select_n3A_256 : vector<128x128xf32> to vector<1x1x128x128xf32>
    tpu.vector_store %arg6[%swap3A_257, %swap3A_258, %swap3A_259, %swap3A_260], %swap3A_263 {strides = array<i32>} : memref<2x16x128x128xf32, #tpu.memory_space<vmem>>, vector<1x1x128x128xf32>,
    %slice3A_264 = vector.extract_strided_slice %select_n3A {offsets = [8, 0], sizes = [1, 128], strides = [1, 1]} : vector<16x128xf32> to vector<1x128xf32>
    %squeeze3A_265 = vector.shape_cast %slice3A_264 : vector<1x128xf32> to vector<128xf32>
    %reshape3A_266 = vector.shape_cast %squeeze3A_265 : vector<128xf32> to vector<1x128xf32>
    %broadcast_in_dim3A_267 = vector.shape_cast %reshape3A_266 : vector<1x128xf32> to vector<1x128xf32>
    %broadcast_in_dim3A_268 = vector.broadcast %broadcast_in_dim3A_267 : vector<1x128xf32> to vector<128x128xf32>
    %reshape3A_269 = vector.shape_cast %get3A_84 : vector<128x128xi32> to vector<128x128x1xi32>
    %gather3A_270 = vector.shape_cast %reshape3A_269 : vector<128x128x1xi32> to vector<128x128xi32>
    %gather3A_271 = tpu.dynamic_gather %broadcast_in_dim3A_268[%gather3A_270] in [1] : vector<128x128xf32>, vector<128x128xi32> -> vector<128x128xf32>
    %slice3A_272 = vector.extract_strided_slice %dot_general3A_79 {offsets = [0, 1024], sizes = [128, 128], strides = [1, 1]} : vector<128x2048xf32> to vector<128x128xf32>
    %add3A_273 = arith.addf %slice3A_272, %gather3A_271 : vector<128x128xf32>
    %jit3A_274 = arith.constant 0xFF800000 : f32
    %broadcast_in_dim3A_275 = vector.shape_cast %eq3A_88 : vector<1x128xi1> to vector<1x128xi1>
    %broadcast_in_dim3A_276 = vector.broadcast %broadcast_in_dim3A_275 : vector<1x128xi1> to vector<128x128xi1>
    %broadcast_in_dim3A_277 = vector.broadcast %jit3A_274 : f32 to vector<128x128xf32>
    %select_n3A_278 = arith.select %broadcast_in_dim3A_276, %broadcast_in_dim3A_277, %add3A_273 : vector<128x128xi1>, vector<128x128xf32>
    %swap3A_279 = arith.constant 0 : index
    %swap3A_280 = arith.constant 8 : index
    %swap3A_281 = arith.constant 0 : index
    %swap3A_282 = arith.constant 0 : index
    %swap3A_283 = vector.load %arg6[%swap3A_279, %swap3A_280, %swap3A_281, %swap3A_282] : memref<2x16x128x128xf32, #tpu.memory_space<vmem>>, vector<1x1x128x128xf32>
    %swap3A_284 = vector.shape_cast %swap3A_283 : vector<1x1x128x128xf32> to vector<128x128xf32>
    %swap3A_285 = vector.shape_cast %select_n3A_278 : vector<128x128xf32> to vector<1x1x128x128xf32>
    tpu.vector_store %arg6[%swap3A_279, %swap3A_280, %swap3A_281, %swap3A_282], %swap3A_285 {strides = array<i32>} : memref<2x16x128x128xf32, #tpu.memory_space<vmem>>, vector<1x1x128x128xf32>,
    %slice3A_286 = vector.extract_strided_slice %select_n3A {offsets = [9, 0], sizes = [1, 128], strides = [1, 1]} : vector<16x128xf32> to vector<1x128xf32>
    %squeeze3A_287 = vector.shape_cast %slice3A_286 : vector<1x128xf32> to vector<128xf32>
    %reshape3A_288 = vector.shape_cast %squeeze3A_287 : vector<128xf32> to vector<1x128xf32>
    %broadcast_in_dim3A_289 = vector.shape_cast %reshape3A_288 : vector<1x128xf32> to vector<1x128xf32>
    %broadcast_in_dim3A_290 = vector.broadcast %broadcast_in_dim3A_289 : vector<1x128xf32> to vector<128x128xf32>
    %reshape3A_291 = vector.shape_cast %get3A_84 : vector<128x128xi32> to vector<128x128x1xi32>
    %gather3A_292 = vector.shape_cast %reshape3A_291 : vector<128x128x1xi32> to vector<128x128xi32>
    %gather3A_293 = tpu.dynamic_gather %broadcast_in_dim3A_290[%gather3A_292] in [1] : vector<128x128xf32>, vector<128x128xi32> -> vector<128x128xf32>
    %slice3A_294 = vector.extract_strided_slice %dot_general3A_79 {offsets = [0, 1152], sizes = [128, 128], strides = [1, 1]} : vector<128x2048xf32> to vector<128x128xf32>
    %add3A_295 = arith.addf %slice3A_294, %gather3A_293 : vector<128x128xf32>
    %jit3A_296 = arith.constant 0xFF800000 : f32
    %broadcast_in_dim3A_297 = vector.shape_cast %eq3A_88 : vector<1x128xi1> to vector<1x128xi1>
    %broadcast_in_dim3A_298 = vector.broadcast %broadcast_in_dim3A_297 : vector<1x128xi1> to vector<128x128xi1>
    %broadcast_in_dim3A_299 = vector.broadcast %jit3A_296 : f32 to vector<128x128xf32>
    %select_n3A_300 = arith.select %broadcast_in_dim3A_298, %broadcast_in_dim3A_299, %add3A_295 : vector<128x128xi1>, vector<128x128xf32>
    %swap3A_301 = arith.constant 0 : index
    %swap3A_302 = arith.constant 9 : index
    %swap3A_303 = arith.constant 0 : index
    %swap3A_304 = arith.constant 0 : index
    %swap3A_305 = vector.load %arg6[%swap3A_301, %swap3A_302, %swap3A_303, %swap3A_304] : memref<2x16x128x128xf32, #tpu.memory_space<vmem>>, vector<1x1x128x128xf32>
    %swap3A_306 = vector.shape_cast %swap3A_305 : vector<1x1x128x128xf32> to vector<128x128xf32>
    %swap3A_307 = vector.shape_cast %select_n3A_300 : vector<128x128xf32> to vector<1x1x128x128xf32>
    tpu.vector_store %arg6[%swap3A_301, %swap3A_302, %swap3A_303, %swap3A_304], %swap3A_307 {strides = array<i32>} : memref<2x16x128x128xf32, #tpu.memory_space<vmem>>, vector<1x1x128x128xf32>,
    %slice3A_308 = vector.extract_strided_slice %select_n3A {offsets = [10, 0], sizes = [1, 128], strides = [1, 1]} : vector<16x128xf32> to vector<1x128xf32>
    %squeeze3A_309 = vector.shape_cast %slice3A_308 : vector<1x128xf32> to vector<128xf32>
    %reshape3A_310 = vector.shape_cast %squeeze3A_309 : vector<128xf32> to vector<1x128xf32>
    %broadcast_in_dim3A_311 = vector.shape_cast %reshape3A_310 : vector<1x128xf32> to vector<1x128xf32>
    %broadcast_in_dim3A_312 = vector.broadcast %broadcast_in_dim3A_311 : vector<1x128xf32> to vector<128x128xf32>
    %reshape3A_313 = vector.shape_cast %get3A_84 : vector<128x128xi32> to vector<128x128x1xi32>
    %gather3A_314 = vector.shape_cast %reshape3A_313 : vector<128x128x1xi32> to vector<128x128xi32>
    %gather3A_315 = tpu.dynamic_gather %broadcast_in_dim3A_312[%gather3A_314] in [1] : vector<128x128xf32>, vector<128x128xi32> -> vector<128x128xf32>
    %slice3A_316 = vector.extract_strided_slice %dot_general3A_79 {offsets = [0, 1280], sizes = [128, 128], strides = [1, 1]} : vector<128x2048xf32> to vector<128x128xf32>
    %add3A_317 = arith.addf %slice3A_316, %gather3A_315 : vector<128x128xf32>
    %jit3A_318 = arith.constant 0xFF800000 : f32
    %broadcast_in_dim3A_319 = vector.shape_cast %eq3A_88 : vector<1x128xi1> to vector<1x128xi1>
    %broadcast_in_dim3A_320 = vector.broadcast %broadcast_in_dim3A_319 : vector<1x128xi1> to vector<128x128xi1>
    %broadcast_in_dim3A_321 = vector.broadcast %jit3A_318 : f32 to vector<128x128xf32>
    %select_n3A_322 = arith.select %broadcast_in_dim3A_320, %broadcast_in_dim3A_321, %add3A_317 : vector<128x128xi1>, vector<128x128xf32>
    %swap3A_323 = arith.constant 0 : index
    %swap3A_324 = arith.constant 10 : index
    %swap3A_325 = arith.constant 0 : index
    %swap3A_326 = arith.constant 0 : index
    %swap3A_327 = vector.load %arg6[%swap3A_323, %swap3A_324, %swap3A_325, %swap3A_326] : memref<2x16x128x128xf32, #tpu.memory_space<vmem>>, vector<1x1x128x128xf32>
    %swap3A_328 = vector.shape_cast %swap3A_327 : vector<1x1x128x128xf32> to vector<128x128xf32>
    %swap3A_329 = vector.shape_cast %select_n3A_322 : vector<128x128xf32> to vector<1x1x128x128xf32>
    tpu.vector_store %arg6[%swap3A_323, %swap3A_324, %swap3A_325, %swap3A_326], %swap3A_329 {strides = array<i32>} : memref<2x16x128x128xf32, #tpu.memory_space<vmem>>, vector<1x1x128x128xf32>,
    %slice3A_330 = vector.extract_strided_slice %select_n3A {offsets = [11, 0], sizes = [1, 128], strides = [1, 1]} : vector<16x128xf32> to vector<1x128xf32>
    %squeeze3A_331 = vector.shape_cast %slice3A_330 : vector<1x128xf32> to vector<128xf32>
    %reshape3A_332 = vector.shape_cast %squeeze3A_331 : vector<128xf32> to vector<1x128xf32>
    %broadcast_in_dim3A_333 = vector.shape_cast %reshape3A_332 : vector<1x128xf32> to vector<1x128xf32>
    %broadcast_in_dim3A_334 = vector.broadcast %broadcast_in_dim3A_333 : vector<1x128xf32> to vector<128x128xf32>
    %reshape3A_335 = vector.shape_cast %get3A_84 : vector<128x128xi32> to vector<128x128x1xi32>
    %gather3A_336 = vector.shape_cast %reshape3A_335 : vector<128x128x1xi32> to vector<128x128xi32>
    %gather3A_337 = tpu.dynamic_gather %broadcast_in_dim3A_334[%gather3A_336] in [1] : vector<128x128xf32>, vector<128x128xi32> -> vector<128x128xf32>
    %slice3A_338 = vector.extract_strided_slice %dot_general3A_79 {offsets = [0, 1408], sizes = [128, 128], strides = [1, 1]} : vector<128x2048xf32> to vector<128x128xf32>
    %add3A_339 = arith.addf %slice3A_338, %gather3A_337 : vector<128x128xf32>
    %jit3A_340 = arith.constant 0xFF800000 : f32
    %broadcast_in_dim3A_341 = vector.shape_cast %eq3A_88 : vector<1x128xi1> to vector<1x128xi1>
    %broadcast_in_dim3A_342 = vector.broadcast %broadcast_in_dim3A_341 : vector<1x128xi1> to vector<128x128xi1>
    %broadcast_in_dim3A_343 = vector.broadcast %jit3A_340 : f32 to vector<128x128xf32>
    %select_n3A_344 = arith.select %broadcast_in_dim3A_342, %broadcast_in_dim3A_343, %add3A_339 : vector<128x128xi1>, vector<128x128xf32>
    %swap3A_345 = arith.constant 0 : index
    %swap3A_346 = arith.constant 11 : index
    %swap3A_347 = arith.constant 0 : index
    %swap3A_348 = arith.constant 0 : index
    %swap3A_349 = vector.load %arg6[%swap3A_345, %swap3A_346, %swap3A_347, %swap3A_348] : memref<2x16x128x128xf32, #tpu.memory_space<vmem>>, vector<1x1x128x128xf32>
    %swap3A_350 = vector.shape_cast %swap3A_349 : vector<1x1x128x128xf32> to vector<128x128xf32>
    %swap3A_351 = vector.shape_cast %select_n3A_344 : vector<128x128xf32> to vector<1x1x128x128xf32>
    tpu.vector_store %arg6[%swap3A_345, %swap3A_346, %swap3A_347, %swap3A_348], %swap3A_351 {strides = array<i32>} : memref<2x16x128x128xf32, #tpu.memory_space<vmem>>, vector<1x1x128x128xf32>,
    %slice3A_352 = vector.extract_strided_slice %select_n3A {offsets = [12, 0], sizes = [1, 128], strides = [1, 1]} : vector<16x128xf32> to vector<1x128xf32>
    %squeeze3A_353 = vector.shape_cast %slice3A_352 : vector<1x128xf32> to vector<128xf32>
    %reshape3A_354 = vector.shape_cast %squeeze3A_353 : vector<128xf32> to vector<1x128xf32>
    %broadcast_in_dim3A_355 = vector.shape_cast %reshape3A_354 : vector<1x128xf32> to vector<1x128xf32>
    %broadcast_in_dim3A_356 = vector.broadcast %broadcast_in_dim3A_355 : vector<1x128xf32> to vector<128x128xf32>
    %reshape3A_357 = vector.shape_cast %get3A_84 : vector<128x128xi32> to vector<128x128x1xi32>
    %gather3A_358 = vector.shape_cast %reshape3A_357 : vector<128x128x1xi32> to vector<128x128xi32>
    %gather3A_359 = tpu.dynamic_gather %broadcast_in_dim3A_356[%gather3A_358] in [1] : vector<128x128xf32>, vector<128x128xi32> -> vector<128x128xf32>
    %slice3A_360 = vector.extract_strided_slice %dot_general3A_79 {offsets = [0, 1536], sizes = [128, 128], strides = [1, 1]} : vector<128x2048xf32> to vector<128x128xf32>
    %add3A_361 = arith.addf %slice3A_360, %gather3A_359 : vector<128x128xf32>
    %jit3A_362 = arith.constant 0xFF800000 : f32
    %broadcast_in_dim3A_363 = vector.shape_cast %eq3A_88 : vector<1x128xi1> to vector<1x128xi1>
    %broadcast_in_dim3A_364 = vector.broadcast %broadcast_in_dim3A_363 : vector<1x128xi1> to vector<128x128xi1>
    %broadcast_in_dim3A_365 = vector.broadcast %jit3A_362 : f32 to vector<128x128xf32>
    %select_n3A_366 = arith.select %broadcast_in_dim3A_364, %broadcast_in_dim3A_365, %add3A_361 : vector<128x128xi1>, vector<128x128xf32>
    %swap3A_367 = arith.constant 0 : index
    %swap3A_368 = arith.constant 12 : index
    %swap3A_369 = arith.constant 0 : index
    %swap3A_370 = arith.constant 0 : index
    %swap3A_371 = vector.load %arg6[%swap3A_367, %swap3A_368, %swap3A_369, %swap3A_370] : memref<2x16x128x128xf32, #tpu.memory_space<vmem>>, vector<1x1x128x128xf32>
    %swap3A_372 = vector.shape_cast %swap3A_371 : vector<1x1x128x128xf32> to vector<128x128xf32>
    %swap3A_373 = vector.shape_cast %select_n3A_366 : vector<128x128xf32> to vector<1x1x128x128xf32>
    tpu.vector_store %arg6[%swap3A_367, %swap3A_368, %swap3A_369, %swap3A_370], %swap3A_373 {strides = array<i32>} : memref<2x16x128x128xf32, #tpu.memory_space<vmem>>, vector<1x1x128x128xf32>,
    %slice3A_374 = vector.extract_strided_slice %select_n3A {offsets = [13, 0], sizes = [1, 128], strides = [1, 1]} : vector<16x128xf32> to vector<1x128xf32>
    %squeeze3A_375 = vector.shape_cast %slice3A_374 : vector<1x128xf32> to vector<128xf32>
    %reshape3A_376 = vector.shape_cast %squeeze3A_375 : vector<128xf32> to vector<1x128xf32>
    %broadcast_in_dim3A_377 = vector.shape_cast %reshape3A_376 : vector<1x128xf32> to vector<1x128xf32>
    %broadcast_in_dim3A_378 = vector.broadcast %broadcast_in_dim3A_377 : vector<1x128xf32> to vector<128x128xf32>
    %reshape3A_379 = vector.shape_cast %get3A_84 : vector<128x128xi32> to vector<128x128x1xi32>
    %gather3A_380 = vector.shape_cast %reshape3A_379 : vector<128x128x1xi32> to vector<128x128xi32>
    %gather3A_381 = tpu.dynamic_gather %broadcast_in_dim3A_378[%gather3A_380] in [1] : vector<128x128xf32>, vector<128x128xi32> -> vector<128x128xf32>
    %slice3A_382 = vector.extract_strided_slice %dot_general3A_79 {offsets = [0, 1664], sizes = [128, 128], strides = [1, 1]} : vector<128x2048xf32> to vector<128x128xf32>
    %add3A_383 = arith.addf %slice3A_382, %gather3A_381 : vector<128x128xf32>
    %jit3A_384 = arith.constant 0xFF800000 : f32
    %broadcast_in_dim3A_385 = vector.shape_cast %eq3A_88 : vector<1x128xi1> to vector<1x128xi1>
    %broadcast_in_dim3A_386 = vector.broadcast %broadcast_in_dim3A_385 : vector<1x128xi1> to vector<128x128xi1>
    %broadcast_in_dim3A_387 = vector.broadcast %jit3A_384 : f32 to vector<128x128xf32>
    %select_n3A_388 = arith.select %broadcast_in_dim3A_386, %broadcast_in_dim3A_387, %add3A_383 : vector<128x128xi1>, vector<128x128xf32>
    %swap3A_389 = arith.constant 0 : index
    %swap3A_390 = arith.constant 13 : index
    %swap3A_391 = arith.constant 0 : index
    %swap3A_392 = arith.constant 0 : index
    %swap3A_393 = vector.load %arg6[%swap3A_389, %swap3A_390, %swap3A_391, %swap3A_392] : memref<2x16x128x128xf32, #tpu.memory_space<vmem>>, vector<1x1x128x128xf32>
    %swap3A_394 = vector.shape_cast %swap3A_393 : vector<1x1x128x128xf32> to vector<128x128xf32>
    %swap3A_395 = vector.shape_cast %select_n3A_388 : vector<128x128xf32> to vector<1x1x128x128xf32>
    tpu.vector_store %arg6[%swap3A_389, %swap3A_390, %swap3A_391, %swap3A_392], %swap3A_395 {strides = array<i32>} : memref<2x16x128x128xf32, #tpu.memory_space<vmem>>, vector<1x1x128x128xf32>,
    %slice3A_396 = vector.extract_strided_slice %select_n3A {offsets = [14, 0], sizes = [1, 128], strides = [1, 1]} : vector<16x128xf32> to vector<1x128xf32>
    %squeeze3A_397 = vector.shape_cast %slice3A_396 : vector<1x128xf32> to vector<128xf32>
    %reshape3A_398 = vector.shape_cast %squeeze3A_397 : vector<128xf32> to vector<1x128xf32>
    %broadcast_in_dim3A_399 = vector.shape_cast %reshape3A_398 : vector<1x128xf32> to vector<1x128xf32>
    %broadcast_in_dim3A_400 = vector.broadcast %broadcast_in_dim3A_399 : vector<1x128xf32> to vector<128x128xf32>
    %reshape3A_401 = vector.shape_cast %get3A_84 : vector<128x128xi32> to vector<128x128x1xi32>
    %gather3A_402 = vector.shape_cast %reshape3A_401 : vector<128x128x1xi32> to vector<128x128xi32>
    %gather3A_403 = tpu.dynamic_gather %broadcast_in_dim3A_400[%gather3A_402] in [1] : vector<128x128xf32>, vector<128x128xi32> -> vector<128x128xf32>
    %slice3A_404 = vector.extract_strided_slice %dot_general3A_79 {offsets = [0, 1792], sizes = [128, 128], strides = [1, 1]} : vector<128x2048xf32> to vector<128x128xf32>
    %add3A_405 = arith.addf %slice3A_404, %gather3A_403 : vector<128x128xf32>
    %jit3A_406 = arith.constant 0xFF800000 : f32
    %broadcast_in_dim3A_407 = vector.shape_cast %eq3A_88 : vector<1x128xi1> to vector<1x128xi1>
    %broadcast_in_dim3A_408 = vector.broadcast %broadcast_in_dim3A_407 : vector<1x128xi1> to vector<128x128xi1>
    %broadcast_in_dim3A_409 = vector.broadcast %jit3A_406 : f32 to vector<128x128xf32>
    %select_n3A_410 = arith.select %broadcast_in_dim3A_408, %broadcast_in_dim3A_409, %add3A_405 : vector<128x128xi1>, vector<128x128xf32>
    %swap3A_411 = arith.constant 0 : index
    %swap3A_412 = arith.constant 14 : index
    %swap3A_413 = arith.constant 0 : index
    %swap3A_414 = arith.constant 0 : index
    %swap3A_415 = vector.load %arg6[%swap3A_411, %swap3A_412, %swap3A_413, %swap3A_414] : memref<2x16x128x128xf32, #tpu.memory_space<vmem>>, vector<1x1x128x128xf32>
    %swap3A_416 = vector.shape_cast %swap3A_415 : vector<1x1x128x128xf32> to vector<128x128xf32>
    %swap3A_417 = vector.shape_cast %select_n3A_410 : vector<128x128xf32> to vector<1x1x128x128xf32>
    tpu.vector_store %arg6[%swap3A_411, %swap3A_412, %swap3A_413, %swap3A_414], %swap3A_417 {strides = array<i32>} : memref<2x16x128x128xf32, #tpu.memory_space<vmem>>, vector<1x1x128x128xf32>,
    %slice3A_418 = vector.extract_strided_slice %select_n3A {offsets = [15, 0], sizes = [1, 128], strides = [1, 1]} : vector<16x128xf32> to vector<1x128xf32>
    %squeeze3A_419 = vector.shape_cast %slice3A_418 : vector<1x128xf32> to vector<128xf32>
    %reshape3A_420 = vector.shape_cast %squeeze3A_419 : vector<128xf32> to vector<1x128xf32>
    %broadcast_in_dim3A_421 = vector.shape_cast %reshape3A_420 : vector<1x128xf32> to vector<1x128xf32>
    %broadcast_in_dim3A_422 = vector.broadcast %broadcast_in_dim3A_421 : vector<1x128xf32> to vector<128x128xf32>
    %reshape3A_423 = vector.shape_cast %get3A_84 : vector<128x128xi32> to vector<128x128x1xi32>
    %gather3A_424 = vector.shape_cast %reshape3A_423 : vector<128x128x1xi32> to vector<128x128xi32>
    %gather3A_425 = tpu.dynamic_gather %broadcast_in_dim3A_422[%gather3A_424] in [1] : vector<128x128xf32>, vector<128x128xi32> -> vector<128x128xf32>
    %slice3A_426 = vector.extract_strided_slice %dot_general3A_79 {offsets = [0, 1920], sizes = [128, 128], strides = [1, 1]} : vector<128x2048xf32> to vector<128x128xf32>
    %add3A_427 = arith.addf %slice3A_426, %gather3A_425 : vector<128x128xf32>
    %jit3A_428 = arith.constant 0xFF800000 : f32
    %broadcast_in_dim3A_429 = vector.shape_cast %eq3A_88 : vector<1x128xi1> to vector<1x128xi1>
    %broadcast_in_dim3A_430 = vector.broadcast %broadcast_in_dim3A_429 : vector<1x128xi1> to vector<128x128xi1>
    %broadcast_in_dim3A_431 = vector.broadcast %jit3A_428 : f32 to vector<128x128xf32>
    %select_n3A_432 = arith.select %broadcast_in_dim3A_430, %broadcast_in_dim3A_431, %add3A_427 : vector<128x128xi1>, vector<128x128xf32>
    %swap3A_433 = arith.constant 0 : index
    %swap3A_434 = arith.constant 15 : index
    %swap3A_435 = arith.constant 0 : index
    %swap3A_436 = arith.constant 0 : index
    %swap3A_437 = vector.load %arg6[%swap3A_433, %swap3A_434, %swap3A_435, %swap3A_436] : memref<2x16x128x128xf32, #tpu.memory_space<vmem>>, vector<1x1x128x128xf32>
    %swap3A_438 = vector.shape_cast %swap3A_437 : vector<1x1x128x128xf32> to vector<128x128xf32>
    %swap3A_439 = vector.shape_cast %select_n3A_432 : vector<128x128xf32> to vector<1x1x128x128xf32>
    tpu.vector_store %arg6[%swap3A_433, %swap3A_434, %swap3A_435, %swap3A_436], %swap3A_439 {strides = array<i32>} : memref<2x16x128x128xf32, #tpu.memory_space<vmem>>, vector<1x1x128x128xf32>,
    %slice3A_440 = vector.extract_strided_slice %convert_element_type3A_12 {offsets = [0, 0, 0], sizes = [1, 128, 256], strides = [1, 1, 1]} : vector<16x128x256xbf16> to vector<1x128x256xbf16>
    %squeeze3A_441 = vector.shape_cast %slice3A_440 : vector<1x128x256xbf16> to vector<128x256xbf16>
    %slice3A_442 = vector.extract_strided_slice %squeeze3A_441 {offsets = [0, 128], sizes = [128, 128], strides = [1, 1]} : vector<128x256xbf16> to vector<128x128xbf16>
    %slice3A_443 = vector.extract_strided_slice %convert_element_type3A_12 {offsets = [1, 0, 0], sizes = [1, 128, 256], strides = [1, 1, 1]} : vector<16x128x256xbf16> to vector<1x128x256xbf16>
    %squeeze3A_444 = vector.shape_cast %slice3A_443 : vector<1x128x256xbf16> to vector<128x256xbf16>
    %slice3A_445 = vector.extract_strided_slice %squeeze3A_444 {offsets = [0, 128], sizes = [128, 128], strides = [1, 1]} : vector<128x256xbf16> to vector<128x128xbf16>
    %slice3A_446 = vector.extract_strided_slice %convert_element_type3A_12 {offsets = [2, 0, 0], sizes = [1, 128, 256], strides = [1, 1, 1]} : vector<16x128x256xbf16> to vector<1x128x256xbf16>
    %squeeze3A_447 = vector.shape_cast %slice3A_446 : vector<1x128x256xbf16> to vector<128x256xbf16>
    %slice3A_448 = vector.extract_strided_slice %squeeze3A_447 {offsets = [0, 128], sizes = [128, 128], strides = [1, 1]} : vector<128x256xbf16> to vector<128x128xbf16>
    %slice3A_449 = vector.extract_strided_slice %convert_element_type3A_12 {offsets = [3, 0, 0], sizes = [1, 128, 256], strides = [1, 1, 1]} : vector<16x128x256xbf16> to vector<1x128x256xbf16>
    %squeeze3A_450 = vector.shape_cast %slice3A_449 : vector<1x128x256xbf16> to vector<128x256xbf16>
    %slice3A_451 = vector.extract_strided_slice %squeeze3A_450 {offsets = [0, 128], sizes = [128, 128], strides = [1, 1]} : vector<128x256xbf16> to vector<128x128xbf16>
    %slice3A_452 = vector.extract_strided_slice %convert_element_type3A_12 {offsets = [4, 0, 0], sizes = [1, 128, 256], strides = [1, 1, 1]} : vector<16x128x256xbf16> to vector<1x128x256xbf16>
    %squeeze3A_453 = vector.shape_cast %slice3A_452 : vector<1x128x256xbf16> to vector<128x256xbf16>
    %slice3A_454 = vector.extract_strided_slice %squeeze3A_453 {offsets = [0, 128], sizes = [128, 128], strides = [1, 1]} : vector<128x256xbf16> to vector<128x128xbf16>
    %slice3A_455 = vector.extract_strided_slice %convert_element_type3A_12 {offsets = [5, 0, 0], sizes = [1, 128, 256], strides = [1, 1, 1]} : vector<16x128x256xbf16> to vector<1x128x256xbf16>
    %squeeze3A_456 = vector.shape_cast %slice3A_455 : vector<1x128x256xbf16> to vector<128x256xbf16>
    %slice3A_457 = vector.extract_strided_slice %squeeze3A_456 {offsets = [0, 128], sizes = [128, 128], strides = [1, 1]} : vector<128x256xbf16> to vector<128x128xbf16>
    %slice3A_458 = vector.extract_strided_slice %convert_element_type3A_12 {offsets = [6, 0, 0], sizes = [1, 128, 256], strides = [1, 1, 1]} : vector<16x128x256xbf16> to vector<1x128x256xbf16>
    %squeeze3A_459 = vector.shape_cast %slice3A_458 : vector<1x128x256xbf16> to vector<128x256xbf16>
    %slice3A_460 = vector.extract_strided_slice %squeeze3A_459 {offsets = [0, 128], sizes = [128, 128], strides = [1, 1]} : vector<128x256xbf16> to vector<128x128xbf16>
    %slice3A_461 = vector.extract_strided_slice %convert_element_type3A_12 {offsets = [7, 0, 0], sizes = [1, 128, 256], strides = [1, 1, 1]} : vector<16x128x256xbf16> to vector<1x128x256xbf16>
    %squeeze3A_462 = vector.shape_cast %slice3A_461 : vector<1x128x256xbf16> to vector<128x256xbf16>
    %slice3A_463 = vector.extract_strided_slice %squeeze3A_462 {offsets = [0, 128], sizes = [128, 128], strides = [1, 1]} : vector<128x256xbf16> to vector<128x128xbf16>
    %slice3A_464 = vector.extract_strided_slice %convert_element_type3A_12 {offsets = [8, 0, 0], sizes = [1, 128, 256], strides = [1, 1, 1]} : vector<16x128x256xbf16> to vector<1x128x256xbf16>
    %squeeze3A_465 = vector.shape_cast %slice3A_464 : vector<1x128x256xbf16> to vector<128x256xbf16>
    %slice3A_466 = vector.extract_strided_slice %squeeze3A_465 {offsets = [0, 128], sizes = [128, 128], strides = [1, 1]} : vector<128x256xbf16> to vector<128x128xbf16>
    %slice3A_467 = vector.extract_strided_slice %convert_element_type3A_12 {offsets = [9, 0, 0], sizes = [1, 128, 256], strides = [1, 1, 1]} : vector<16x128x256xbf16> to vector<1x128x256xbf16>
    %squeeze3A_468 = vector.shape_cast %slice3A_467 : vector<1x128x256xbf16> to vector<128x256xbf16>
    %slice3A_469 = vector.extract_strided_slice %squeeze3A_468 {offsets = [0, 128], sizes = [128, 128], strides = [1, 1]} : vector<128x256xbf16> to vector<128x128xbf16>
    %slice3A_470 = vector.extract_strided_slice %convert_element_type3A_12 {offsets = [10, 0, 0], sizes = [1, 128, 256], strides = [1, 1, 1]} : vector<16x128x256xbf16> to vector<1x128x256xbf16>
    %squeeze3A_471 = vector.shape_cast %slice3A_470 : vector<1x128x256xbf16> to vector<128x256xbf16>
    %slice3A_472 = vector.extract_strided_slice %squeeze3A_471 {offsets = [0, 128], sizes = [128, 128], strides = [1, 1]} : vector<128x256xbf16> to vector<128x128xbf16>
    %slice3A_473 = vector.extract_strided_slice %convert_element_type3A_12 {offsets = [11, 0, 0], sizes = [1, 128, 256], strides = [1, 1, 1]} : vector<16x128x256xbf16> to vector<1x128x256xbf16>
    %squeeze3A_474 = vector.shape_cast %slice3A_473 : vector<1x128x256xbf16> to vector<128x256xbf16>
    %slice3A_475 = vector.extract_strided_slice %squeeze3A_474 {offsets = [0, 128], sizes = [128, 128], strides = [1, 1]} : vector<128x256xbf16> to vector<128x128xbf16>
    %slice3A_476 = vector.extract_strided_slice %convert_element_type3A_12 {offsets = [12, 0, 0], sizes = [1, 128, 256], strides = [1, 1, 1]} : vector<16x128x256xbf16> to vector<1x128x256xbf16>
    %squeeze3A_477 = vector.shape_cast %slice3A_476 : vector<1x128x256xbf16> to vector<128x256xbf16>
    %slice3A_478 = vector.extract_strided_slice %squeeze3A_477 {offsets = [0, 128], sizes = [128, 128], strides = [1, 1]} : vector<128x256xbf16> to vector<128x128xbf16>
    %slice3A_479 = vector.extract_strided_slice %convert_element_type3A_12 {offsets = [13, 0, 0], sizes = [1, 128, 256], strides = [1, 1, 1]} : vector<16x128x256xbf16> to vector<1x128x256xbf16>
    %squeeze3A_480 = vector.shape_cast %slice3A_479 : vector<1x128x256xbf16> to vector<128x256xbf16>
    %slice3A_481 = vector.extract_strided_slice %squeeze3A_480 {offsets = [0, 128], sizes = [128, 128], strides = [1, 1]} : vector<128x256xbf16> to vector<128x128xbf16>
    %slice3A_482 = vector.extract_strided_slice %convert_element_type3A_12 {offsets = [14, 0, 0], sizes = [1, 128, 256], strides = [1, 1, 1]} : vector<16x128x256xbf16> to vector<1x128x256xbf16>
    %squeeze3A_483 = vector.shape_cast %slice3A_482 : vector<1x128x256xbf16> to vector<128x256xbf16>
    %slice3A_484 = vector.extract_strided_slice %squeeze3A_483 {offsets = [0, 128], sizes = [128, 128], strides = [1, 1]} : vector<128x256xbf16> to vector<128x128xbf16>
    %slice3A_485 = vector.extract_strided_slice %convert_element_type3A_12 {offsets = [15, 0, 0], sizes = [1, 128, 256], strides = [1, 1, 1]} : vector<16x128x256xbf16> to vector<1x128x256xbf16>
    %squeeze3A_486 = vector.shape_cast %slice3A_485 : vector<1x128x256xbf16> to vector<128x256xbf16>
    %slice3A_487 = vector.extract_strided_slice %squeeze3A_486 {offsets = [0, 128], sizes = [128, 128], strides = [1, 1]} : vector<128x256xbf16> to vector<128x128xbf16>
    %concatenate3A_488 = tpu.concatenate %slice3A_442, %slice3A_445, %slice3A_448, %slice3A_451, %slice3A_454, %slice3A_457, %slice3A_460, %slice3A_463, %slice3A_466, %slice3A_469, %slice3A_472, %slice3A_475, %slice3A_478, %slice3A_481, %slice3A_484, %slice3A_487 in 1 : vector<128x128xbf16>, vector<128x128xbf16>, vector<128x128xbf16>, vector<128x128xbf16>, vector<128x128xbf16>, vector<128x128xbf16>, vector<128x128xbf16>, vector<128x128xbf16>, vector<128x128xbf16>, vector<128x128xbf16>, vector<128x128xbf16>, vector<128x128xbf16>, vector<128x128xbf16>, vector<128x128xbf16>, vector<128x128xbf16>, vector<128x128xbf16> -> vector<128x2048xbf16>
    %mul3A_489 = arith.constant 2 : i32
    %mul3A_490 = arith.muli %mul3A_489, %arg0 : i32
    %add3A_491 = arith.constant 1 : i32
    %add3A_492 = arith.addi %mul3A_490, %add3A_491 : i32
    %broadcast_in_dim3A_493 = vector.broadcast %add3A_492 : i32 to vector<128x128xi32>
    %get3A_494 = arith.constant 0 : index
    %get3A_495 = arith.constant 0 : index
    %get3A_496 = vector.load %arg2[%get3A_494, %get3A_495] : memref<128x128xi32, #tpu.memory_space<vmem>>, vector<128x128xi32>
    %reshape3A_497 = vector.shape_cast %broadcast_in_dim3A_493 : vector<128x128xi32> to vector<128x128x1xi32>
    %gather3A_498 = vector.shape_cast %reshape3A_497 : vector<128x128x1xi32> to vector<128x128xi32>
    %gather3A_499 = tpu.dynamic_gather %get3A_496[%gather3A_498] in [1] : vector<128x128xi32>, vector<128x128xi32> -> vector<128x128xi32>
    %eq3A_500 = arith.cmpi eq, %iota3A, %gather3A_499 : vector<128x128xi32>
    %convert_element_type3A_501 = arith.extui %eq3A_500 : vector<128x128xi1> to vector<128x128xi32>
    %convert_element_type3A_502 = arith.sitofp %convert_element_type3A_501 : vector<128x128xi32> to vector<128x128xf32>
    %convert_element_type3A_503 = arith.truncf %convert_element_type3A_502 : vector<128x128xf32> to vector<128x128xbf16>
    %dot_general3A_504 = arith.constant dense<0.000000e+00> : vector<128x2048xf32>
    %dot_general3A_505 = tpu.matmul %convert_element_type3A_503, %concatenate3A_488, %dot_general3A_504 {dimension_numbers = #tpu.dot_dimension_numbers<[1], [0], [0], [1], [0, 0, 1, 1], [], []>, transpose_lhs_hint = false} : vector<128x128xbf16>, vector<128x2048xbf16>, vector<128x2048xf32> -> vector<128x2048xf32>
    %get3A_506 = arith.constant 1 : index
    %get3A_507 = arith.constant 0 : index
    %get3A_508 = arith.constant 0 : index
    %get3A_509 = vector.load %arg3[%get3A_506, %get3A_507, %get3A_508] : memref<2x128x128xi32, #tpu.memory_space<vmem>>, vector<1x128x128xi32>
    %get3A_510 = vector.shape_cast %get3A_509 : vector<1x128x128xi32> to vector<128x128xi32>
    %slice3A_511 = vector.extract_strided_slice %get3A_3 {offsets = [0, 128], sizes = [1, 128], strides = [1, 1]} : vector<1x256xi32> to vector<1x128xi32>
    %eq3A_512 = arith.constant 0 : i32
    %eq3A_513 = vector.broadcast %eq3A_512 : i32 to vector<1x128xi32>
    %eq3A_514 = arith.cmpi eq, %slice3A_511, %eq3A_513 : vector<1x128xi32>
    %slice3A_515 = vector.extract_strided_slice %select_n3A {offsets = [0, 0], sizes = [1, 128], strides = [1, 1]} : vector<16x128xf32> to vector<1x128xf32>
    %squeeze3A_516 = vector.shape_cast %slice3A_515 : vector<1x128xf32> to vector<128xf32>
    %reshape3A_517 = vector.shape_cast %squeeze3A_516 : vector<128xf32> to vector<1x128xf32>
    %broadcast_in_dim3A_518 = vector.shape_cast %reshape3A_517 : vector<1x128xf32> to vector<1x128xf32>
    %broadcast_in_dim3A_519 = vector.broadcast %broadcast_in_dim3A_518 : vector<1x128xf32> to vector<128x128xf32>
    %reshape3A_520 = vector.shape_cast %get3A_510 : vector<128x128xi32> to vector<128x128x1xi32>
    %gather3A_521 = vector.shape_cast %reshape3A_520 : vector<128x128x1xi32> to vector<128x128xi32>
    %gather3A_522 = tpu.dynamic_gather %broadcast_in_dim3A_519[%gather3A_521] in [1] : vector<128x128xf32>, vector<128x128xi32> -> vector<128x128xf32>
    %slice3A_523 = vector.extract_strided_slice %dot_general3A_505 {offsets = [0, 0], sizes = [128, 128], strides = [1, 1]} : vector<128x2048xf32> to vector<128x128xf32>
    %add3A_524 = arith.addf %slice3A_523, %gather3A_522 : vector<128x128xf32>
    %jit3A_525 = arith.constant 0xFF800000 : f32
    %broadcast_in_dim3A_526 = vector.shape_cast %eq3A_514 : vector<1x128xi1> to vector<1x128xi1>
    %broadcast_in_dim3A_527 = vector.broadcast %broadcast_in_dim3A_526 : vector<1x128xi1> to vector<128x128xi1>
    %broadcast_in_dim3A_528 = vector.broadcast %jit3A_525 : f32 to vector<128x128xf32>
    %select_n3A_529 = arith.select %broadcast_in_dim3A_527, %broadcast_in_dim3A_528, %add3A_524 : vector<128x128xi1>, vector<128x128xf32>
    %swap3A_530 = arith.constant 1 : index
    %swap3A_531 = arith.constant 0 : index
    %swap3A_532 = arith.constant 0 : index
    %swap3A_533 = arith.constant 0 : index
    %swap3A_534 = vector.load %arg6[%swap3A_530, %swap3A_531, %swap3A_532, %swap3A_533] : memref<2x16x128x128xf32, #tpu.memory_space<vmem>>, vector<1x1x128x128xf32>
    %swap3A_535 = vector.shape_cast %swap3A_534 : vector<1x1x128x128xf32> to vector<128x128xf32>
    %swap3A_536 = vector.shape_cast %select_n3A_529 : vector<128x128xf32> to vector<1x1x128x128xf32>
    tpu.vector_store %arg6[%swap3A_530, %swap3A_531, %swap3A_532, %swap3A_533], %swap3A_536 {strides = array<i32>} : memref<2x16x128x128xf32, #tpu.memory_space<vmem>>, vector<1x1x128x128xf32>,
    %slice3A_537 = vector.extract_strided_slice %select_n3A {offsets = [1, 0], sizes = [1, 128], strides = [1, 1]} : vector<16x128xf32> to vector<1x128xf32>
    %squeeze3A_538 = vector.shape_cast %slice3A_537 : vector<1x128xf32> to vector<128xf32>
    %reshape3A_539 = vector.shape_cast %squeeze3A_538 : vector<128xf32> to vector<1x128xf32>
    %broadcast_in_dim3A_540 = vector.shape_cast %reshape3A_539 : vector<1x128xf32> to vector<1x128xf32>
    %broadcast_in_dim3A_541 = vector.broadcast %broadcast_in_dim3A_540 : vector<1x128xf32> to vector<128x128xf32>
    %reshape3A_542 = vector.shape_cast %get3A_510 : vector<128x128xi32> to vector<128x128x1xi32>
    %gather3A_543 = vector.shape_cast %reshape3A_542 : vector<128x128x1xi32> to vector<128x128xi32>
    %gather3A_544 = tpu.dynamic_gather %broadcast_in_dim3A_541[%gather3A_543] in [1] : vector<128x128xf32>, vector<128x128xi32> -> vector<128x128xf32>
    %slice3A_545 = vector.extract_strided_slice %dot_general3A_505 {offsets = [0, 128], sizes = [128, 128], strides = [1, 1]} : vector<128x2048xf32> to vector<128x128xf32>
    %add3A_546 = arith.addf %slice3A_545, %gather3A_544 : vector<128x128xf32>
    %jit3A_547 = arith.constant 0xFF800000 : f32
    %broadcast_in_dim3A_548 = vector.shape_cast %eq3A_514 : vector<1x128xi1> to vector<1x128xi1>
    %broadcast_in_dim3A_549 = vector.broadcast %broadcast_in_dim3A_548 : vector<1x128xi1> to vector<128x128xi1>
    %broadcast_in_dim3A_550 = vector.broadcast %jit3A_547 : f32 to vector<128x128xf32>
    %select_n3A_551 = arith.select %broadcast_in_dim3A_549, %broadcast_in_dim3A_550, %add3A_546 : vector<128x128xi1>, vector<128x128xf32>
    %swap3A_552 = arith.constant 1 : index
    %swap3A_553 = arith.constant 1 : index
    %swap3A_554 = arith.constant 0 : index
    %swap3A_555 = arith.constant 0 : index
    %swap3A_556 = vector.load %arg6[%swap3A_552, %swap3A_553, %swap3A_554, %swap3A_555] : memref<2x16x128x128xf32, #tpu.memory_space<vmem>>, vector<1x1x128x128xf32>
    %swap3A_557 = vector.shape_cast %swap3A_556 : vector<1x1x128x128xf32> to vector<128x128xf32>
    %swap3A_558 = vector.shape_cast %select_n3A_551 : vector<128x128xf32> to vector<1x1x128x128xf32>
    tpu.vector_store %arg6[%swap3A_552, %swap3A_553, %swap3A_554, %swap3A_555], %swap3A_558 {strides = array<i32>} : memref<2x16x128x128xf32, #tpu.memory_space<vmem>>, vector<1x1x128x128xf32>,
    %slice3A_559 = vector.extract_strided_slice %select_n3A {offsets = [2, 0], sizes = [1, 128], strides = [1, 1]} : vector<16x128xf32> to vector<1x128xf32>
    %squeeze3A_560 = vector.shape_cast %slice3A_559 : vector<1x128xf32> to vector<128xf32>
    %reshape3A_561 = vector.shape_cast %squeeze3A_560 : vector<128xf32> to vector<1x128xf32>
    %broadcast_in_dim3A_562 = vector.shape_cast %reshape3A_561 : vector<1x128xf32> to vector<1x128xf32>
    %broadcast_in_dim3A_563 = vector.broadcast %broadcast_in_dim3A_562 : vector<1x128xf32> to vector<128x128xf32>
    %reshape3A_564 = vector.shape_cast %get3A_510 : vector<128x128xi32> to vector<128x128x1xi32>
    %gather3A_565 = vector.shape_cast %reshape3A_564 : vector<128x128x1xi32> to vector<128x128xi32>
    %gather3A_566 = tpu.dynamic_gather %broadcast_in_dim3A_563[%gather3A_565] in [1] : vector<128x128xf32>, vector<128x128xi32> -> vector<128x128xf32>
    %slice3A_567 = vector.extract_strided_slice %dot_general3A_505 {offsets = [0, 256], sizes = [128, 128], strides = [1, 1]} : vector<128x2048xf32> to vector<128x128xf32>
    %add3A_568 = arith.addf %slice3A_567, %gather3A_566 : vector<128x128xf32>
    %jit3A_569 = arith.constant 0xFF800000 : f32
    %broadcast_in_dim3A_570 = vector.shape_cast %eq3A_514 : vector<1x128xi1> to vector<1x128xi1>
    %broadcast_in_dim3A_571 = vector.broadcast %broadcast_in_dim3A_570 : vector<1x128xi1> to vector<128x128xi1>
    %broadcast_in_dim3A_572 = vector.broadcast %jit3A_569 : f32 to vector<128x128xf32>
    %select_n3A_573 = arith.select %broadcast_in_dim3A_571, %broadcast_in_dim3A_572, %add3A_568 : vector<128x128xi1>, vector<128x128xf32>
    %swap3A_574 = arith.constant 1 : index
    %swap3A_575 = arith.constant 2 : index
    %swap3A_576 = arith.constant 0 : index
    %swap3A_577 = arith.constant 0 : index
    %swap3A_578 = vector.load %arg6[%swap3A_574, %swap3A_575, %swap3A_576, %swap3A_577] : memref<2x16x128x128xf32, #tpu.memory_space<vmem>>, vector<1x1x128x128xf32>
    %swap3A_579 = vector.shape_cast %swap3A_578 : vector<1x1x128x128xf32> to vector<128x128xf32>
    %swap3A_580 = vector.shape_cast %select_n3A_573 : vector<128x128xf32> to vector<1x1x128x128xf32>
    tpu.vector_store %arg6[%swap3A_574, %swap3A_575, %swap3A_576, %swap3A_577], %swap3A_580 {strides = array<i32>} : memref<2x16x128x128xf32, #tpu.memory_space<vmem>>, vector<1x1x128x128xf32>,
    %slice3A_581 = vector.extract_strided_slice %select_n3A {offsets = [3, 0], sizes = [1, 128], strides = [1, 1]} : vector<16x128xf32> to vector<1x128xf32>
    %squeeze3A_582 = vector.shape_cast %slice3A_581 : vector<1x128xf32> to vector<128xf32>
    %reshape3A_583 = vector.shape_cast %squeeze3A_582 : vector<128xf32> to vector<1x128xf32>
    %broadcast_in_dim3A_584 = vector.shape_cast %reshape3A_583 : vector<1x128xf32> to vector<1x128xf32>
    %broadcast_in_dim3A_585 = vector.broadcast %broadcast_in_dim3A_584 : vector<1x128xf32> to vector<128x128xf32>
    %reshape3A_586 = vector.shape_cast %get3A_510 : vector<128x128xi32> to vector<128x128x1xi32>
    %gather3A_587 = vector.shape_cast %reshape3A_586 : vector<128x128x1xi32> to vector<128x128xi32>
    %gather3A_588 = tpu.dynamic_gather %broadcast_in_dim3A_585[%gather3A_587] in [1] : vector<128x128xf32>, vector<128x128xi32> -> vector<128x128xf32>
    %slice3A_589 = vector.extract_strided_slice %dot_general3A_505 {offsets = [0, 384], sizes = [128, 128], strides = [1, 1]} : vector<128x2048xf32> to vector<128x128xf32>
    %add3A_590 = arith.addf %slice3A_589, %gather3A_588 : vector<128x128xf32>
    %jit3A_591 = arith.constant 0xFF800000 : f32
    %broadcast_in_dim3A_592 = vector.shape_cast %eq3A_514 : vector<1x128xi1> to vector<1x128xi1>
    %broadcast_in_dim3A_593 = vector.broadcast %broadcast_in_dim3A_592 : vector<1x128xi1> to vector<128x128xi1>
    %broadcast_in_dim3A_594 = vector.broadcast %jit3A_591 : f32 to vector<128x128xf32>
    %select_n3A_595 = arith.select %broadcast_in_dim3A_593, %broadcast_in_dim3A_594, %add3A_590 : vector<128x128xi1>, vector<128x128xf32>
    %swap3A_596 = arith.constant 1 : index
    %swap3A_597 = arith.constant 3 : index
    %swap3A_598 = arith.constant 0 : index
    %swap3A_599 = arith.constant 0 : index
    %swap3A_600 = vector.load %arg6[%swap3A_596, %swap3A_597, %swap3A_598, %swap3A_599] : memref<2x16x128x128xf32, #tpu.memory_space<vmem>>, vector<1x1x128x128xf32>
    %swap3A_601 = vector.shape_cast %swap3A_600 : vector<1x1x128x128xf32> to vector<128x128xf32>
    %swap3A_602 = vector.shape_cast %select_n3A_595 : vector<128x128xf32> to vector<1x1x128x128xf32>
    tpu.vector_store %arg6[%swap3A_596, %swap3A_597, %swap3A_598, %swap3A_599], %swap3A_602 {strides = array<i32>} : memref<2x16x128x128xf32, #tpu.memory_space<vmem>>, vector<1x1x128x128xf32>,
    %slice3A_603 = vector.extract_strided_slice %select_n3A {offsets = [4, 0], sizes = [1, 128], strides = [1, 1]} : vector<16x128xf32> to vector<1x128xf32>
    %squeeze3A_604 = vector.shape_cast %slice3A_603 : vector<1x128xf32> to vector<128xf32>
    %reshape3A_605 = vector.shape_cast %squeeze3A_604 : vector<128xf32> to vector<1x128xf32>
    %broadcast_in_dim3A_606 = vector.shape_cast %reshape3A_605 : vector<1x128xf32> to vector<1x128xf32>
    %broadcast_in_dim3A_607 = vector.broadcast %broadcast_in_dim3A_606 : vector<1x128xf32> to vector<128x128xf32>
    %reshape3A_608 = vector.shape_cast %get3A_510 : vector<128x128xi32> to vector<128x128x1xi32>
    %gather3A_609 = vector.shape_cast %reshape3A_608 : vector<128x128x1xi32> to vector<128x128xi32>
    %gather3A_610 = tpu.dynamic_gather %broadcast_in_dim3A_607[%gather3A_609] in [1] : vector<128x128xf32>, vector<128x128xi32> -> vector<128x128xf32>
    %slice3A_611 = vector.extract_strided_slice %dot_general3A_505 {offsets = [0, 512], sizes = [128, 128], strides = [1, 1]} : vector<128x2048xf32> to vector<128x128xf32>
    %add3A_612 = arith.addf %slice3A_611, %gather3A_610 : vector<128x128xf32>
    %jit3A_613 = arith.constant 0xFF800000 : f32
    %broadcast_in_dim3A_614 = vector.shape_cast %eq3A_514 : vector<1x128xi1> to vector<1x128xi1>
    %broadcast_in_dim3A_615 = vector.broadcast %broadcast_in_dim3A_614 : vector<1x128xi1> to vector<128x128xi1>
    %broadcast_in_dim3A_616 = vector.broadcast %jit3A_613 : f32 to vector<128x128xf32>
    %select_n3A_617 = arith.select %broadcast_in_dim3A_615, %broadcast_in_dim3A_616, %add3A_612 : vector<128x128xi1>, vector<128x128xf32>
    %swap3A_618 = arith.constant 1 : index
    %swap3A_619 = arith.constant 4 : index
    %swap3A_620 = arith.constant 0 : index
    %swap3A_621 = arith.constant 0 : index
    %swap3A_622 = vector.load %arg6[%swap3A_618, %swap3A_619, %swap3A_620, %swap3A_621] : memref<2x16x128x128xf32, #tpu.memory_space<vmem>>, vector<1x1x128x128xf32>
    %swap3A_623 = vector.shape_cast %swap3A_622 : vector<1x1x128x128xf32> to vector<128x128xf32>
    %swap3A_624 = vector.shape_cast %select_n3A_617 : vector<128x128xf32> to vector<1x1x128x128xf32>
    tpu.vector_store %arg6[%swap3A_618, %swap3A_619, %swap3A_620, %swap3A_621], %swap3A_624 {strides = array<i32>} : memref<2x16x128x128xf32, #tpu.memory_space<vmem>>, vector<1x1x128x128xf32>,
    %slice3A_625 = vector.extract_strided_slice %select_n3A {offsets = [5, 0], sizes = [1, 128], strides = [1, 1]} : vector<16x128xf32> to vector<1x128xf32>
    %squeeze3A_626 = vector.shape_cast %slice3A_625 : vector<1x128xf32> to vector<128xf32>
    %reshape3A_627 = vector.shape_cast %squeeze3A_626 : vector<128xf32> to vector<1x128xf32>
    %broadcast_in_dim3A_628 = vector.shape_cast %reshape3A_627 : vector<1x128xf32> to vector<1x128xf32>
    %broadcast_in_dim3A_629 = vector.broadcast %broadcast_in_dim3A_628 : vector<1x128xf32> to vector<128x128xf32>
    %reshape3A_630 = vector.shape_cast %get3A_510 : vector<128x128xi32> to vector<128x128x1xi32>
    %gather3A_631 = vector.shape_cast %reshape3A_630 : vector<128x128x1xi32> to vector<128x128xi32>
    %gather3A_632 = tpu.dynamic_gather %broadcast_in_dim3A_629[%gather3A_631] in [1] : vector<128x128xf32>, vector<128x128xi32> -> vector<128x128xf32>
    %slice3A_633 = vector.extract_strided_slice %dot_general3A_505 {offsets = [0, 640], sizes = [128, 128], strides = [1, 1]} : vector<128x2048xf32> to vector<128x128xf32>
    %add3A_634 = arith.addf %slice3A_633, %gather3A_632 : vector<128x128xf32>
    %jit3A_635 = arith.constant 0xFF800000 : f32
    %broadcast_in_dim3A_636 = vector.shape_cast %eq3A_514 : vector<1x128xi1> to vector<1x128xi1>
    %broadcast_in_dim3A_637 = vector.broadcast %broadcast_in_dim3A_636 : vector<1x128xi1> to vector<128x128xi1>
    %broadcast_in_dim3A_638 = vector.broadcast %jit3A_635 : f32 to vector<128x128xf32>
    %select_n3A_639 = arith.select %broadcast_in_dim3A_637, %broadcast_in_dim3A_638, %add3A_634 : vector<128x128xi1>, vector<128x128xf32>
    %swap3A_640 = arith.constant 1 : index
    %swap3A_641 = arith.constant 5 : index
    %swap3A_642 = arith.constant 0 : index
    %swap3A_643 = arith.constant 0 : index
    %swap3A_644 = vector.load %arg6[%swap3A_640, %swap3A_641, %swap3A_642, %swap3A_643] : memref<2x16x128x128xf32, #tpu.memory_space<vmem>>, vector<1x1x128x128xf32>
    %swap3A_645 = vector.shape_cast %swap3A_644 : vector<1x1x128x128xf32> to vector<128x128xf32>
    %swap3A_646 = vector.shape_cast %select_n3A_639 : vector<128x128xf32> to vector<1x1x128x128xf32>
    tpu.vector_store %arg6[%swap3A_640, %swap3A_641, %swap3A_642, %swap3A_643], %swap3A_646 {strides = array<i32>} : memref<2x16x128x128xf32, #tpu.memory_space<vmem>>, vector<1x1x128x128xf32>,
    %slice3A_647 = vector.extract_strided_slice %select_n3A {offsets = [6, 0], sizes = [1, 128], strides = [1, 1]} : vector<16x128xf32> to vector<1x128xf32>
    %squeeze3A_648 = vector.shape_cast %slice3A_647 : vector<1x128xf32> to vector<128xf32>
    %reshape3A_649 = vector.shape_cast %squeeze3A_648 : vector<128xf32> to vector<1x128xf32>
    %broadcast_in_dim3A_650 = vector.shape_cast %reshape3A_649 : vector<1x128xf32> to vector<1x128xf32>
    %broadcast_in_dim3A_651 = vector.broadcast %broadcast_in_dim3A_650 : vector<1x128xf32> to vector<128x128xf32>
    %reshape3A_652 = vector.shape_cast %get3A_510 : vector<128x128xi32> to vector<128x128x1xi32>
    %gather3A_653 = vector.shape_cast %reshape3A_652 : vector<128x128x1xi32> to vector<128x128xi32>
    %gather3A_654 = tpu.dynamic_gather %broadcast_in_dim3A_651[%gather3A_653] in [1] : vector<128x128xf32>, vector<128x128xi32> -> vector<128x128xf32>
    %slice3A_655 = vector.extract_strided_slice %dot_general3A_505 {offsets = [0, 768], sizes = [128, 128], strides = [1, 1]} : vector<128x2048xf32> to vector<128x128xf32>
    %add3A_656 = arith.addf %slice3A_655, %gather3A_654 : vector<128x128xf32>
    %jit3A_657 = arith.constant 0xFF800000 : f32
    %broadcast_in_dim3A_658 = vector.shape_cast %eq3A_514 : vector<1x128xi1> to vector<1x128xi1>
    %broadcast_in_dim3A_659 = vector.broadcast %broadcast_in_dim3A_658 : vector<1x128xi1> to vector<128x128xi1>
    %broadcast_in_dim3A_660 = vector.broadcast %jit3A_657 : f32 to vector<128x128xf32>
    %select_n3A_661 = arith.select %broadcast_in_dim3A_659, %broadcast_in_dim3A_660, %add3A_656 : vector<128x128xi1>, vector<128x128xf32>
    %swap3A_662 = arith.constant 1 : index
    %swap3A_663 = arith.constant 6 : index
    %swap3A_664 = arith.constant 0 : index
    %swap3A_665 = arith.constant 0 : index
    %swap3A_666 = vector.load %arg6[%swap3A_662, %swap3A_663, %swap3A_664, %swap3A_665] : memref<2x16x128x128xf32, #tpu.memory_space<vmem>>, vector<1x1x128x128xf32>
    %swap3A_667 = vector.shape_cast %swap3A_666 : vector<1x1x128x128xf32> to vector<128x128xf32>
    %swap3A_668 = vector.shape_cast %select_n3A_661 : vector<128x128xf32> to vector<1x1x128x128xf32>
    tpu.vector_store %arg6[%swap3A_662, %swap3A_663, %swap3A_664, %swap3A_665], %swap3A_668 {strides = array<i32>} : memref<2x16x128x128xf32, #tpu.memory_space<vmem>>, vector<1x1x128x128xf32>,
    %slice3A_669 = vector.extract_strided_slice %select_n3A {offsets = [7, 0], sizes = [1, 128], strides = [1, 1]} : vector<16x128xf32> to vector<1x128xf32>
    %squeeze3A_670 = vector.shape_cast %slice3A_669 : vector<1x128xf32> to vector<128xf32>
    %reshape3A_671 = vector.shape_cast %squeeze3A_670 : vector<128xf32> to vector<1x128xf32>
    %broadcast_in_dim3A_672 = vector.shape_cast %reshape3A_671 : vector<1x128xf32> to vector<1x128xf32>
    %broadcast_in_dim3A_673 = vector.broadcast %broadcast_in_dim3A_672 : vector<1x128xf32> to vector<128x128xf32>
    %reshape3A_674 = vector.shape_cast %get3A_510 : vector<128x128xi32> to vector<128x128x1xi32>
    %gather3A_675 = vector.shape_cast %reshape3A_674 : vector<128x128x1xi32> to vector<128x128xi32>
    %gather3A_676 = tpu.dynamic_gather %broadcast_in_dim3A_673[%gather3A_675] in [1] : vector<128x128xf32>, vector<128x128xi32> -> vector<128x128xf32>
    %slice3A_677 = vector.extract_strided_slice %dot_general3A_505 {offsets = [0, 896], sizes = [128, 128], strides = [1, 1]} : vector<128x2048xf32> to vector<128x128xf32>
    %add3A_678 = arith.addf %slice3A_677, %gather3A_676 : vector<128x128xf32>
    %jit3A_679 = arith.constant 0xFF800000 : f32
    %broadcast_in_dim3A_680 = vector.shape_cast %eq3A_514 : vector<1x128xi1> to vector<1x128xi1>
    %broadcast_in_dim3A_681 = vector.broadcast %broadcast_in_dim3A_680 : vector<1x128xi1> to vector<128x128xi1>
    %broadcast_in_dim3A_682 = vector.broadcast %jit3A_679 : f32 to vector<128x128xf32>
    %select_n3A_683 = arith.select %broadcast_in_dim3A_681, %broadcast_in_dim3A_682, %add3A_678 : vector<128x128xi1>, vector<128x128xf32>
    %swap3A_684 = arith.constant 1 : index
    %swap3A_685 = arith.constant 7 : index
    %swap3A_686 = arith.constant 0 : index
    %swap3A_687 = arith.constant 0 : index
    %swap3A_688 = vector.load %arg6[%swap3A_684, %swap3A_685, %swap3A_686, %swap3A_687] : memref<2x16x128x128xf32, #tpu.memory_space<vmem>>, vector<1x1x128x128xf32>
    %swap3A_689 = vector.shape_cast %swap3A_688 : vector<1x1x128x128xf32> to vector<128x128xf32>
    %swap3A_690 = vector.shape_cast %select_n3A_683 : vector<128x128xf32> to vector<1x1x128x128xf32>
    tpu.vector_store %arg6[%swap3A_684, %swap3A_685, %swap3A_686, %swap3A_687], %swap3A_690 {strides = array<i32>} : memref<2x16x128x128xf32, #tpu.memory_space<vmem>>, vector<1x1x128x128xf32>,
    %slice3A_691 = vector.extract_strided_slice %select_n3A {offsets = [8, 0], sizes = [1, 128], strides = [1, 1]} : vector<16x128xf32> to vector<1x128xf32>
    %squeeze3A_692 = vector.shape_cast %slice3A_691 : vector<1x128xf32> to vector<128xf32>
    %reshape3A_693 = vector.shape_cast %squeeze3A_692 : vector<128xf32> to vector<1x128xf32>
    %broadcast_in_dim3A_694 = vector.shape_cast %reshape3A_693 : vector<1x128xf32> to vector<1x128xf32>
    %broadcast_in_dim3A_695 = vector.broadcast %broadcast_in_dim3A_694 : vector<1x128xf32> to vector<128x128xf32>
    %reshape3A_696 = vector.shape_cast %get3A_510 : vector<128x128xi32> to vector<128x128x1xi32>
    %gather3A_697 = vector.shape_cast %reshape3A_696 : vector<128x128x1xi32> to vector<128x128xi32>
    %gather3A_698 = tpu.dynamic_gather %broadcast_in_dim3A_695[%gather3A_697] in [1] : vector<128x128xf32>, vector<128x128xi32> -> vector<128x128xf32>
    %slice3A_699 = vector.extract_strided_slice %dot_general3A_505 {offsets = [0, 1024], sizes = [128, 128], strides = [1, 1]} : vector<128x2048xf32> to vector<128x128xf32>
    %add3A_700 = arith.addf %slice3A_699, %gather3A_698 : vector<128x128xf32>
    %jit3A_701 = arith.constant 0xFF800000 : f32
    %broadcast_in_dim3A_702 = vector.shape_cast %eq3A_514 : vector<1x128xi1> to vector<1x128xi1>
    %broadcast_in_dim3A_703 = vector.broadcast %broadcast_in_dim3A_702 : vector<1x128xi1> to vector<128x128xi1>
    %broadcast_in_dim3A_704 = vector.broadcast %jit3A_701 : f32 to vector<128x128xf32>
    %select_n3A_705 = arith.select %broadcast_in_dim3A_703, %broadcast_in_dim3A_704, %add3A_700 : vector<128x128xi1>, vector<128x128xf32>
    %swap3A_706 = arith.constant 1 : index
    %swap3A_707 = arith.constant 8 : index
    %swap3A_708 = arith.constant 0 : index
    %swap3A_709 = arith.constant 0 : index
    %swap3A_710 = vector.load %arg6[%swap3A_706, %swap3A_707, %swap3A_708, %swap3A_709] : memref<2x16x128x128xf32, #tpu.memory_space<vmem>>, vector<1x1x128x128xf32>
    %swap3A_711 = vector.shape_cast %swap3A_710 : vector<1x1x128x128xf32> to vector<128x128xf32>
    %swap3A_712 = vector.shape_cast %select_n3A_705 : vector<128x128xf32> to vector<1x1x128x128xf32>
    tpu.vector_store %arg6[%swap3A_706, %swap3A_707, %swap3A_708, %swap3A_709], %swap3A_712 {strides = array<i32>} : memref<2x16x128x128xf32, #tpu.memory_space<vmem>>, vector<1x1x128x128xf32>,
    %slice3A_713 = vector.extract_strided_slice %select_n3A {offsets = [9, 0], sizes = [1, 128], strides = [1, 1]} : vector<16x128xf32> to vector<1x128xf32>
    %squeeze3A_714 = vector.shape_cast %slice3A_713 : vector<1x128xf32> to vector<128xf32>
    %reshape3A_715 = vector.shape_cast %squeeze3A_714 : vector<128xf32> to vector<1x128xf32>
    %broadcast_in_dim3A_716 = vector.shape_cast %reshape3A_715 : vector<1x128xf32> to vector<1x128xf32>
    %broadcast_in_dim3A_717 = vector.broadcast %broadcast_in_dim3A_716 : vector<1x128xf32> to vector<128x128xf32>
    %reshape3A_718 = vector.shape_cast %get3A_510 : vector<128x128xi32> to vector<128x128x1xi32>
    %gather3A_719 = vector.shape_cast %reshape3A_718 : vector<128x128x1xi32> to vector<128x128xi32>
    %gather3A_720 = tpu.dynamic_gather %broadcast_in_dim3A_717[%gather3A_719] in [1] : vector<128x128xf32>, vector<128x128xi32> -> vector<128x128xf32>
    %slice3A_721 = vector.extract_strided_slice %dot_general3A_505 {offsets = [0, 1152], sizes = [128, 128], strides = [1, 1]} : vector<128x2048xf32> to vector<128x128xf32>
    %add3A_722 = arith.addf %slice3A_721, %gather3A_720 : vector<128x128xf32>
    %jit3A_723 = arith.constant 0xFF800000 : f32
    %broadcast_in_dim3A_724 = vector.shape_cast %eq3A_514 : vector<1x128xi1> to vector<1x128xi1>
    %broadcast_in_dim3A_725 = vector.broadcast %broadcast_in_dim3A_724 : vector<1x128xi1> to vector<128x128xi1>
    %broadcast_in_dim3A_726 = vector.broadcast %jit3A_723 : f32 to vector<128x128xf32>
    %select_n3A_727 = arith.select %broadcast_in_dim3A_725, %broadcast_in_dim3A_726, %add3A_722 : vector<128x128xi1>, vector<128x128xf32>
    %swap3A_728 = arith.constant 1 : index
    %swap3A_729 = arith.constant 9 : index
    %swap3A_730 = arith.constant 0 : index
    %swap3A_731 = arith.constant 0 : index
    %swap3A_732 = vector.load %arg6[%swap3A_728, %swap3A_729, %swap3A_730, %swap3A_731] : memref<2x16x128x128xf32, #tpu.memory_space<vmem>>, vector<1x1x128x128xf32>
    %swap3A_733 = vector.shape_cast %swap3A_732 : vector<1x1x128x128xf32> to vector<128x128xf32>
    %swap3A_734 = vector.shape_cast %select_n3A_727 : vector<128x128xf32> to vector<1x1x128x128xf32>
    tpu.vector_store %arg6[%swap3A_728, %swap3A_729, %swap3A_730, %swap3A_731], %swap3A_734 {strides = array<i32>} : memref<2x16x128x128xf32, #tpu.memory_space<vmem>>, vector<1x1x128x128xf32>,
    %slice3A_735 = vector.extract_strided_slice %select_n3A {offsets = [10, 0], sizes = [1, 128], strides = [1, 1]} : vector<16x128xf32> to vector<1x128xf32>
    %squeeze3A_736 = vector.shape_cast %slice3A_735 : vector<1x128xf32> to vector<128xf32>
    %reshape3A_737 = vector.shape_cast %squeeze3A_736 : vector<128xf32> to vector<1x128xf32>
    %broadcast_in_dim3A_738 = vector.shape_cast %reshape3A_737 : vector<1x128xf32> to vector<1x128xf32>
    %broadcast_in_dim3A_739 = vector.broadcast %broadcast_in_dim3A_738 : vector<1x128xf32> to vector<128x128xf32>
    %reshape3A_740 = vector.shape_cast %get3A_510 : vector<128x128xi32> to vector<128x128x1xi32>
    %gather3A_741 = vector.shape_cast %reshape3A_740 : vector<128x128x1xi32> to vector<128x128xi32>
    %gather3A_742 = tpu.dynamic_gather %broadcast_in_dim3A_739[%gather3A_741] in [1] : vector<128x128xf32>, vector<128x128xi32> -> vector<128x128xf32>
    %slice3A_743 = vector.extract_strided_slice %dot_general3A_505 {offsets = [0, 1280], sizes = [128, 128], strides = [1, 1]} : vector<128x2048xf32> to vector<128x128xf32>
    %add3A_744 = arith.addf %slice3A_743, %gather3A_742 : vector<128x128xf32>
    %jit3A_745 = arith.constant 0xFF800000 : f32
    %broadcast_in_dim3A_746 = vector.shape_cast %eq3A_514 : vector<1x128xi1> to vector<1x128xi1>
    %broadcast_in_dim3A_747 = vector.broadcast %broadcast_in_dim3A_746 : vector<1x128xi1> to vector<128x128xi1>
    %broadcast_in_dim3A_748 = vector.broadcast %jit3A_745 : f32 to vector<128x128xf32>
    %select_n3A_749 = arith.select %broadcast_in_dim3A_747, %broadcast_in_dim3A_748, %add3A_744 : vector<128x128xi1>, vector<128x128xf32>
    %swap3A_750 = arith.constant 1 : index
    %swap3A_751 = arith.constant 10 : index
    %swap3A_752 = arith.constant 0 : index
    %swap3A_753 = arith.constant 0 : index
    %swap3A_754 = vector.load %arg6[%swap3A_750, %swap3A_751, %swap3A_752, %swap3A_753] : memref<2x16x128x128xf32, #tpu.memory_space<vmem>>, vector<1x1x128x128xf32>
    %swap3A_755 = vector.shape_cast %swap3A_754 : vector<1x1x128x128xf32> to vector<128x128xf32>
    %swap3A_756 = vector.shape_cast %select_n3A_749 : vector<128x128xf32> to vector<1x1x128x128xf32>
    tpu.vector_store %arg6[%swap3A_750, %swap3A_751, %swap3A_752, %swap3A_753], %swap3A_756 {strides = array<i32>} : memref<2x16x128x128xf32, #tpu.memory_space<vmem>>, vector<1x1x128x128xf32>,
    %slice3A_757 = vector.extract_strided_slice %select_n3A {offsets = [11, 0], sizes = [1, 128], strides = [1, 1]} : vector<16x128xf32> to vector<1x128xf32>
    %squeeze3A_758 = vector.shape_cast %slice3A_757 : vector<1x128xf32> to vector<128xf32>
    %reshape3A_759 = vector.shape_cast %squeeze3A_758 : vector<128xf32> to vector<1x128xf32>
    %broadcast_in_dim3A_760 = vector.shape_cast %reshape3A_759 : vector<1x128xf32> to vector<1x128xf32>
    %broadcast_in_dim3A_761 = vector.broadcast %broadcast_in_dim3A_760 : vector<1x128xf32> to vector<128x128xf32>
    %reshape3A_762 = vector.shape_cast %get3A_510 : vector<128x128xi32> to vector<128x128x1xi32>
    %gather3A_763 = vector.shape_cast %reshape3A_762 : vector<128x128x1xi32> to vector<128x128xi32>
    %gather3A_764 = tpu.dynamic_gather %broadcast_in_dim3A_761[%gather3A_763] in [1] : vector<128x128xf32>, vector<128x128xi32> -> vector<128x128xf32>
    %slice3A_765 = vector.extract_strided_slice %dot_general3A_505 {offsets = [0, 1408], sizes = [128, 128], strides = [1, 1]} : vector<128x2048xf32> to vector<128x128xf32>
    %add3A_766 = arith.addf %slice3A_765, %gather3A_764 : vector<128x128xf32>
    %jit3A_767 = arith.constant 0xFF800000 : f32
    %broadcast_in_dim3A_768 = vector.shape_cast %eq3A_514 : vector<1x128xi1> to vector<1x128xi1>
    %broadcast_in_dim3A_769 = vector.broadcast %broadcast_in_dim3A_768 : vector<1x128xi1> to vector<128x128xi1>
    %broadcast_in_dim3A_770 = vector.broadcast %jit3A_767 : f32 to vector<128x128xf32>
    %select_n3A_771 = arith.select %broadcast_in_dim3A_769, %broadcast_in_dim3A_770, %add3A_766 : vector<128x128xi1>, vector<128x128xf32>
    %swap3A_772 = arith.constant 1 : index
    %swap3A_773 = arith.constant 11 : index
    %swap3A_774 = arith.constant 0 : index
    %swap3A_775 = arith.constant 0 : index
    %swap3A_776 = vector.load %arg6[%swap3A_772, %swap3A_773, %swap3A_774, %swap3A_775] : memref<2x16x128x128xf32, #tpu.memory_space<vmem>>, vector<1x1x128x128xf32>
    %swap3A_777 = vector.shape_cast %swap3A_776 : vector<1x1x128x128xf32> to vector<128x128xf32>
    %swap3A_778 = vector.shape_cast %select_n3A_771 : vector<128x128xf32> to vector<1x1x128x128xf32>
    tpu.vector_store %arg6[%swap3A_772, %swap3A_773, %swap3A_774, %swap3A_775], %swap3A_778 {strides = array<i32>} : memref<2x16x128x128xf32, #tpu.memory_space<vmem>>, vector<1x1x128x128xf32>,
    %slice3A_779 = vector.extract_strided_slice %select_n3A {offsets = [12, 0], sizes = [1, 128], strides = [1, 1]} : vector<16x128xf32> to vector<1x128xf32>
    %squeeze3A_780 = vector.shape_cast %slice3A_779 : vector<1x128xf32> to vector<128xf32>
    %reshape3A_781 = vector.shape_cast %squeeze3A_780 : vector<128xf32> to vector<1x128xf32>
    %broadcast_in_dim3A_782 = vector.shape_cast %reshape3A_781 : vector<1x128xf32> to vector<1x128xf32>
    %broadcast_in_dim3A_783 = vector.broadcast %broadcast_in_dim3A_782 : vector<1x128xf32> to vector<128x128xf32>
    %reshape3A_784 = vector.shape_cast %get3A_510 : vector<128x128xi32> to vector<128x128x1xi32>
    %gather3A_785 = vector.shape_cast %reshape3A_784 : vector<128x128x1xi32> to vector<128x128xi32>
    %gather3A_786 = tpu.dynamic_gather %broadcast_in_dim3A_783[%gather3A_785] in [1] : vector<128x128xf32>, vector<128x128xi32> -> vector<128x128xf32>
    %slice3A_787 = vector.extract_strided_slice %dot_general3A_505 {offsets = [0, 1536], sizes = [128, 128], strides = [1, 1]} : vector<128x2048xf32> to vector<128x128xf32>
    %add3A_788 = arith.addf %slice3A_787, %gather3A_786 : vector<128x128xf32>
    %jit3A_789 = arith.constant 0xFF800000 : f32
    %broadcast_in_dim3A_790 = vector.shape_cast %eq3A_514 : vector<1x128xi1> to vector<1x128xi1>
    %broadcast_in_dim3A_791 = vector.broadcast %broadcast_in_dim3A_790 : vector<1x128xi1> to vector<128x128xi1>
    %broadcast_in_dim3A_792 = vector.broadcast %jit3A_789 : f32 to vector<128x128xf32>
    %select_n3A_793 = arith.select %broadcast_in_dim3A_791, %broadcast_in_dim3A_792, %add3A_788 : vector<128x128xi1>, vector<128x128xf32>
    %swap3A_794 = arith.constant 1 : index
    %swap3A_795 = arith.constant 12 : index
    %swap3A_796 = arith.constant 0 : index
    %swap3A_797 = arith.constant 0 : index
    %swap3A_798 = vector.load %arg6[%swap3A_794, %swap3A_795, %swap3A_796, %swap3A_797] : memref<2x16x128x128xf32, #tpu.memory_space<vmem>>, vector<1x1x128x128xf32>
    %swap3A_799 = vector.shape_cast %swap3A_798 : vector<1x1x128x128xf32> to vector<128x128xf32>
    %swap3A_800 = vector.shape_cast %select_n3A_793 : vector<128x128xf32> to vector<1x1x128x128xf32>
    tpu.vector_store %arg6[%swap3A_794, %swap3A_795, %swap3A_796, %swap3A_797], %swap3A_800 {strides = array<i32>} : memref<2x16x128x128xf32, #tpu.memory_space<vmem>>, vector<1x1x128x128xf32>,
    %slice3A_801 = vector.extract_strided_slice %select_n3A {offsets = [13, 0], sizes = [1, 128], strides = [1, 1]} : vector<16x128xf32> to vector<1x128xf32>
    %squeeze3A_802 = vector.shape_cast %slice3A_801 : vector<1x128xf32> to vector<128xf32>
    %reshape3A_803 = vector.shape_cast %squeeze3A_802 : vector<128xf32> to vector<1x128xf32>
    %broadcast_in_dim3A_804 = vector.shape_cast %reshape3A_803 : vector<1x128xf32> to vector<1x128xf32>
    %broadcast_in_dim3A_805 = vector.broadcast %broadcast_in_dim3A_804 : vector<1x128xf32> to vector<128x128xf32>
    %reshape3A_806 = vector.shape_cast %get3A_510 : vector<128x128xi32> to vector<128x128x1xi32>
    %gather3A_807 = vector.shape_cast %reshape3A_806 : vector<128x128x1xi32> to vector<128x128xi32>
    %gather3A_808 = tpu.dynamic_gather %broadcast_in_dim3A_805[%gather3A_807] in [1] : vector<128x128xf32>, vector<128x128xi32> -> vector<128x128xf32>
    %slice3A_809 = vector.extract_strided_slice %dot_general3A_505 {offsets = [0, 1664], sizes = [128, 128], strides = [1, 1]} : vector<128x2048xf32> to vector<128x128xf32>
    %add3A_810 = arith.addf %slice3A_809, %gather3A_808 : vector<128x128xf32>
    %jit3A_811 = arith.constant 0xFF800000 : f32
    %broadcast_in_dim3A_812 = vector.shape_cast %eq3A_514 : vector<1x128xi1> to vector<1x128xi1>
    %broadcast_in_dim3A_813 = vector.broadcast %broadcast_in_dim3A_812 : vector<1x128xi1> to vector<128x128xi1>
    %broadcast_in_dim3A_814 = vector.broadcast %jit3A_811 : f32 to vector<128x128xf32>
    %select_n3A_815 = arith.select %broadcast_in_dim3A_813, %broadcast_in_dim3A_814, %add3A_810 : vector<128x128xi1>, vector<128x128xf32>
    %swap3A_816 = arith.constant 1 : index
    %swap3A_817 = arith.constant 13 : index
    %swap3A_818 = arith.constant 0 : index
    %swap3A_819 = arith.constant 0 : index
    %swap3A_820 = vector.load %arg6[%swap3A_816, %swap3A_817, %swap3A_818, %swap3A_819] : memref<2x16x128x128xf32, #tpu.memory_space<vmem>>, vector<1x1x128x128xf32>
    %swap3A_821 = vector.shape_cast %swap3A_820 : vector<1x1x128x128xf32> to vector<128x128xf32>
    %swap3A_822 = vector.shape_cast %select_n3A_815 : vector<128x128xf32> to vector<1x1x128x128xf32>
    tpu.vector_store %arg6[%swap3A_816, %swap3A_817, %swap3A_818, %swap3A_819], %swap3A_822 {strides = array<i32>} : memref<2x16x128x128xf32, #tpu.memory_space<vmem>>, vector<1x1x128x128xf32>,
    %slice3A_823 = vector.extract_strided_slice %select_n3A {offsets = [14, 0], sizes = [1, 128], strides = [1, 1]} : vector<16x128xf32> to vector<1x128xf32>
    %squeeze3A_824 = vector.shape_cast %slice3A_823 : vector<1x128xf32> to vector<128xf32>
    %reshape3A_825 = vector.shape_cast %squeeze3A_824 : vector<128xf32> to vector<1x128xf32>
    %broadcast_in_dim3A_826 = vector.shape_cast %reshape3A_825 : vector<1x128xf32> to vector<1x128xf32>
    %broadcast_in_dim3A_827 = vector.broadcast %broadcast_in_dim3A_826 : vector<1x128xf32> to vector<128x128xf32>
    %reshape3A_828 = vector.shape_cast %get3A_510 : vector<128x128xi32> to vector<128x128x1xi32>
    %gather3A_829 = vector.shape_cast %reshape3A_828 : vector<128x128x1xi32> to vector<128x128xi32>
    %gather3A_830 = tpu.dynamic_gather %broadcast_in_dim3A_827[%gather3A_829] in [1] : vector<128x128xf32>, vector<128x128xi32> -> vector<128x128xf32>
    %slice3A_831 = vector.extract_strided_slice %dot_general3A_505 {offsets = [0, 1792], sizes = [128, 128], strides = [1, 1]} : vector<128x2048xf32> to vector<128x128xf32>
    %add3A_832 = arith.addf %slice3A_831, %gather3A_830 : vector<128x128xf32>
    %jit3A_833 = arith.constant 0xFF800000 : f32
    %broadcast_in_dim3A_834 = vector.shape_cast %eq3A_514 : vector<1x128xi1> to vector<1x128xi1>
    %broadcast_in_dim3A_835 = vector.broadcast %broadcast_in_dim3A_834 : vector<1x128xi1> to vector<128x128xi1>
    %broadcast_in_dim3A_836 = vector.broadcast %jit3A_833 : f32 to vector<128x128xf32>
    %select_n3A_837 = arith.select %broadcast_in_dim3A_835, %broadcast_in_dim3A_836, %add3A_832 : vector<128x128xi1>, vector<128x128xf32>
    %swap3A_838 = arith.constant 1 : index
    %swap3A_839 = arith.constant 14 : index
    %swap3A_840 = arith.constant 0 : index
    %swap3A_841 = arith.constant 0 : index
    %swap3A_842 = vector.load %arg6[%swap3A_838, %swap3A_839, %swap3A_840, %swap3A_841] : memref<2x16x128x128xf32, #tpu.memory_space<vmem>>, vector<1x1x128x128xf32>
    %swap3A_843 = vector.shape_cast %swap3A_842 : vector<1x1x128x128xf32> to vector<128x128xf32>
    %swap3A_844 = vector.shape_cast %select_n3A_837 : vector<128x128xf32> to vector<1x1x128x128xf32>
    tpu.vector_store %arg6[%swap3A_838, %swap3A_839, %swap3A_840, %swap3A_841], %swap3A_844 {strides = array<i32>} : memref<2x16x128x128xf32, #tpu.memory_space<vmem>>, vector<1x1x128x128xf32>,
    %slice3A_845 = vector.extract_strided_slice %select_n3A {offsets = [15, 0], sizes = [1, 128], strides = [1, 1]} : vector<16x128xf32> to vector<1x128xf32>
    %squeeze3A_846 = vector.shape_cast %slice3A_845 : vector<1x128xf32> to vector<128xf32>
    %reshape3A_847 = vector.shape_cast %squeeze3A_846 : vector<128xf32> to vector<1x128xf32>
    %broadcast_in_dim3A_848 = vector.shape_cast %reshape3A_847 : vector<1x128xf32> to vector<1x128xf32>
    %broadcast_in_dim3A_849 = vector.broadcast %broadcast_in_dim3A_848 : vector<1x128xf32> to vector<128x128xf32>
    %reshape3A_850 = vector.shape_cast %get3A_510 : vector<128x128xi32> to vector<128x128x1xi32>
    %gather3A_851 = vector.shape_cast %reshape3A_850 : vector<128x128x1xi32> to vector<128x128xi32>
    %gather3A_852 = tpu.dynamic_gather %broadcast_in_dim3A_849[%gather3A_851] in [1] : vector<128x128xf32>, vector<128x128xi32> -> vector<128x128xf32>
    %slice3A_853 = vector.extract_strided_slice %dot_general3A_505 {offsets = [0, 1920], sizes = [128, 128], strides = [1, 1]} : vector<128x2048xf32> to vector<128x128xf32>
    %add3A_854 = arith.addf %slice3A_853, %gather3A_852 : vector<128x128xf32>
    %jit3A_855 = arith.constant 0xFF800000 : f32
    %broadcast_in_dim3A_856 = vector.shape_cast %eq3A_514 : vector<1x128xi1> to vector<1x128xi1>
    %broadcast_in_dim3A_857 = vector.broadcast %broadcast_in_dim3A_856 : vector<1x128xi1> to vector<128x128xi1>
    %broadcast_in_dim3A_858 = vector.broadcast %jit3A_855 : f32 to vector<128x128xf32>
    %select_n3A_859 = arith.select %broadcast_in_dim3A_857, %broadcast_in_dim3A_858, %add3A_854 : vector<128x128xi1>, vector<128x128xf32>
    %swap3A_860 = arith.constant 1 : index
    %swap3A_861 = arith.constant 15 : index
    %swap3A_862 = arith.constant 0 : index
    %swap3A_863 = arith.constant 0 : index
    %swap3A_864 = vector.load %arg6[%swap3A_860, %swap3A_861, %swap3A_862, %swap3A_863] : memref<2x16x128x128xf32, #tpu.memory_space<vmem>>, vector<1x1x128x128xf32>
    %swap3A_865 = vector.shape_cast %swap3A_864 : vector<1x1x128x128xf32> to vector<128x128xf32>
    %swap3A_866 = vector.shape_cast %select_n3A_859 : vector<128x128xf32> to vector<1x1x128x128xf32>
    tpu.vector_store %arg6[%swap3A_860, %swap3A_861, %swap3A_862, %swap3A_863], %swap3A_866 {strides = array<i32>} : memref<2x16x128x128xf32, #tpu.memory_space<vmem>>, vector<1x1x128x128xf32>,
    return
  }
  func.func @transform_0(%arg0: i32) -> (i32, i32, i32) {
    %c0_i32 = arith.constant 0 : i32
    %c0_i32_0 = arith.constant 0 : i32
    %c0_i32_1 = arith.constant 0 : i32
    return %arg0, %c0_i32, %c0_i32_0 : i32, i32, i32
  }
  func.func @transform_1(%arg0: i32) -> (i32, i32) {
    %c0_i32 = arith.constant 0 : i32
    %c0_i32_0 = arith.constant 0 : i32
    %c0_i32_1 = arith.constant 0 : i32
    return %c0_i32, %c0_i32_0 : i32, i32
  }
  func.func @transform_2(%arg0: i32) -> (i32, i32, i32) {
    %c0_i32 = arith.constant 0 : i32
    %c0_i32_0 = arith.constant 0 : i32
    %c0_i32_1 = arith.constant 0 : i32
    return %arg0, %c0_i32, %c0_i32_0 : i32, i32, i32
  }
  func.func @transform_3(%arg0: i32) -> (i32, i32) {
    %c0_i32 = arith.constant 0 : i32
    %c0_i32_0 = arith.constant 0 : i32
    %c0_i32_1 = arith.constant 0 : i32
    return %c0_i32, %c0_i32_0 : i32, i32
  }
  func.func @transform_4(%arg0: i32) -> (i32, i32) {
    %c0_i32 = arith.constant 0 : i32
    %c0_i32_0 = arith.constant 0 : i32
    %c0_i32_1 = arith.constant 0 : i32
    return %c0_i32, %c0_i32_0 : i32, i32
  }
  func.func @transform_5(%arg0: i32) -> (i32, i32, i32, i32) {
    %c0_i32 = arith.constant 0 : i32
    %c0_i32_0 = arith.constant 0 : i32
    %c0_i32_1 = arith.constant 0 : i32
    %c0_i32_2 = arith.constant 0 : i32
    return %arg0, %c0_i32, %c0_i32_0, %c0_i32_1 : i32, i32, i32, i32
  }
}

</mosaic_0001>

<sc_bundles>
// kernel: kernel.4.cloned.1.call-start
scs
__scs_entry_jumppad:
0x0: {  	(pc) =	sbr.rel $0x88, $3  }
0x1: {  	(tag) =	ssettag $0x0;
	lr =	simm.s32 $0x1  }
0x2: {  	[smem:$0x3F9A] =	sst lr;
	_ =	strace $0xD0000000  }
0x3: {  	_ = 	snop  }
0x4: {  	_ = 	snop  }
0x5: {  	_ = 	snop  }
0x6: {  	_ = 	snop  }
0x7: {  	_ = 	snop  }
__scs_overlays_trampoline_lowered:
0x8: {  	[smem:$0x3FA9] =	sst s0  }
0x9: {  	[smem:$0x3FAA] =	sst s1  }
0xa: {  	[smem:$0x3FAB] =	sst s2  }
0xb: {  	[smem:$0x3FAC] =	sst s3  }
0xc: {  	[smem:$0x3FAD] =	sst s4  }
0xd: {  	[smem:$0x3FAE] =	sst s5  }
0xe: {  	[smem:$0x3FAF] =	sst s6  }
0xf: {  	[smem:$0x3FB0] =	sst s7  }
0x10: {  	[smem:$0x3FB1] =	sst s8  }
0x11: {  	[smem:$0x3FB2] =	sst s9;
	s0 =	simm.s32 @!p0 $0x0  }
0x12: {  	s1 =	sld [smem:$0x3F98];
	s0 =	simm.s32 @p0 $0x1  }
0x13: {  	[smem:$0x3FB3] =	sst s0;
	s0 =	simm.s32 @!p1 $0x0  }
0x14: {  	s2 =	sld [smem:$0x3F97];
	s0 =	simm.s32 @p1 $0x1  }
0x15: {  	[smem:$0x3FB4] =	sst s0;
	s0 =	simm.s32 @!p2 $0x0  }
0x16: {  	s3 =	sld [smem:$0x3FDB];
	s0 =	simm.s32 @p2 $0x1  }
0x17: {  	s4 =	simm.s32 $0x1BF5;
	[smem:$0x3FB6] =	sst s0  }
0x18: {  	s0 =	sld [smem:$0x3F99];
	_ =	swait.ge [sflag:s4], $0x0  }
0x19: {  	s7 =	sld [smem:$0x3F9A]  }
0x1a: {  	s8 =	sadd.s32 $0xFFFFE003, lr  }
0x1b: {  	s9 =	sadd.s32 $0xFFFFFEF7, lr;
	s5 =	simm.s32 $0xFFFFFFFF;
	p2 =	slt.u32 s8, $0xFFFFF086  }
0x1c: {  	p1 =	slt.u32 s9, $0xF7A;
	s5 =	simm.s32 @!p2 $0x0  }
0x1d: {  	s5 =	simm.s32 @p1 $0x1;
	p0 =	seq.s32 s7, s2  }
0x1e: {  	s7 =	smul.u32 @!p0 $0xF7A, s2;
	p2 =	seq.s32 @!p0 s5, $0x0  }
0x1f: {  	s9 =	smul.u32 $0xF7A, s1;
	s8 =	simm.s32 @!p0 $0x1BF5;
	p2 =	por !p2, p0  }
0x20: {  	[sflag:s8] =	ssyncset.s32 @!p0 $0xFFFFF086;
	s6 =	sadd.s32 @!p0 s3, s7;
	s7 =	simm.s32 @!p0 $0x108  }
0x21: {  	s3 =	sadd.s32 s3, s9;
	s6 =	sadd.s32 @!p0 $0x88, s6;
	s7 =	simm.s32 @p2 $0x1082  }
0x22: {  	[simem:s7], [sflag:s8] =	dma.local @!p0 [hbm:s6], $0xF7A  }
0x23: {  	s9 =	sor.u32 $0xD0000000, s2;
	s6 =	simm.s32 $0x108;
	_ =	swait.ge @!p0 [sflag:s8], $0x0  }
0x24: {  	s3 =	sadd.s32 $0x88, s3;
	s6 =	simm.s32 @!p1 $0x1082;
	[sflag:s4] =	ssyncset.s32 $0xFFFFF086  }
0x25: {  	[simem:s6], [sflag:s4] =	dma.local [hbm:s3], $0xF7A  }
0x26: {  	[smem:$0x3F9A] =	sst s1;
	(tag) =	ssettag s2;
	_ =	strace s9  }
0x27: {  	s1 =	sld [smem:$0x3FAA]  }
0x28: {  	s2 =	sld [smem:$0x3FAB]  }
0x29: {  	s4 =	sld [smem:$0x3FAD]  }
0x2a: {  	p0 =	seq.s32 s5, $0x0;
	s5 =	sld [smem:$0x3FAE]  }
0x2b: {  	s6 =	sld [smem:$0x3FAF]  }
0x2c: {  	s7 =	sld [smem:$0x3FB0]  }
0x2d: {  	s3 =	simm.s32 $0x108;
	s8 =	sld [smem:$0x3FB1]  }
0x2e: {  	s3 =	simm.s32 @!p0 $0x1082;
	s9 =	sld [smem:$0x3FB2]  }
0x2f: {  	lr =	sadd.s32 s0, s3;
	s0 =	sld [smem:$0x3FA9]  }
0x30: {  	s3 =	sld [smem:$0x3FAC]  }
0x31: {  	[smem:$0x3FB5] =	sst s10  }
0x32: {  	s10 =	sld [smem:$0x3FB3];
	_ =	sdelay $0x3  }
0x33: {  	p0 =	seq.s32 s10, $0x1;
	s10 =	sld [smem:$0x3FB5];
	_ =	sdelay $0x3  }
0x34: {  	[smem:$0x3FB5] =	sst s10  }
0x35: {  	s10 =	sld [smem:$0x3FB4];
	_ =	sdelay $0x3  }
0x36: {  	p1 =	seq.s32 s10, $0x1;
	s10 =	sld [smem:$0x3FB5];
	_ =	sdelay $0x3  }
0x37: {  	[smem:$0x3FB5] =	sst s10  }
0x38: {  	s10 =	sld [smem:$0x3FB6]  }
0x39: {  	_ = 	snop;
	(pc) =	sbr.ind lr, $3  }
0x3a: {  	_ = 	snop  }
0x3b: {  	_ = 	snop  }
0x3c: {  	p2 =	seq.s32 s10, $0x1;
	s10 =	sld [smem:$0x3FB5]  }
0x3d: {  	_ =	shalt  }
0x3e: {  	_ =	shalt  }
0x3f: {  	_ =	shalt  }
0x40: {  	_ =	shalt  }
0x41: {  	_ =	shalt  }
0x42: {  	_ =	shalt  }
0x43: {  	_ =	shalt  }
0x44: {  	_ =	shalt  }
0x45: {  	_ =	shalt  }
0x46: {  	_ =	shalt  }
0x47: {  	_ =	shalt  }
0x48: {  	_ =	shalt  }
0x49: {  	_ =	shalt  }
0x4a: {  	_ =	shalt  }
0x4b: {  	_ =	shalt  }
0x4c: {  	_ =	shalt  }
0x4d: {  	_ =	shalt  }
0x4e: {  	_ =	shalt  }
0x4f: {  	_ =	shalt  }
0x50: {  	_ =	shalt  }
0x51: {  	_ =	shalt  }
0x52: {  	_ =	shalt  }
0x53: {  	_ =	shalt  }
0x54: {  	_ =	shalt  }
0x55: {  	_ =	shalt  }
0x56: {  	_ =	shalt  }
0x57: {  	_ =	shalt  }
0x58: {  	_ =	shalt  }
0x59: {  	_ =	shalt  }
0x5a: {  	_ =	shalt  }
0x5b: {  	_ =	shalt  }
0x5c: {  	_ =	shalt  }
0x5d: {  	_ =	shalt  }
0x5e: {  	_ =	shalt  }
0x5f: {  	_ =	shalt  }
0x60: {  	_ =	shalt  }
0x61: {  	_ =	shalt  }
0x62: {  	_ =	shalt  }
0x63: {  	_ =	shalt  }
0x64: {  	_ =	shalt  }
0x65: {  	_ =	shalt  }
0x66: {  	_ =	shalt  }
0x67: {  	_ =	shalt  }
0x68: {  	_ =	shalt  }
0x69: {  	_ =	shalt  }
0x6a: {  	_ =	shalt  }
0x6b: {  	_ =	shalt  }
0x6c: {  	_ =	shalt  }
0x6d: {  	_ =	shalt  }
0x6e: {  	_ =	shalt  }
0x6f: {  	_ =	shalt  }
0x70: {  	_ =	shalt  }
0x71: {  	_ =	shalt  }
0x72: {  	_ =	shalt  }
0x73: {  	_ =	shalt  }
0x74: {  	_ =	shalt  }
0x75: {  	_ =	shalt  }
0x76: {  	_ =	shalt  }
0x77: {  	_ =	shalt  }
0x78: {  	_ =	shalt  }
0x79: {  	_ =	shalt  }
0x7a: {  	_ =	shalt  }
0x7b: {  	_ =	shalt  }
0x7c: {  	_ =	shalt  }
0x7d: {  	_ =	shalt  }
0x7e: {  	_ =	shalt  }
0x7f: {  	_ =	shalt  }
0x80: {  	_ =	shalt  }
0x81: {  	_ =	shalt  }
0x82: {  	_ =	shalt  }
0x83: {  	_ =	shalt  }
0x84: {  	_ =	shalt  }
0x85: {  	_ =	shalt  }
0x86: {  	_ =	shalt  }
0x87: {  	_ =	shalt  }
.Lfunc_end0:
.L_simem_size_0:
called_computation_lowered:
.L_overlay_start_0:
0x88: {  	s2 =	sld [smem:$0x3FD9]  }
0x89: {  	s3 =	sld [smem:$0x3FFE];
	_ =	sdelay $0x1  }
0x8a: {  	s1 =	srdreg.scid  }
0x8b: {  	s0 =	sand.u32 $0x1, s1  }
0x8c: {  	s14 =	sshll.u32 s0, $0xA;
	s2 =	sadd.s32 s3, s2  }
0x8d: {  	s2 =	sadd.s32 s2, s14  }
0x8e: {  	[smem:$0x3FC1] =	sst s2  }
0x8f: {  	_ = 	snop  }
0x90: {  	s2 =	sld [smem:$0x3FD0];
	_ =	sdelay $0x2  }
0x91: {  	s15 =	simm.s32 $0xA;
	s4 =	simm.s32 $0x10  }
0x92: {  	[smem:s4], [sflag:s15] =	dma.local [hbm:s2], $0x1  }
0x93: {  	_ =	swait.eq [sflag:s15], $0x1  }
0x94: {  	[sflag:s15] =	ssyncset.done $0x0  }
0x95: {  	[sflag:s15] =	ssyncadd.s32 $0xFFFFFFFF  }
0x96: {  	s16 =	sld [smem:$0x10];
	(tm) =	ssettm $0x1  }
0x97: {  	s17 =	sld [smem:$0x3FFB];
	_ =	sdelay $0x3  }
0x98: {  	_ =	strace s17  }
0x99: {  	s3 =	sld [smem:$0x3FFC];
	_ =	sdelay $0x3  }
0x9a: {  	_ =	strace s3  }
0x9b: {  	s3 =	sld [smem:$0x3FFD];
	_ =	sdelay $0x3  }
0x9c: {  	_ =	strace s3  }
0x9d: {  	_ =	strace $0x8FFFFFFF  }
0x9e: {  	s18 =	sld [smem:$0x3FDB];
	_ =	sdelay $0x1  }
0x9f: {  	s19 =	simm.s32 $_scs_section_size  }
0xa0: {  	s5 =	simm.s32 $_size__tile_overlayer_lowered;
	s6 =	simm.s32 $_tile_overlayer_lowered  }
0xa1: {  	s22 =	simm.s32 $0x1BFF;
	s21 =	sshll.u32 s6, $0x1;
	s3 =	sadd.s32 s19, s18  }
0xa2: {  	s7 =	simm.s32 $0x0;
	s20 =	sshll.u32 s5, $0x1;
	s5 =	sadd.s32 s21, s3  }
0xa3: {  	[timem:s7], [sflag:s22] =	dma.local [hbm:s5], s20  }
0xa4: {  	_ =	swait.ge [sflag:s22], s20  }
0xa5: {  	s4 =	ssub.s32 $0x0, s20;
	[sflag:s22] =	ssyncset.done $0x0  }
0xa6: {  	[sflag:s22] =	ssyncadd.s32 s4;
	_ =	sdelay $0x1  }
0xa7: {  	s23 =	simm.s32 $0x1B8B  }
0xa8: {  	_ =	swait.ge [sflag:s23], $0x1  }
0xa9: {  	[sflag:s23] =	ssyncset.done $0x0  }
0xaa: {  	s25 =	simm.s32 $0x1B8E;
	s24 =	sld [smem:$0x3FFE];
	[sflag:s23] =	ssyncadd.s32 $0xFFFFFFFF  }
0xab: {  	s26 =	simm.s32 $execute0_lowered;
	[smem:$0x3FD2] =	sst s25  }
0xac: {  	s5 =	sshll.u32 s26, $0x1;
	_ =	strace $0x80000046;
	[dreg:$0x1] =	wrdreg $0xFFFFFFFF  }
0xad: {  	s28 =	simm.s32 $_size_execute0_lowered;
	s3 =	sadd.s32 s3, s5;
	[dreg:$0x0] =	wrdreg $0x0  }
0xae: {  	s5 =	sshll.u32 s28, $0x1;
	[dreg:$0x2] =	wrdreg s3  }
0xaf: {  	[dreg:$0x3] =	wrdreg s5  }
0xb0: {  	[dreg:$0x4] =	wrdreg $0xC0  }
0xb1: {  	_ =	task [dreg:s7], $0x5FFFF  }
0xb2: {  	[dreg:$0x1] =	wrdreg $0xFFFFFFFF  }
0xb3: {  	[dreg:$0x0] =	wrdreg $0x60  }
0xb4: {  	[dreg:$0x2] =	wrdreg s24  }
0xb5: {  	[dreg:$0x3] =	wrdreg s16  }
0xb6: {  	[dreg:$0x4] =	wrdreg $0x9  }
0xb7: {  	_ =	task.clear_ibuf [dreg:s7], $0x5FFFF;
	_ =	strace $0x90000046  }
0xb8: {  	s29 =	simm.s32 $0x9;
	_ =	strace $0x80000048  }
0xb9: {  	_ =	swait.ge [sflag:s29], $0x1  }
0xba: {  	[sflag:s29] =	ssyncadd.s32 $0xFFFFFFFF  }
0xbb: {  	_ =	strace $0x90000048  }
0xbc: {  	_ =	sfence  }
0xbd: {  	s30 =	sld [smem:$0x0];
	_ =	sdelay $0x2  }
0xbe: {  	s31 =	sshll.u32 s1, $0xD;
	s1 =	sshrl.u32 s1, $0x2  }
0xbf: {  	s3 =	sand.u32 $0x4000, s31;
	s1 =	sadd.s32 s1, s30  }
0xc0: {  	s0 =	sor.u32 s3, s0;
	s1 =	sshll.u32 s1, $0x11  }
0xc1: {  	s0 =	sor.u32 s1, s0  }
0xc2: {  	s0 =	sadd.s32 $0x8F2B, s0  }
0xc3: {  	[sflag:s0] =	ssyncadd.remote.s32 $0x1  }
0xc4: {  	_ =	sfence.sel $0xFFFF  }
0xc5: {  	[dreg:$0x0] =	wrdreg $0xFFFFFFFF;
	(pc) =	sbr.abs _section_cstart, $3  }
0xc6: {  	[dreg:$0x1] =	wrdreg $0xFFFFFFFF  }
0xc7: {  	_ =	task.clear_ibuf [dreg:s7], $0x2FFFF;
	_ =	strace $0x9FFFFFFF  }
0xc8: {  	(tm) =	ssettm $0x7FFFFFFF  }
0xc9: {  	_ =	shalt  }
tec
execute0_lowered:
.L_overlay_start_1:
0x0: {  	(tag) =	ssettag $0x1  }
0x1: {  	s0 =	srdreg.scid;
	s1 =	rddreg [dreg:$0x0]  }
0x2: {  	s2 =	stileid.u32;
	s4 =	rddreg [dreg:$0x1];
	s0 =	sand.u32 $0x1, s0  }
0x3: {  	s3 =	sshll.u32 s2, $0xA;
	s2 =	simm.s32 $0x0;
	s5 =	sshll.u32 s0, $0x9  }
0x4: {  	s31 =	simm.s32 $0x200;
	[smem:$0x7FF] =	sst s2;
	s5 =	sor.u32 s5, s3  }
0x5: {  	_ =	strace $0x80000047;
	s3 =	sshrl.u32 s5, $0x3;
	s5 =	sshll.u32 s5, $0x6  }
0x6: {  	[dreg:$0x8] =	wrdreg s31;
	s6 =	sadd.s32 s3, s1;
	s26 =	sadd.s32 s4, s5  }
0x7: {  	s7 =	sadd.s32 $0x1400, s6;
	[dreg:$0x9] =	wrdreg s26  }
0x8: {  	s9 =	simm.s32 $0x1;
	s6 =	sadd.s32 $0x1C00, s6;
	[dreg:$0x3] =	wrdreg s7  }
0x9: {  	s0 =	ssub.s32 $0x2, s0;
	s4 =	sadd.s32 $0x2000, s26;
	[dreg:$0x4] =	wrdreg s6  }
0xa: {  	s28 =	sshrl.u32 s0, $0x1;
	s29 =	sadd.s32 $0x4000, s26;
	[dreg:$0x5] =	wrdreg s4  }
0xb: {  	v2 =	vlaneseq.u32;
	s0 =	ssub.s32 s0, s28;
	s30 =	sadd.s32 $0x6000, s26;
	[dreg:$0x6] =	wrdreg s29  }
0xc: {  	vm0 =	vmmov $0xffff;
	v1 =	vshrl.u32 v2, $0x3;
	s3 =	sadd.s32 $0x2400, s1;
	s5 =	sadd.s32 $0x2500, s1;
	[dreg:$0x7] =	wrdreg s30  }
0xd: {  	v0 =	vand.u32 $0x7, v2;
	v2 =	vor.u32 $0x8, v2;
	v1 =	vmul.u32 $0x8, v1;
	s6 =	smax.u32 s0, $0x1;
	s7 =	simm.s32 $0x2;
	s0 =	simm.s32 $0x600  }
.LBB2_1:
0xe: {  	s16 =	rddreg [dreg:$0x3]  }
0xf: {  	[tilespmem:s2], [sflag:$0x2] =	stream.linear.gather [hbm4b:s16+s2], $0x200, $0x38;
	[tilespmem:$0x10600] =	vst v63  }
0x10: {  	_ =	swait.ge [sflag:s7], $0x200  }
0x11: {  	s15 =	rddreg [dreg:$0x4];
	[sflag:s7] =	ssyncset.done $0x0  }
0x12: {  	s17 =	rddreg [dreg:$0x8];
	[sflag:s7] =	ssyncadd.s32 $0xFFFFFE00  }
0x13: {  	[tilespmem:s17], [sflag:$0x2] =	stream.linear.gather [hbm4b:s15+s2], $0x200, $0x38;
	[tilespmem:$0x10600] =	vst v63  }
0x14: {  	_ =	swait.ge [sflag:s7], $0x200  }
0x15: {  	[sflag:s7] =	ssyncset.done $0x0  }
0x16: {  	[sflag:s7] =	ssyncadd.s32 $0xFFFFFE00  }
0x17: {  	v3 =	vld [tilespmem:$0x0]  }
0x18: {  	v4 =	vld [tilespmem:$0x200]  }
0x19: {  	v5 =	vld [tilespmem:$0x10]  }
0x1a: {  	v6 =	vld [tilespmem:$0x210]  }
0x1b: {  	v7 =	vld [tilespmem:$0x20]  }
0x1c: {  	v8 =	vld [tilespmem:$0x220]  }
0x1d: {  	v9 =	vld [tilespmem:$0x30]  }
0x1e: {  	v10 =	vld [tilespmem:$0x230]  }
0x1f: {  	v11 =	vld [tilespmem:$0x40]  }
0x20: {  	v12 =	vld [tilespmem:$0x240]  }
0x21: {  	v13 =	vld [tilespmem:$0x50]  }
0x22: {  	v14 =	vld [tilespmem:$0x250]  }
0x23: {  	v15 =	vld [tilespmem:$0x60]  }
0x24: {  	v16 =	vld [tilespmem:$0x260]  }
0x25: {  	v17 =	vld [tilespmem:$0x70]  }
0x26: {  	v18 =	vld [tilespmem:$0x270]  }
0x27: {  	v19 =	vld [tilespmem:$0x80]  }
0x28: {  	v20 =	vld [tilespmem:$0x280]  }
0x29: {  	v21 =	vld [tilespmem:$0x90]  }
0x2a: {  	v22 =	vld [tilespmem:$0x290]  }
0x2b: {  	v23 =	vld [tilespmem:$0xA0]  }
0x2c: {  	v24 =	vld [tilespmem:$0x2A0]  }
0x2d: {  	v25 =	vld [tilespmem:$0xB0]  }
0x2e: {  	v26 =	vld [tilespmem:$0x2B0]  }
0x2f: {  	v27 =	vld [tilespmem:$0xC0]  }
0x30: {  	v28 =	vld [tilespmem:$0x2C0]  }
0x31: {  	v29 =	vld [tilespmem:$0xD0]  }
0x32: {  	v30 =	vld [tilespmem:$0x2D0]  }
0x33: {  	v31 =	vld [tilespmem:$0xE0]  }
0x34: {  	v32 =	vld [tilespmem:$0x2E0]  }
0x35: {  	v33 =	vld [tilespmem:$0xF0]  }
0x36: {  	v34 =	vld [tilespmem:$0x2F0]  }
0x37: {  	v35 =	vld [tilespmem:$0x100]  }
0x38: {  	v36 =	vld [tilespmem:$0x300]  }
0x39: {  	v37 =	vld [tilespmem:$0x110]  }
0x3a: {  	v38 =	vld [tilespmem:$0x310]  }
0x3b: {  	v39 =	vld [tilespmem:$0x120];
	v5 =	vshll.u32 v5, $0x2  }
0x3c: {  	v54 =	vld [tilespmem:$0x160];
	v63 =	vshll.u32 v7, $0x2;
	v5 =	vadd.s32 v6, v5  }
0x3d: {  	v57 =	vld [tilespmem:$0x360];
	v41 =	vshll.u32 v9, $0x2;
	v40 =	vadd.s32 v8, v63;
	[tilespmem:$0x410] =	vst v5  }
0x3e: {  	v60 =	vld [tilespmem:$0x170];
	v43 =	vshll.u32 v11, $0x2;
	v42 =	vadd.s32 v10, v41;
	[tilespmem:$0x420] =	vst v40  }
0x3f: {  	v7 =	vld [tilespmem:$0x320];
	v45 =	vshll.u32 v13, $0x2;
	v44 =	vadd.s32 v12, v43;
	[tilespmem:$0x430] =	vst v42  }
0x40: {  	v9 =	vld [tilespmem:$0x330];
	v47 =	vshll.u32 v15, $0x2;
	v46 =	vadd.s32 v14, v45;
	[tilespmem:$0x440] =	vst v44  }
0x41: {  	v11 =	vld [tilespmem:$0x340];
	v49 =	vshll.u32 v17, $0x2;
	v48 =	vadd.s32 v16, v47;
	[tilespmem:$0x450] =	vst v46  }
0x42: {  	v51 =	vshll.u32 v19, $0x2;
	v13 =	vld [tilespmem:$0x350];
	v53 =	vshll.u32 v21, $0x2;
	v50 =	vadd.s32 v18, v49;
	[tilespmem:$0x460] =	vst v48  }
0x43: {  	v56 =	vshll.u32 v23, $0x2;
	v59 =	vshll.u32 v25, $0x2;
	v25 =	vld [tilespmem:$0x180];
	v52 =	vadd.s32 v20, v51;
	[tilespmem:$0x470] =	vst v50  }
0x44: {  	v62 =	vshll.u32 v27, $0x2;
	v27 =	vshll.u32 v31, $0x2;
	v31 =	vld [tilespmem:$0x190];
	v55 =	vadd.s32 v22, v53;
	[tilespmem:$0x480] =	vst v52  }
0x45: {  	v21 =	vld [tilespmem:$0x3F0];
	v58 =	vadd.s32 v24, v56;
	[tilespmem:$0x490] =	vst v55  }
0x46: {  	v8 =	vld [tilespmem:$0x130];
	v61 =	vadd.s32 v26, v59;
	[tilespmem:$0x4A0] =	vst v58  }
0x47: {  	v10 =	vld [tilespmem:$0x140];
	v23 =	vadd.s32 v28, v62;
	[tilespmem:$0x4B0] =	vst v61  }
0x48: {  	v3 =	vshll.u32 v3, $0x2;
	v12 =	vld [tilespmem:$0x150];
	v24 =	vshll.u32 v29, $0x2;
	v29 =	vadd.s32 v32, v27;
	[tilespmem:$0x4C0] =	vst v23  }
0x49: {  	v63 =	vld [tilespmem:$0x370];
	v3 =	vadd.s32 v4, v3;
	[tilespmem:$0x4E0] =	vst v29  }
0x4a: {  	v28 =	vld [tilespmem:$0x380];
	v53 =	vshll.u32 v54, $0x2;
	v26 =	vadd.s32 v30, v24;
	[tilespmem:$0x400] =	vst v3  }
0x4b: {  	v45 =	vld [tilespmem:$0x1B0];
	v30 =	vshll.u32 v33, $0x2;
	v55 =	vadd.s32 v57, v53;
	[tilespmem:$0x4D0] =	vst v26  }
0x4c: {  	v51 =	vld [tilespmem:$0x1C0];
	v33 =	vshll.u32 v35, $0x2;
	v32 =	vadd.s32 v34, v30;
	[tilespmem:$0x560] =	vst v55  }
0x4d: {  	v54 =	vld [tilespmem:$0x3C0];
	v35 =	vadd.s32 v36, v33;
	v36 =	vshll.u32 v37, $0x2;
	[tilespmem:$0x4F0] =	vst v32  }
0x4e: {  	v41 =	vshll.u32 v39, $0x2;
	v56 =	vld [tilespmem:$0x1D0];
	[tilespmem:$0x500] =	vst v35;
	v40 =	vadd.s32 v38, v36  }
0x4f: {  	v59 =	vld [tilespmem:$0x3D0];
	v57 =	vshll.u32 v60, $0x2;
	[tilespmem:$0x510] =	vst v40;
	v43 =	vadd.s32 v7, v41  }
0x50: {  	v48 =	vld [tilespmem:$0x3B0];
	v58 =	vshll.u32 v25, $0x2;
	[tilespmem:$0x520] =	vst v43;
	v4 =	vadd.s32 v63, v57  }
0x51: {  	v18 =	vld [tilespmem:$0x1F0];
	v44 =	vshll.u32 v8, $0x2;
	v5 =	vadd.s32 v28, v58;
	[tilespmem:$0x570] =	vst v4  }
0x52: {  	v42 =	vld [tilespmem:$0x3A0];
	v61 =	vshll.u32 v3, $0x2;
	v47 =	vshll.u32 v10, $0x2;
	v46 =	vadd.s32 v9, v44;
	[tilespmem:$0x580] =	vst v5  }
0x53: {  	v3 =	vand.u32 $0x7, v3;
	v34 =	vld [tilespmem:$0x390];
	v50 =	vshll.u32 v12, $0x2;
	v49 =	vadd.s32 v11, v47;
	[tilespmem:$0x530] =	vst v46  }
0x54: {  	v37 =	vld [tilespmem:$0x1A0];
	v20 =	vshll.u32 v45, $0x2;
	v52 =	vadd.s32 v13, v50;
	v13 =	vand.u32 $0xFFFFFFE0, v61;
	[tilespmem:$0x540] =	vst v49  }
0x55: {  	v60 =	vld [tilespmem:$0x1E0];
	v24 =	vshll.u32 v51, $0x2;
	v23 =	vadd.s32 v48, v20;
	[tilespmem:$0x550] =	vst v52;
	v3 =	vor.u32 v3, v13  }
0x56: {  	v63 =	vld [tilespmem:$0x3E0];
	v26 =	vshll.u32 v56, $0x2;
	v25 =	vadd.s32 v54, v24;
	[tilespmem:$0x5B0] =	vst v23;
	v22 =	vperm.xlane v3, v0  }
0x57: {  	v62 =	vshll.u32 v31, $0x2;
	v31 =	vshll.u32 v18, $0x2;
	v28 =	vadd.s32 v59, v26;
	[tilespmem:$0x5C0] =	vst v25  }
0x58: {  	v32 =	vadd.s32 v21, v31;
	[tilespmem:$0x5D0] =	vst v28;
	v27 =	vadd.s32 v1, v22  }
0x59: {  	v4 =	vadd.s32 v34, v62;
	v17 =	vshll.u32 v37, $0x2;
	[tilespmem:$0x5F0] =	vst v32  }
0x5a: {  	v29 =	vshll.u32 v60, $0x2;
	[tilespmem:$0x590] =	vst v4;
	v19 =	vadd.s32 v42, v17;
	v3 =	vperm.xlane v3, v2  }
0x5b: {  	[tilespmem:$0x5A0] =	vst v19;
	v30 =	vadd.s32 v63, v29  }
0x5c: {  	v3 =	vadd.s32 v1, v3;
	[tilespmem:$0x5E0] =	vst v30  }
0x5d: {  	[tilespmem:s0], [sflag:$0x1] =	stream.indirect_vreg.gather [hbm4b:s3+s2], $0x80, v27, vm0, $0xb8;
	[tilespmem:$0x10600] =	vst v63  }
0x5e: {  	s1 =	simm.s32 $0xE00  }
0x5f: {  	[tilespmem:s1], [sflag:$0x1] =	stream.indirect_vreg.gather [hbm4b:s5+s2], $0x80, v27, vm0, $0xb8;
	[tilespmem:$0x10600] =	vst v63  }
0x60: {  	s18 =	simm.s32 $0x1600  }
0x61: {  	[tilespmem:s18], [sflag:$0x1] =	stream.indirect_vreg.gather [hbm4b:s3+s2], $0x80, v3, vm0, $0xb8;
	[tilespmem:$0x10600] =	vst v63  }
0x62: {  	s19 =	simm.s32 $0x1E00  }
0x63: {  	[tilespmem:s19], [sflag:$0x1] =	stream.indirect_vreg.gather [hbm4b:s5+s2], $0x80, v3, vm0, $0xb8;
	[tilespmem:$0x10600] =	vst v63  }
0x64: {  	v3 =	vld [tilespmem:$0x410];
	_ =	sdelay $0x4  }
0x65: {  	v33 =	vshll.u32 v3, $0x2  }
0x66: {  	v3 =	vand.u32 $0x7, v3;
	v4 =	vand.u32 $0xFFFFFFE0, v33  }
0x67: {  	v3 =	vor.u32 v3, v4  }
0x68: {  	v4 =	vperm.xlane v3, v0;
	_ =	sdelay $0x1  }
0x69: {  	v4 =	vadd.s32 v1, v4;
	_ =	sdelay $0x1  }
0x6a: {  	v3 =	vperm.xlane v3, v2;
	_ =	sdelay $0x1  }
0x6b: {  	s20 =	simm.s32 $0x2600;
	v3 =	vadd.s32 v1, v3  }
0x6c: {  	[tilespmem:s20], [sflag:$0x1] =	stream.indirect_vreg.gather [hbm4b:s3+s2], $0x80, v4, vm0, $0xb8;
	[tilespmem:$0x10600] =	vst v63  }
0x6d: {  	s21 =	simm.s32 $0x2E00  }
0x6e: {  	[tilespmem:s21], [sflag:$0x1] =	stream.indirect_vreg.gather [hbm4b:s5+s2], $0x80, v4, vm0, $0xb8;
	[tilespmem:$0x10600] =	vst v63  }
0x6f: {  	s22 =	simm.s32 $0x3600  }
0x70: {  	[tilespmem:s22], [sflag:$0x1] =	stream.indirect_vreg.gather [hbm4b:s3+s2], $0x80, v3, vm0, $0xb8;
	[tilespmem:$0x10600] =	vst v63  }
0x71: {  	s23 =	simm.s32 $0x3E00  }
0x72: {  	[tilespmem:s23], [sflag:$0x1] =	stream.indirect_vreg.gather [hbm4b:s5+s2], $0x80, v3, vm0, $0xb8;
	[tilespmem:$0x10600] =	vst v63  }
0x73: {  	v3 =	vld [tilespmem:$0x420];
	_ =	sdelay $0x4  }
0x74: {  	v34 =	vshll.u32 v3, $0x2  }
0x75: {  	v3 =	vand.u32 $0x7, v3;
	v4 =	vand.u32 $0xFFFFFFE0, v34  }
0x76: {  	v3 =	vor.u32 v3, v4  }
0x77: {  	v4 =	vperm.xlane v3, v0;
	_ =	sdelay $0x1  }
0x78: {  	v4 =	vadd.s32 v1, v4;
	_ =	sdelay $0x1  }
0x79: {  	v3 =	vperm.xlane v3, v2;
	_ =	sdelay $0x1  }
0x7a: {  	s24 =	simm.s32 $0x4600;
	v3 =	vadd.s32 v1, v3  }
0x7b: {  	[tilespmem:s24], [sflag:$0x1] =	stream.indirect_vreg.gather [hbm4b:s3+s2], $0x80, v4, vm0, $0xb8;
	[tilespmem:$0x10600] =	vst v63  }
0x7c: {  	s25 =	simm.s32 $0x4E00  }
0x7d: {  	[tilespmem:s25], [sflag:$0x1] =	stream.indirect_vreg.gather [hbm4b:s5+s2], $0x80, v4, vm0, $0xb8;
	[tilespmem:$0x10600] =	vst v63  }
0x7e: {  	s26 =	simm.s32 $0x5600  }
0x7f: {  	[tilespmem:s26], [sflag:$0x1] =	stream.indirect_vreg.gather [hbm4b:s3+s2], $0x80, v3, vm0, $0xb8;
	[tilespmem:$0x10600] =	vst v63  }
0x80: {  	s28 =	simm.s32 $0x5E00  }
0x81: {  	[tilespmem:s28], [sflag:$0x1] =	stream.indirect_vreg.gather [hbm4b:s5+s2], $0x80, v3, vm0, $0xb8;
	[tilespmem:$0x10600] =	vst v63  }
0x82: {  	v3 =	vld [tilespmem:$0x430];
	_ =	sdelay $0x4  }
0x83: {  	v35 =	vshll.u32 v3, $0x2  }
0x84: {  	v3 =	vand.u32 $0x7, v3;
	v4 =	vand.u32 $0xFFFFFFE0, v35  }
0x85: {  	v3 =	vor.u32 v3, v4  }
0x86: {  	v4 =	vperm.xlane v3, v0;
	_ =	sdelay $0x1  }
0x87: {  	v4 =	vadd.s32 v1, v4;
	_ =	sdelay $0x1  }
0x88: {  	v3 =	vperm.xlane v3, v2;
	_ =	sdelay $0x1  }
0x89: {  	s29 =	simm.s32 $0x6600;
	v3 =	vadd.s32 v1, v3  }
0x8a: {  	[tilespmem:s29], [sflag:$0x1] =	stream.indirect_vreg.gather [hbm4b:s3+s2], $0x80, v4, vm0, $0xb8;
	[tilespmem:$0x10600] =	vst v63  }
0x8b: {  	s30 =	simm.s32 $0x6E00  }
0x8c: {  	[tilespmem:s30], [sflag:$0x1] =	stream.indirect_vreg.gather [hbm4b:s5+s2], $0x80, v4, vm0, $0xb8;
	[tilespmem:$0x10600] =	vst v63  }
0x8d: {  	s31 =	simm.s32 $0x7600  }
0x8e: {  	[tilespmem:s31], [sflag:$0x1] =	stream.indirect_vreg.gather [hbm4b:s3+s2], $0x80, v3, vm0, $0xb8;
	[tilespmem:$0x10600] =	vst v63  }
0x8f: {  	s4 =	simm.s32 $0x7E00  }
0x90: {  	[tilespmem:s4], [sflag:$0x1] =	stream.indirect_vreg.gather [hbm4b:s5+s2], $0x80, v3, vm0, $0xb8;
	[tilespmem:$0x10600] =	vst v63  }
0x91: {  	v3 =	vld [tilespmem:$0x440];
	_ =	sdelay $0x4  }
0x92: {  	v36 =	vshll.u32 v3, $0x2  }
0x93: {  	v3 =	vand.u32 $0x7, v3;
	v4 =	vand.u32 $0xFFFFFFE0, v36  }
0x94: {  	v3 =	vor.u32 v3, v4  }
0x95: {  	v4 =	vperm.xlane v3, v0;
	_ =	sdelay $0x1  }
0x96: {  	v4 =	vadd.s32 v1, v4;
	_ =	sdelay $0x1  }
0x97: {  	v3 =	vperm.xlane v3, v2;
	_ =	sdelay $0x1  }
0x98: {  	s4 =	simm.s32 $0x8600;
	v3 =	vadd.s32 v1, v3  }
0x99: {  	[tilespmem:s4], [sflag:$0x1] =	stream.indirect_vreg.gather [hbm4b:s3+s2], $0x80, v4, vm0, $0xb8;
	[tilespmem:$0x10600] =	vst v63  }
0x9a: {  	s8 =	simm.s32 $0x8E00  }
0x9b: {  	[tilespmem:s8], [sflag:$0x1] =	stream.indirect_vreg.gather [hbm4b:s5+s2], $0x80, v4, vm0, $0xb8;
	[tilespmem:$0x10600] =	vst v63  }
0x9c: {  	s10 =	simm.s32 $0x9600  }
0x9d: {  	[tilespmem:s10], [sflag:$0x1] =	stream.indirect_vreg.gather [hbm4b:s3+s2], $0x80, v3, vm0, $0xb8;
	[tilespmem:$0x10600] =	vst v63  }
0x9e: {  	s11 =	simm.s32 $0x9E00  }
0x9f: {  	[tilespmem:s11], [sflag:$0x1] =	stream.indirect_vreg.gather [hbm4b:s5+s2], $0x80, v3, vm0, $0xb8;
	[tilespmem:$0x10600] =	vst v63  }
0xa0: {  	v3 =	vld [tilespmem:$0x450];
	_ =	sdelay $0x4  }
0xa1: {  	v37 =	vshll.u32 v3, $0x2  }
0xa2: {  	v3 =	vand.u32 $0x7, v3;
	v4 =	vand.u32 $0xFFFFFFE0, v37  }
0xa3: {  	v3 =	vor.u32 v3, v4  }
0xa4: {  	v4 =	vperm.xlane v3, v0;
	_ =	sdelay $0x1  }
0xa5: {  	v4 =	vadd.s32 v1, v4;
	_ =	sdelay $0x1  }
0xa6: {  	v3 =	vperm.xlane v3, v2;
	_ =	sdelay $0x1  }
0xa7: {  	s13 =	simm.s32 $0xA600;
	v3 =	vadd.s32 v1, v3  }
0xa8: {  	[tilespmem:s13], [sflag:$0x1] =	stream.indirect_vreg.gather [hbm4b:s3+s2], $0x80, v4, vm0, $0xb8;
	[tilespmem:$0x10600] =	vst v63  }
0xa9: {  	s16 =	simm.s32 $0xAE00  }
0xaa: {  	[tilespmem:s16], [sflag:$0x1] =	stream.indirect_vreg.gather [hbm4b:s5+s2], $0x80, v4, vm0, $0xb8;
	[tilespmem:$0x10600] =	vst v63  }
0xab: {  	s17 =	simm.s32 $0xB600  }
0xac: {  	[tilespmem:s17], [sflag:$0x1] =	stream.indirect_vreg.gather [hbm4b:s3+s2], $0x80, v3, vm0, $0xb8;
	[tilespmem:$0x10600] =	vst v63  }
0xad: {  	s20 =	simm.s32 $0xBE00  }
0xae: {  	[tilespmem:s20], [sflag:$0x1] =	stream.indirect_vreg.gather [hbm4b:s5+s2], $0x80, v3, vm0, $0xb8;
	[tilespmem:$0x10600] =	vst v63  }
0xaf: {  	v3 =	vld [tilespmem:$0x460];
	_ =	sdelay $0x4  }
0xb0: {  	v38 =	vshll.u32 v3, $0x2  }
0xb1: {  	v3 =	vand.u32 $0x7, v3;
	v4 =	vand.u32 $0xFFFFFFE0, v38  }
0xb2: {  	v3 =	vor.u32 v3, v4  }
0xb3: {  	v4 =	vperm.xlane v3, v0;
	_ =	sdelay $0x1  }
0xb4: {  	v4 =	vadd.s32 v1, v4;
	_ =	sdelay $0x1  }
0xb5: {  	v3 =	vperm.xlane v3, v2;
	_ =	sdelay $0x1  }
0xb6: {  	s22 =	simm.s32 $0xC600;
	v3 =	vadd.s32 v1, v3  }
0xb7: {  	[tilespmem:s22], [sflag:$0x1] =	stream.indirect_vreg.gather [hbm4b:s3+s2], $0x80, v4, vm0, $0xb8;
	[tilespmem:$0x10600] =	vst v63  }
0xb8: {  	s23 =	simm.s32 $0xCE00  }
0xb9: {  	[tilespmem:s23], [sflag:$0x1] =	stream.indirect_vreg.gather [hbm4b:s5+s2], $0x80, v4, vm0, $0xb8;
	[tilespmem:$0x10600] =	vst v63  }
0xba: {  	s24 =	simm.s32 $0xD600  }
0xbb: {  	[tilespmem:s24], [sflag:$0x1] =	stream.indirect_vreg.gather [hbm4b:s3+s2], $0x80, v3, vm0, $0xb8;
	[tilespmem:$0x10600] =	vst v63  }
0xbc: {  	s25 =	simm.s32 $0xDE00  }
0xbd: {  	[tilespmem:s25], [sflag:$0x1] =	stream.indirect_vreg.gather [hbm4b:s5+s2], $0x80, v3, vm0, $0xb8;
	[tilespmem:$0x10600] =	vst v63  }
0xbe: {  	v3 =	vld [tilespmem:$0x470];
	_ =	sdelay $0x4  }
0xbf: {  	v39 =	vshll.u32 v3, $0x2  }
0xc0: {  	v3 =	vand.u32 $0x7, v3;
	v4 =	vand.u32 $0xFFFFFFE0, v39  }
0xc1: {  	v3 =	vor.u32 v3, v4  }
0xc2: {  	v4 =	vperm.xlane v3, v0;
	_ =	sdelay $0x1  }
0xc3: {  	v4 =	vadd.s32 v1, v4;
	_ =	sdelay $0x1  }
0xc4: {  	v3 =	vperm.xlane v3, v2;
	_ =	sdelay $0x1  }
0xc5: {  	s26 =	simm.s32 $0xE600;
	v3 =	vadd.s32 v1, v3  }
0xc6: {  	[tilespmem:s26], [sflag:$0x1] =	stream.indirect_vreg.gather [hbm4b:s3+s2], $0x80, v4, vm0, $0xb8;
	[tilespmem:$0x10600] =	vst v63  }
0xc7: {  	s28 =	simm.s32 $0xEE00  }
0xc8: {  	[tilespmem:s28], [sflag:$0x1] =	stream.indirect_vreg.gather [hbm4b:s5+s2], $0x80, v4, vm0, $0xb8;
	[tilespmem:$0x10600] =	vst v63  }
0xc9: {  	s29 =	simm.s32 $0xF600  }
0xca: {  	[tilespmem:s29], [sflag:$0x1] =	stream.indirect_vreg.gather [hbm4b:s3+s2], $0x80, v3, vm0, $0xb8;
	[tilespmem:$0x10600] =	vst v63  }
0xcb: {  	s30 =	simm.s32 $0xFE00  }
0xcc: {  	[tilespmem:s30], [sflag:$0x1] =	stream.indirect_vreg.gather [hbm4b:s5+s2], $0x80, v3, vm0, $0xb8;
	[tilespmem:$0x10600] =	vst v63  }
0xcd: {  	_ =	swait.ge [sflag:s9], $0x10000  }
0xce: {  	[sflag:s9] =	ssyncset.done $0x0  }
0xcf: {  	s31 =	rddreg [dreg:$0x9];
	[sflag:s9] =	ssyncadd.s32 $0xFFFF0000  }
0xd0: {  	[hbm4b:s31+s2] =	stream.linear.scatter [tilespmem:s0], [sflag:$0x2], $0x10000, $0x38;
	[tilespmem:$0x10600] =	vst v63  }
0xd1: {  	_ =	swait.ge [sflag:s7], $0x10000  }
0xd2: {  	[sflag:s7] =	ssyncset.done $0x0  }
0xd3: {  	[sflag:s7] =	ssyncadd.s32 $0xFFFF0000  }
0xd4: {  	v3 =	vld [tilespmem:$0x480];
	_ =	sdelay $0x4  }
0xd5: {  	v40 =	vshll.u32 v3, $0x2  }
0xd6: {  	v3 =	vand.u32 $0x7, v3;
	v4 =	vand.u32 $0xFFFFFFE0, v40  }
0xd7: {  	v3 =	vor.u32 v3, v4  }
0xd8: {  	v4 =	vperm.xlane v3, v0;
	_ =	sdelay $0x1  }
0xd9: {  	v4 =	vadd.s32 v1, v4;
	_ =	sdelay $0x1  }
0xda: {  	v3 =	vperm.xlane v3, v2;
	_ =	sdelay $0x1  }
0xdb: {  	v3 =	vadd.s32 v1, v3  }
0xdc: {  	[tilespmem:s0], [sflag:$0x1] =	stream.indirect_vreg.gather [hbm4b:s3+s2], $0x80, v4, vm0, $0xb8;
	[tilespmem:$0x10600] =	vst v63  }
0xdd: {  	s14 =	simm.s32 $0xE00  }
0xde: {  	[tilespmem:s14], [sflag:$0x1] =	stream.indirect_vreg.gather [hbm4b:s5+s2], $0x80, v4, vm0, $0xb8;
	[tilespmem:$0x10600] =	vst v63  }
0xdf: {  	s12 =	simm.s32 $0x1600  }
0xe0: {  	[tilespmem:s12], [sflag:$0x1] =	stream.indirect_vreg.gather [hbm4b:s3+s2], $0x80, v3, vm0, $0xb8;
	[tilespmem:$0x10600] =	vst v63  }
0xe1: {  	s22 =	simm.s32 $0x1E00  }
0xe2: {  	[tilespmem:s22], [sflag:$0x1] =	stream.indirect_vreg.gather [hbm4b:s5+s2], $0x80, v3, vm0, $0xb8;
	[tilespmem:$0x10600] =	vst v63  }
0xe3: {  	v3 =	vld [tilespmem:$0x490];
	_ =	sdelay $0x4  }
0xe4: {  	v41 =	vshll.u32 v3, $0x2  }
0xe5: {  	v3 =	vand.u32 $0x7, v3;
	v4 =	vand.u32 $0xFFFFFFE0, v41  }
0xe6: {  	v3 =	vor.u32 v3, v4  }
0xe7: {  	v4 =	vperm.xlane v3, v0;
	_ =	sdelay $0x1  }
0xe8: {  	v4 =	vadd.s32 v1, v4;
	_ =	sdelay $0x1  }
0xe9: {  	v3 =	vperm.xlane v3, v2;
	_ =	sdelay $0x1  }
0xea: {  	s15 =	simm.s32 $0x2600;
	v3 =	vadd.s32 v1, v3  }
0xeb: {  	[tilespmem:s15], [sflag:$0x1] =	stream.indirect_vreg.gather [hbm4b:s3+s2], $0x80, v4, vm0, $0xb8;
	[tilespmem:$0x10600] =	vst v63  }
0xec: {  	s19 =	simm.s32 $0x2E00  }
0xed: {  	[tilespmem:s19], [sflag:$0x1] =	stream.indirect_vreg.gather [hbm4b:s5+s2], $0x80, v4, vm0, $0xb8;
	[tilespmem:$0x10600] =	vst v63  }
0xee: {  	s21 =	simm.s32 $0x3600  }
0xef: {  	[tilespmem:s21], [sflag:$0x1] =	stream.indirect_vreg.gather [hbm4b:s3+s2], $0x80, v3, vm0, $0xb8;
	[tilespmem:$0x10600] =	vst v63  }
0xf0: {  	s23 =	simm.s32 $0x3E00  }
0xf1: {  	[tilespmem:s23], [sflag:$0x1] =	stream.indirect_vreg.gather [hbm4b:s5+s2], $0x80, v3, vm0, $0xb8;
	[tilespmem:$0x10600] =	vst v63  }
0xf2: {  	v3 =	vld [tilespmem:$0x4A0];
	_ =	sdelay $0x4  }
0xf3: {  	v42 =	vshll.u32 v3, $0x2  }
0xf4: {  	v3 =	vand.u32 $0x7, v3;
	v4 =	vand.u32 $0xFFFFFFE0, v42  }
0xf5: {  	v3 =	vor.u32 v3, v4  }
0xf6: {  	v4 =	vperm.xlane v3, v0;
	_ =	sdelay $0x1  }
0xf7: {  	v4 =	vadd.s32 v1, v4;
	_ =	sdelay $0x1  }
0xf8: {  	v3 =	vperm.xlane v3, v2;
	_ =	sdelay $0x1  }
0xf9: {  	s24 =	simm.s32 $0x4600;
	v3 =	vadd.s32 v1, v3  }
0xfa: {  	[tilespmem:s24], [sflag:$0x1] =	stream.indirect_vreg.gather [hbm4b:s3+s2], $0x80, v4, vm0, $0xb8;
	[tilespmem:$0x10600] =	vst v63  }
0xfb: {  	s25 =	simm.s32 $0x4E00  }
0xfc: {  	[tilespmem:s25], [sflag:$0x1] =	stream.indirect_vreg.gather [hbm4b:s5+s2], $0x80, v4, vm0, $0xb8;
	[tilespmem:$0x10600] =	vst v63  }
0xfd: {  	s26 =	simm.s32 $0x5600  }
0xfe: {  	[tilespmem:s26], [sflag:$0x1] =	stream.indirect_vreg.gather [hbm4b:s3+s2], $0x80, v3, vm0, $0xb8;
	[tilespmem:$0x10600] =	vst v63  }
0xff: {  	s28 =	simm.s32 $0x5E00  }
0x100: {  	[tilespmem:s28], [sflag:$0x1] =	stream.indirect_vreg.gather [hbm4b:s5+s2], $0x80, v3, vm0, $0xb8;
	[tilespmem:$0x10600] =	vst v63  }
0x101: {  	v3 =	vld [tilespmem:$0x4B0];
	_ =	sdelay $0x4  }
0x102: {  	v43 =	vshll.u32 v3, $0x2  }
0x103: {  	v3 =	vand.u32 $0x7, v3;
	v4 =	vand.u32 $0xFFFFFFE0, v43  }
0x104: {  	v3 =	vor.u32 v3, v4  }
0x105: {  	v4 =	vperm.xlane v3, v0;
	_ =	sdelay $0x1  }
0x106: {  	v4 =	vadd.s32 v1, v4;
	_ =	sdelay $0x1  }
0x107: {  	v3 =	vperm.xlane v3, v2;
	_ =	sdelay $0x1  }
0x108: {  	s29 =	simm.s32 $0x6600;
	v3 =	vadd.s32 v1, v3  }
0x109: {  	[tilespmem:s29], [sflag:$0x1] =	stream.indirect_vreg.gather [hbm4b:s3+s2], $0x80, v4, vm0, $0xb8;
	[tilespmem:$0x10600] =	vst v63  }
0x10a: {  	s30 =	simm.s32 $0x6E00  }
0x10b: {  	[tilespmem:s30], [sflag:$0x1] =	stream.indirect_vreg.gather [hbm4b:s5+s2], $0x80, v4, vm0, $0xb8;
	[tilespmem:$0x10600] =	vst v63  }
0x10c: {  	s31 =	simm.s32 $0x7600  }
0x10d: {  	[tilespmem:s31], [sflag:$0x1] =	stream.indirect_vreg.gather [hbm4b:s3+s2], $0x80, v3, vm0, $0xb8;
	[tilespmem:$0x10600] =	vst v63  }
0x10e: {  	s18 =	simm.s32 $0x7E00  }
0x10f: {  	[tilespmem:s18], [sflag:$0x1] =	stream.indirect_vreg.gather [hbm4b:s5+s2], $0x80, v3, vm0, $0xb8;
	[tilespmem:$0x10600] =	vst v63  }
0x110: {  	v3 =	vld [tilespmem:$0x4C0];
	_ =	sdelay $0x4  }
0x111: {  	v44 =	vshll.u32 v3, $0x2  }
0x112: {  	v3 =	vand.u32 $0x7, v3;
	v4 =	vand.u32 $0xFFFFFFE0, v44  }
0x113: {  	v3 =	vor.u32 v3, v4  }
0x114: {  	v4 =	vperm.xlane v3, v0;
	_ =	sdelay $0x1  }
0x115: {  	v4 =	vadd.s32 v1, v4;
	_ =	sdelay $0x1  }
0x116: {  	v3 =	vperm.xlane v3, v2;
	_ =	sdelay $0x1  }
0x117: {  	s1 =	simm.s32 $0x8600;
	v3 =	vadd.s32 v1, v3  }
0x118: {  	[tilespmem:s1], [sflag:$0x1] =	stream.indirect_vreg.gather [hbm4b:s3+s2], $0x80, v4, vm0, $0xb8;
	[tilespmem:$0x10600] =	vst v63  }
0x119: {  	s15 =	simm.s32 $0x8E00  }
0x11a: {  	[tilespmem:s15], [sflag:$0x1] =	stream.indirect_vreg.gather [hbm4b:s5+s2], $0x80, v4, vm0, $0xb8;
	[tilespmem:$0x10600] =	vst v63  }
0x11b: {  	s1 =	simm.s32 $0x9600  }
0x11c: {  	[tilespmem:s1], [sflag:$0x1] =	stream.indirect_vreg.gather [hbm4b:s3+s2], $0x80, v3, vm0, $0xb8;
	[tilespmem:$0x10600] =	vst v63  }
0x11d: {  	s19 =	simm.s32 $0x9E00  }
0x11e: {  	[tilespmem:s19], [sflag:$0x1] =	stream.indirect_vreg.gather [hbm4b:s5+s2], $0x80, v3, vm0, $0xb8;
	[tilespmem:$0x10600] =	vst v63  }
0x11f: {  	v3 =	vld [tilespmem:$0x4D0];
	_ =	sdelay $0x4  }
0x120: {  	v45 =	vshll.u32 v3, $0x2  }
0x121: {  	v3 =	vand.u32 $0x7, v3;
	v4 =	vand.u32 $0xFFFFFFE0, v45  }
0x122: {  	v3 =	vor.u32 v3, v4  }
0x123: {  	v4 =	vperm.xlane v3, v0;
	_ =	sdelay $0x1  }
0x124: {  	v4 =	vadd.s32 v1, v4;
	_ =	sdelay $0x1  }
0x125: {  	v3 =	vperm.xlane v3, v2;
	_ =	sdelay $0x1  }
0x126: {  	s12 =	simm.s32 $0xA600;
	v3 =	vadd.s32 v1, v3  }
0x127: {  	[tilespmem:s12], [sflag:$0x1] =	stream.indirect_vreg.gather [hbm4b:s3+s2], $0x80, v4, vm0, $0xb8;
	[tilespmem:$0x10600] =	vst v63  }
0x128: {  	s14 =	simm.s32 $0xAE00  }
0x129: {  	[tilespmem:s14], [sflag:$0x1] =	stream.indirect_vreg.gather [hbm4b:s5+s2], $0x80, v4, vm0, $0xb8;
	[tilespmem:$0x10600] =	vst v63  }
0x12a: {  	s18 =	simm.s32 $0xB600  }
0x12b: {  	[tilespmem:s18], [sflag:$0x1] =	stream.indirect_vreg.gather [hbm4b:s3+s2], $0x80, v3, vm0, $0xb8;
	[tilespmem:$0x10600] =	vst v63  }
0x12c: {  	s21 =	simm.s32 $0xBE00  }
0x12d: {  	[tilespmem:s21], [sflag:$0x1] =	stream.indirect_vreg.gather [hbm4b:s5+s2], $0x80, v3, vm0, $0xb8;
	[tilespmem:$0x10600] =	vst v63  }
0x12e: {  	v3 =	vld [tilespmem:$0x4E0];
	_ =	sdelay $0x4  }
0x12f: {  	v46 =	vshll.u32 v3, $0x2  }
0x130: {  	v3 =	vand.u32 $0x7, v3;
	v4 =	vand.u32 $0xFFFFFFE0, v46  }
0x131: {  	v3 =	vor.u32 v3, v4  }
0x132: {  	v4 =	vperm.xlane v3, v0;
	_ =	sdelay $0x1  }
0x133: {  	v4 =	vadd.s32 v1, v4;
	_ =	sdelay $0x1  }
0x134: {  	v3 =	vperm.xlane v3, v2;
	_ =	sdelay $0x1  }
0x135: {  	s13 =	simm.s32 $0xC600;
	v3 =	vadd.s32 v1, v3  }
0x136: {  	[tilespmem:s13], [sflag:$0x1] =	stream.indirect_vreg.gather [hbm4b:s3+s2], $0x80, v4, vm0, $0xb8;
	[tilespmem:$0x10600] =	vst v63  }
0x137: {  	s17 =	simm.s32 $0xCE00  }
0x138: {  	[tilespmem:s17], [sflag:$0x1] =	stream.indirect_vreg.gather [hbm4b:s5+s2], $0x80, v4, vm0, $0xb8;
	[tilespmem:$0x10600] =	vst v63  }
0x139: {  	s20 =	simm.s32 $0xD600  }
0x13a: {  	[tilespmem:s20], [sflag:$0x1] =	stream.indirect_vreg.gather [hbm4b:s3+s2], $0x80, v3, vm0, $0xb8;
	[tilespmem:$0x10600] =	vst v63  }
0x13b: {  	s4 =	simm.s32 $0xDE00  }
0x13c: {  	[tilespmem:s4], [sflag:$0x1] =	stream.indirect_vreg.gather [hbm4b:s5+s2], $0x80, v3, vm0, $0xb8;
	[tilespmem:$0x10600] =	vst v63  }
0x13d: {  	v3 =	vld [tilespmem:$0x4F0];
	_ =	sdelay $0x4  }
0x13e: {  	v47 =	vshll.u32 v3, $0x2  }
0x13f: {  	v3 =	vand.u32 $0x7, v3;
	v4 =	vand.u32 $0xFFFFFFE0, v47  }
0x140: {  	v3 =	vor.u32 v3, v4  }
0x141: {  	v4 =	vperm.xlane v3, v0;
	_ =	sdelay $0x1  }
0x142: {  	v4 =	vadd.s32 v1, v4;
	_ =	sdelay $0x1  }
0x143: {  	v3 =	vperm.xlane v3, v2;
	_ =	sdelay $0x1  }
0x144: {  	s20 =	simm.s32 $0xE600;
	v3 =	vadd.s32 v1, v3  }
0x145: {  	[tilespmem:s20], [sflag:$0x1] =	stream.indirect_vreg.gather [hbm4b:s3+s2], $0x80, v4, vm0, $0xb8;
	[tilespmem:$0x10600] =	vst v63  }
0x146: {  	s10 =	simm.s32 $0xEE00  }
0x147: {  	[tilespmem:s10], [sflag:$0x1] =	stream.indirect_vreg.gather [hbm4b:s5+s2], $0x80, v4, vm0, $0xb8;
	[tilespmem:$0x10600] =	vst v63  }
0x148: {  	s11 =	simm.s32 $0xF600  }
0x149: {  	[tilespmem:s11], [sflag:$0x1] =	stream.indirect_vreg.gather [hbm4b:s3+s2], $0x80, v3, vm0, $0xb8;
	[tilespmem:$0x10600] =	vst v63  }
0x14a: {  	s8 =	simm.s32 $0xFE00  }
0x14b: {  	[tilespmem:s8], [sflag:$0x1] =	stream.indirect_vreg.gather [hbm4b:s5+s2], $0x80, v3, vm0, $0xb8;
	[tilespmem:$0x10600] =	vst v63  }
0x14c: {  	_ =	swait.ge [sflag:s9], $0x10000  }
0x14d: {  	[sflag:s9] =	ssyncset.done $0x0  }
0x14e: {  	s11 =	rddreg [dreg:$0x5];
	[sflag:s9] =	ssyncadd.s32 $0xFFFF0000  }
0x14f: {  	[hbm4b:s11+s2] =	stream.linear.scatter [tilespmem:s0], [sflag:$0x2], $0x10000, $0x38;
	[tilespmem:$0x10600] =	vst v63  }
0x150: {  	_ =	swait.ge [sflag:s7], $0x10000  }
0x151: {  	[sflag:s7] =	ssyncset.done $0x0  }
0x152: {  	[sflag:s7] =	ssyncadd.s32 $0xFFFF0000  }
0x153: {  	v3 =	vld [tilespmem:$0x500];
	_ =	sdelay $0x4  }
0x154: {  	v48 =	vshll.u32 v3, $0x2  }
0x155: {  	v3 =	vand.u32 $0x7, v3;
	v4 =	vand.u32 $0xFFFFFFE0, v48  }
0x156: {  	v3 =	vor.u32 v3, v4  }
0x157: {  	v4 =	vperm.xlane v3, v0;
	_ =	sdelay $0x1  }
0x158: {  	v4 =	vadd.s32 v1, v4;
	_ =	sdelay $0x1  }
0x159: {  	v3 =	vperm.xlane v3, v2;
	_ =	sdelay $0x1  }
0x15a: {  	v3 =	vadd.s32 v1, v3  }
0x15b: {  	[tilespmem:s0], [sflag:$0x1] =	stream.indirect_vreg.gather [hbm4b:s3+s2], $0x80, v4, vm0, $0xb8;
	[tilespmem:$0x10600] =	vst v63  }
0x15c: {  	s16 =	simm.s32 $0xE00  }
0x15d: {  	[tilespmem:s16], [sflag:$0x1] =	stream.indirect_vreg.gather [hbm4b:s5+s2], $0x80, v4, vm0, $0xb8;
	[tilespmem:$0x10600] =	vst v63  }
0x15e: {  	s20 =	simm.s32 $0x1600  }
0x15f: {  	[tilespmem:s20], [sflag:$0x1] =	stream.indirect_vreg.gather [hbm4b:s3+s2], $0x80, v3, vm0, $0xb8;
	[tilespmem:$0x10600] =	vst v63  }
0x160: {  	_ = 	snop  }
0x161: {  	[tilespmem:s22], [sflag:$0x1] =	stream.indirect_vreg.gather [hbm4b:s5+s2], $0x80, v3, vm0, $0xb8;
	[tilespmem:$0x10600] =	vst v63  }
0x162: {  	v3 =	vld [tilespmem:$0x510];
	_ =	sdelay $0x4  }
0x163: {  	v49 =	vshll.u32 v3, $0x2  }
0x164: {  	v3 =	vand.u32 $0x7, v3;
	v4 =	vand.u32 $0xFFFFFFE0, v49  }
0x165: {  	v3 =	vor.u32 v3, v4  }
0x166: {  	v4 =	vperm.xlane v3, v0;
	_ =	sdelay $0x1  }
0x167: {  	v4 =	vadd.s32 v1, v4;
	_ =	sdelay $0x1  }
0x168: {  	v3 =	vperm.xlane v3, v2;
	_ =	sdelay $0x1  }
0x169: {  	s11 =	simm.s32 $0x2600;
	v3 =	vadd.s32 v1, v3  }
0x16a: {  	[tilespmem:s11], [sflag:$0x1] =	stream.indirect_vreg.gather [hbm4b:s3+s2], $0x80, v4, vm0, $0xb8;
	[tilespmem:$0x10600] =	vst v63  }
0x16b: {  	s16 =	simm.s32 $0x2E00  }
0x16c: {  	[tilespmem:s16], [sflag:$0x1] =	stream.indirect_vreg.gather [hbm4b:s5+s2], $0x80, v4, vm0, $0xb8;
	[tilespmem:$0x10600] =	vst v63  }
0x16d: {  	s22 =	simm.s32 $0x3600  }
0x16e: {  	[tilespmem:s22], [sflag:$0x1] =	stream.indirect_vreg.gather [hbm4b:s3+s2], $0x80, v3, vm0, $0xb8;
	[tilespmem:$0x10600] =	vst v63  }
0x16f: {  	_ = 	snop  }
0x170: {  	[tilespmem:s23], [sflag:$0x1] =	stream.indirect_vreg.gather [hbm4b:s5+s2], $0x80, v3, vm0, $0xb8;
	[tilespmem:$0x10600] =	vst v63  }
0x171: {  	v3 =	vld [tilespmem:$0x520];
	_ =	sdelay $0x4  }
0x172: {  	v50 =	vshll.u32 v3, $0x2  }
0x173: {  	v3 =	vand.u32 $0x7, v3;
	v4 =	vand.u32 $0xFFFFFFE0, v50  }
0x174: {  	v3 =	vor.u32 v3, v4  }
0x175: {  	v4 =	vperm.xlane v3, v0;
	_ =	sdelay $0x1  }
0x176: {  	v4 =	vadd.s32 v1, v4;
	_ =	sdelay $0x1  }
0x177: {  	v3 =	vperm.xlane v3, v2;
	_ =	sdelay $0x1  }
0x178: {  	v3 =	vadd.s32 v1, v3  }
0x179: {  	[tilespmem:s24], [sflag:$0x1] =	stream.indirect_vreg.gather [hbm4b:s3+s2], $0x80, v4, vm0, $0xb8;
	[tilespmem:$0x10600] =	vst v63  }
0x17a: {  	_ = 	snop  }
0x17b: {  	[tilespmem:s25], [sflag:$0x1] =	stream.indirect_vreg.gather [hbm4b:s5+s2], $0x80, v4, vm0, $0xb8;
	[tilespmem:$0x10600] =	vst v63  }
0x17c: {  	_ = 	snop  }
0x17d: {  	[tilespmem:s26], [sflag:$0x1] =	stream.indirect_vreg.gather [hbm4b:s3+s2], $0x80, v3, vm0, $0xb8;
	[tilespmem:$0x10600] =	vst v63  }
0x17e: {  	_ = 	snop  }
0x17f: {  	[tilespmem:s28], [sflag:$0x1] =	stream.indirect_vreg.gather [hbm4b:s5+s2], $0x80, v3, vm0, $0xb8;
	[tilespmem:$0x10600] =	vst v63  }
0x180: {  	v3 =	vld [tilespmem:$0x530];
	_ =	sdelay $0x4  }
0x181: {  	v51 =	vshll.u32 v3, $0x2  }
0x182: {  	v3 =	vand.u32 $0x7, v3;
	v4 =	vand.u32 $0xFFFFFFE0, v51  }
0x183: {  	v3 =	vor.u32 v3, v4  }
0x184: {  	v4 =	vperm.xlane v3, v0;
	_ =	sdelay $0x1  }
0x185: {  	v4 =	vadd.s32 v1, v4;
	_ =	sdelay $0x1  }
0x186: {  	v3 =	vperm.xlane v3, v2;
	_ =	sdelay $0x1  }
0x187: {  	v3 =	vadd.s32 v1, v3  }
0x188: {  	[tilespmem:s29], [sflag:$0x1] =	stream.indirect_vreg.gather [hbm4b:s3+s2], $0x80, v4, vm0, $0xb8;
	[tilespmem:$0x10600] =	vst v63  }
0x189: {  	_ = 	snop  }
0x18a: {  	[tilespmem:s30], [sflag:$0x1] =	stream.indirect_vreg.gather [hbm4b:s5+s2], $0x80, v4, vm0, $0xb8;
	[tilespmem:$0x10600] =	vst v63  }
0x18b: {  	_ = 	snop  }
0x18c: {  	[tilespmem:s31], [sflag:$0x1] =	stream.indirect_vreg.gather [hbm4b:s3+s2], $0x80, v3, vm0, $0xb8;
	[tilespmem:$0x10600] =	vst v63  }
0x18d: {  	s11 =	simm.s32 $0x7E00  }
0x18e: {  	[tilespmem:s11], [sflag:$0x1] =	stream.indirect_vreg.gather [hbm4b:s5+s2], $0x80, v3, vm0, $0xb8;
	[tilespmem:$0x10600] =	vst v63  }
0x18f: {  	v3 =	vld [tilespmem:$0x540];
	_ =	sdelay $0x4  }
0x190: {  	v52 =	vshll.u32 v3, $0x2  }
0x191: {  	v3 =	vand.u32 $0x7, v3;
	v4 =	vand.u32 $0xFFFFFFE0, v52  }
0x192: {  	v3 =	vor.u32 v3, v4  }
0x193: {  	v4 =	vperm.xlane v3, v0;
	_ =	sdelay $0x1  }
0x194: {  	v4 =	vadd.s32 v1, v4;
	_ =	sdelay $0x1  }
0x195: {  	v3 =	vperm.xlane v3, v2;
	_ =	sdelay $0x1  }
0x196: {  	s16 =	simm.s32 $0x8600;
	v3 =	vadd.s32 v1, v3  }
0x197: {  	[tilespmem:s16], [sflag:$0x1] =	stream.indirect_vreg.gather [hbm4b:s3+s2], $0x80, v4, vm0, $0xb8;
	[tilespmem:$0x10600] =	vst v63  }
0x198: {  	_ = 	snop  }
0x199: {  	[tilespmem:s15], [sflag:$0x1] =	stream.indirect_vreg.gather [hbm4b:s5+s2], $0x80, v4, vm0, $0xb8;
	[tilespmem:$0x10600] =	vst v63  }
0x19a: {  	_ = 	snop  }
0x19b: {  	[tilespmem:s1], [sflag:$0x1] =	stream.indirect_vreg.gather [hbm4b:s3+s2], $0x80, v3, vm0, $0xb8;
	[tilespmem:$0x10600] =	vst v63  }
0x19c: {  	_ = 	snop  }
0x19d: {  	[tilespmem:s19], [sflag:$0x1] =	stream.indirect_vreg.gather [hbm4b:s5+s2], $0x80, v3, vm0, $0xb8;
	[tilespmem:$0x10600] =	vst v63  }
0x19e: {  	v3 =	vld [tilespmem:$0x550];
	_ =	sdelay $0x4  }
0x19f: {  	v53 =	vshll.u32 v3, $0x2  }
0x1a0: {  	v3 =	vand.u32 $0x7, v3;
	v4 =	vand.u32 $0xFFFFFFE0, v53  }
0x1a1: {  	v3 =	vor.u32 v3, v4  }
0x1a2: {  	v4 =	vperm.xlane v3, v0;
	_ =	sdelay $0x1  }
0x1a3: {  	v4 =	vadd.s32 v1, v4;
	_ =	sdelay $0x1  }
0x1a4: {  	v3 =	vperm.xlane v3, v2;
	_ =	sdelay $0x1  }
0x1a5: {  	v3 =	vadd.s32 v1, v3  }
0x1a6: {  	[tilespmem:s12], [sflag:$0x1] =	stream.indirect_vreg.gather [hbm4b:s3+s2], $0x80, v4, vm0, $0xb8;
	[tilespmem:$0x10600] =	vst v63  }
0x1a7: {  	_ = 	snop  }
0x1a8: {  	[tilespmem:s14], [sflag:$0x1] =	stream.indirect_vreg.gather [hbm4b:s5+s2], $0x80, v4, vm0, $0xb8;
	[tilespmem:$0x10600] =	vst v63  }
0x1a9: {  	_ = 	snop  }
0x1aa: {  	[tilespmem:s18], [sflag:$0x1] =	stream.indirect_vreg.gather [hbm4b:s3+s2], $0x80, v3, vm0, $0xb8;
	[tilespmem:$0x10600] =	vst v63  }
0x1ab: {  	_ = 	snop  }
0x1ac: {  	[tilespmem:s21], [sflag:$0x1] =	stream.indirect_vreg.gather [hbm4b:s5+s2], $0x80, v3, vm0, $0xb8;
	[tilespmem:$0x10600] =	vst v63  }
0x1ad: {  	v3 =	vld [tilespmem:$0x560];
	_ =	sdelay $0x4  }
0x1ae: {  	v54 =	vshll.u32 v3, $0x2  }
0x1af: {  	v3 =	vand.u32 $0x7, v3;
	v4 =	vand.u32 $0xFFFFFFE0, v54  }
0x1b0: {  	v3 =	vor.u32 v3, v4  }
0x1b1: {  	v4 =	vperm.xlane v3, v0;
	_ =	sdelay $0x1  }
0x1b2: {  	v4 =	vadd.s32 v1, v4;
	_ =	sdelay $0x1  }
0x1b3: {  	v3 =	vperm.xlane v3, v2;
	_ =	sdelay $0x1  }
0x1b4: {  	s21 =	simm.s32 $0xC600;
	v3 =	vadd.s32 v1, v3  }
0x1b5: {  	[tilespmem:s21], [sflag:$0x1] =	stream.indirect_vreg.gather [hbm4b:s3+s2], $0x80, v4, vm0, $0xb8;
	[tilespmem:$0x10600] =	vst v63  }
0x1b6: {  	s17 =	simm.s32 $0xCE00  }
0x1b7: {  	[tilespmem:s17], [sflag:$0x1] =	stream.indirect_vreg.gather [hbm4b:s5+s2], $0x80, v4, vm0, $0xb8;
	[tilespmem:$0x10600] =	vst v63  }
0x1b8: {  	s13 =	simm.s32 $0xD600  }
0x1b9: {  	[tilespmem:s13], [sflag:$0x1] =	stream.indirect_vreg.gather [hbm4b:s3+s2], $0x80, v3, vm0, $0xb8;
	[tilespmem:$0x10600] =	vst v63  }
0x1ba: {  	s17 =	simm.s32 $0xDE00  }
0x1bb: {  	[tilespmem:s17], [sflag:$0x1] =	stream.indirect_vreg.gather [hbm4b:s5+s2], $0x80, v3, vm0, $0xb8;
	[tilespmem:$0x10600] =	vst v63  }
0x1bc: {  	v3 =	vld [tilespmem:$0x570];
	_ =	sdelay $0x4  }
0x1bd: {  	v55 =	vshll.u32 v3, $0x2  }
0x1be: {  	v3 =	vand.u32 $0x7, v3;
	v4 =	vand.u32 $0xFFFFFFE0, v55  }
0x1bf: {  	v3 =	vor.u32 v3, v4  }
0x1c0: {  	v4 =	vperm.xlane v3, v0;
	_ =	sdelay $0x1  }
0x1c1: {  	v4 =	vadd.s32 v1, v4;
	_ =	sdelay $0x1  }
0x1c2: {  	v3 =	vperm.xlane v3, v2;
	_ =	sdelay $0x1  }
0x1c3: {  	s4 =	simm.s32 $0xE600;
	v3 =	vadd.s32 v1, v3  }
0x1c4: {  	[tilespmem:s4], [sflag:$0x1] =	stream.indirect_vreg.gather [hbm4b:s3+s2], $0x80, v4, vm0, $0xb8;
	[tilespmem:$0x10600] =	vst v63  }
0x1c5: {  	s10 =	simm.s32 $0xEE00  }
0x1c6: {  	[tilespmem:s10], [sflag:$0x1] =	stream.indirect_vreg.gather [hbm4b:s5+s2], $0x80, v4, vm0, $0xb8;
	[tilespmem:$0x10600] =	vst v63  }
0x1c7: {  	s16 =	simm.s32 $0xF600  }
0x1c8: {  	[tilespmem:s16], [sflag:$0x1] =	stream.indirect_vreg.gather [hbm4b:s3+s2], $0x80, v3, vm0, $0xb8;
	[tilespmem:$0x10600] =	vst v63  }
0x1c9: {  	s16 =	simm.s32 $0xFE00  }
0x1ca: {  	[tilespmem:s16], [sflag:$0x1] =	stream.indirect_vreg.gather [hbm4b:s5+s2], $0x80, v3, vm0, $0xb8;
	[tilespmem:$0x10600] =	vst v63  }
0x1cb: {  	_ =	swait.ge [sflag:s9], $0x10000  }
0x1cc: {  	[sflag:s9] =	ssyncset.done $0x0  }
0x1cd: {  	s16 =	rddreg [dreg:$0x6];
	[sflag:s9] =	ssyncadd.s32 $0xFFFF0000  }
0x1ce: {  	[hbm4b:s16+s2] =	stream.linear.scatter [tilespmem:s0], [sflag:$0x2], $0x10000, $0x38;
	[tilespmem:$0x10600] =	vst v63  }
0x1cf: {  	_ =	swait.ge [sflag:s7], $0x10000  }
0x1d0: {  	[sflag:s7] =	ssyncset.done $0x0  }
0x1d1: {  	[sflag:s7] =	ssyncadd.s32 $0xFFFF0000  }
0x1d2: {  	v3 =	vld [tilespmem:$0x580];
	_ =	sdelay $0x4  }
0x1d3: {  	v56 =	vshll.u32 v3, $0x2  }
0x1d4: {  	v3 =	vand.u32 $0x7, v3;
	v4 =	vand.u32 $0xFFFFFFE0, v56  }
0x1d5: {  	v3 =	vor.u32 v3, v4  }
0x1d6: {  	v4 =	vperm.xlane v3, v0;
	_ =	sdelay $0x1  }
0x1d7: {  	v4 =	vadd.s32 v1, v4;
	_ =	sdelay $0x1  }
0x1d8: {  	v3 =	vperm.xlane v3, v2;
	_ =	sdelay $0x1  }
0x1d9: {  	v3 =	vadd.s32 v1, v3  }
0x1da: {  	[tilespmem:s0], [sflag:$0x1] =	stream.indirect_vreg.gather [hbm4b:s3+s2], $0x80, v4, vm0, $0xb8;
	[tilespmem:$0x10600] =	vst v63  }
0x1db: {  	s16 =	simm.s32 $0xE00  }
0x1dc: {  	[tilespmem:s16], [sflag:$0x1] =	stream.indirect_vreg.gather [hbm4b:s5+s2], $0x80, v4, vm0, $0xb8;
	[tilespmem:$0x10600] =	vst v63  }
0x1dd: {  	s16 =	simm.s32 $0x1600  }
0x1de: {  	[tilespmem:s16], [sflag:$0x1] =	stream.indirect_vreg.gather [hbm4b:s3+s2], $0x80, v3, vm0, $0xb8;
	[tilespmem:$0x10600] =	vst v63  }
0x1df: {  	s20 =	simm.s32 $0x1E00  }
0x1e0: {  	[tilespmem:s20], [sflag:$0x1] =	stream.indirect_vreg.gather [hbm4b:s5+s2], $0x80, v3, vm0, $0xb8;
	[tilespmem:$0x10600] =	vst v63  }
0x1e1: {  	v3 =	vld [tilespmem:$0x590];
	_ =	sdelay $0x4  }
0x1e2: {  	v57 =	vshll.u32 v3, $0x2  }
0x1e3: {  	v3 =	vand.u32 $0x7, v3;
	v4 =	vand.u32 $0xFFFFFFE0, v57  }
0x1e4: {  	v3 =	vor.u32 v3, v4  }
0x1e5: {  	v4 =	vperm.xlane v3, v0;
	_ =	sdelay $0x1  }
0x1e6: {  	v4 =	vadd.s32 v1, v4;
	_ =	sdelay $0x1  }
0x1e7: {  	v3 =	vperm.xlane v3, v2;
	_ =	sdelay $0x1  }
0x1e8: {  	s20 =	simm.s32 $0x2600;
	v3 =	vadd.s32 v1, v3  }
0x1e9: {  	[tilespmem:s20], [sflag:$0x1] =	stream.indirect_vreg.gather [hbm4b:s3+s2], $0x80, v4, vm0, $0xb8;
	[tilespmem:$0x10600] =	vst v63  }
0x1ea: {  	s20 =	simm.s32 $0x2E00  }
0x1eb: {  	[tilespmem:s20], [sflag:$0x1] =	stream.indirect_vreg.gather [hbm4b:s5+s2], $0x80, v4, vm0, $0xb8;
	[tilespmem:$0x10600] =	vst v63  }
0x1ec: {  	s20 =	simm.s32 $0x3600  }
0x1ed: {  	[tilespmem:s20], [sflag:$0x1] =	stream.indirect_vreg.gather [hbm4b:s3+s2], $0x80, v3, vm0, $0xb8;
	[tilespmem:$0x10600] =	vst v63  }
0x1ee: {  	s22 =	simm.s32 $0x3E00  }
0x1ef: {  	[tilespmem:s22], [sflag:$0x1] =	stream.indirect_vreg.gather [hbm4b:s5+s2], $0x80, v3, vm0, $0xb8;
	[tilespmem:$0x10600] =	vst v63  }
0x1f0: {  	v3 =	vld [tilespmem:$0x5A0];
	_ =	sdelay $0x4  }
0x1f1: {  	v58 =	vshll.u32 v3, $0x2  }
0x1f2: {  	v3 =	vand.u32 $0x7, v3;
	v4 =	vand.u32 $0xFFFFFFE0, v58  }
0x1f3: {  	v3 =	vor.u32 v3, v4  }
0x1f4: {  	v4 =	vperm.xlane v3, v0;
	_ =	sdelay $0x1  }
0x1f5: {  	v4 =	vadd.s32 v1, v4;
	_ =	sdelay $0x1  }
0x1f6: {  	v3 =	vperm.xlane v3, v2;
	_ =	sdelay $0x1  }
0x1f7: {  	s23 =	simm.s32 $0x4600;
	v3 =	vadd.s32 v1, v3  }
0x1f8: {  	[tilespmem:s23], [sflag:$0x1] =	stream.indirect_vreg.gather [hbm4b:s3+s2], $0x80, v4, vm0, $0xb8;
	[tilespmem:$0x10600] =	vst v63  }
0x1f9: {  	s24 =	simm.s32 $0x4E00  }
0x1fa: {  	[tilespmem:s24], [sflag:$0x1] =	stream.indirect_vreg.gather [hbm4b:s5+s2], $0x80, v4, vm0, $0xb8;
	[tilespmem:$0x10600] =	vst v63  }
0x1fb: {  	s25 =	simm.s32 $0x5600  }
0x1fc: {  	[tilespmem:s25], [sflag:$0x1] =	stream.indirect_vreg.gather [hbm4b:s3+s2], $0x80, v3, vm0, $0xb8;
	[tilespmem:$0x10600] =	vst v63  }
0x1fd: {  	s26 =	simm.s32 $0x5E00  }
0x1fe: {  	[tilespmem:s26], [sflag:$0x1] =	stream.indirect_vreg.gather [hbm4b:s5+s2], $0x80, v3, vm0, $0xb8;
	[tilespmem:$0x10600] =	vst v63  }
0x1ff: {  	v3 =	vld [tilespmem:$0x5B0];
	_ =	sdelay $0x4  }
0x200: {  	v59 =	vshll.u32 v3, $0x2  }
0x201: {  	v3 =	vand.u32 $0x7, v3;
	v4 =	vand.u32 $0xFFFFFFE0, v59  }
0x202: {  	v3 =	vor.u32 v3, v4  }
0x203: {  	v4 =	vperm.xlane v3, v0;
	_ =	sdelay $0x1  }
0x204: {  	v4 =	vadd.s32 v1, v4;
	_ =	sdelay $0x1  }
0x205: {  	v3 =	vperm.xlane v3, v2;
	_ =	sdelay $0x1  }
0x206: {  	s28 =	simm.s32 $0x6600;
	v3 =	vadd.s32 v1, v3  }
0x207: {  	[tilespmem:s28], [sflag:$0x1] =	stream.indirect_vreg.gather [hbm4b:s3+s2], $0x80, v4, vm0, $0xb8;
	[tilespmem:$0x10600] =	vst v63  }
0x208: {  	s29 =	simm.s32 $0x6E00  }
0x209: {  	[tilespmem:s29], [sflag:$0x1] =	stream.indirect_vreg.gather [hbm4b:s5+s2], $0x80, v4, vm0, $0xb8;
	[tilespmem:$0x10600] =	vst v63  }
0x20a: {  	s30 =	simm.s32 $0x7600  }
0x20b: {  	[tilespmem:s30], [sflag:$0x1] =	stream.indirect_vreg.gather [hbm4b:s3+s2], $0x80, v3, vm0, $0xb8;
	[tilespmem:$0x10600] =	vst v63  }
0x20c: {  	s28 =	simm.s32 $0x7E00  }
0x20d: {  	[tilespmem:s28], [sflag:$0x1] =	stream.indirect_vreg.gather [hbm4b:s5+s2], $0x80, v3, vm0, $0xb8;
	[tilespmem:$0x10600] =	vst v63  }
0x20e: {  	v3 =	vld [tilespmem:$0x5C0];
	_ =	sdelay $0x4  }
0x20f: {  	v60 =	vshll.u32 v3, $0x2  }
0x210: {  	v3 =	vand.u32 $0x7, v3;
	v4 =	vand.u32 $0xFFFFFFE0, v60  }
0x211: {  	v3 =	vor.u32 v3, v4  }
0x212: {  	v4 =	vperm.xlane v3, v0;
	_ =	sdelay $0x1  }
0x213: {  	v4 =	vadd.s32 v1, v4;
	_ =	sdelay $0x1  }
0x214: {  	v3 =	vperm.xlane v3, v2;
	_ =	sdelay $0x1  }
0x215: {  	s31 =	simm.s32 $0x8600;
	v3 =	vadd.s32 v1, v3  }
0x216: {  	[tilespmem:s31], [sflag:$0x1] =	stream.indirect_vreg.gather [hbm4b:s3+s2], $0x80, v4, vm0, $0xb8;
	[tilespmem:$0x10600] =	vst v63  }
0x217: {  	s11 =	simm.s32 $0x8E00  }
0x218: {  	[tilespmem:s11], [sflag:$0x1] =	stream.indirect_vreg.gather [hbm4b:s5+s2], $0x80, v4, vm0, $0xb8;
	[tilespmem:$0x10600] =	vst v63  }
0x219: {  	s1 =	simm.s32 $0x9600  }
0x21a: {  	[tilespmem:s1], [sflag:$0x1] =	stream.indirect_vreg.gather [hbm4b:s3+s2], $0x80, v3, vm0, $0xb8;
	[tilespmem:$0x10600] =	vst v63  }
0x21b: {  	s8 =	simm.s32 $0x9E00  }
0x21c: {  	[tilespmem:s8], [sflag:$0x1] =	stream.indirect_vreg.gather [hbm4b:s5+s2], $0x80, v3, vm0, $0xb8;
	[tilespmem:$0x10600] =	vst v63  }
0x21d: {  	v3 =	vld [tilespmem:$0x5D0];
	_ =	sdelay $0x4  }
0x21e: {  	v61 =	vshll.u32 v3, $0x2  }
0x21f: {  	v3 =	vand.u32 $0x7, v3;
	v4 =	vand.u32 $0xFFFFFFE0, v61  }
0x220: {  	v3 =	vor.u32 v3, v4  }
0x221: {  	v4 =	vperm.xlane v3, v0;
	_ =	sdelay $0x1  }
0x222: {  	v4 =	vadd.s32 v1, v4;
	_ =	sdelay $0x1  }
0x223: {  	v3 =	vperm.xlane v3, v2;
	_ =	sdelay $0x1  }
0x224: {  	s12 =	simm.s32 $0xA600;
	v3 =	vadd.s32 v1, v3  }
0x225: {  	[tilespmem:s12], [sflag:$0x1] =	stream.indirect_vreg.gather [hbm4b:s3+s2], $0x80, v4, vm0, $0xb8;
	[tilespmem:$0x10600] =	vst v63  }
0x226: {  	s14 =	simm.s32 $0xAE00  }
0x227: {  	[tilespmem:s14], [sflag:$0x1] =	stream.indirect_vreg.gather [hbm4b:s5+s2], $0x80, v4, vm0, $0xb8;
	[tilespmem:$0x10600] =	vst v63  }
0x228: {  	s15 =	simm.s32 $0xB600  }
0x229: {  	[tilespmem:s15], [sflag:$0x1] =	stream.indirect_vreg.gather [hbm4b:s3+s2], $0x80, v3, vm0, $0xb8;
	[tilespmem:$0x10600] =	vst v63  }
0x22a: {  	s18 =	simm.s32 $0xBE00  }
0x22b: {  	[tilespmem:s18], [sflag:$0x1] =	stream.indirect_vreg.gather [hbm4b:s5+s2], $0x80, v3, vm0, $0xb8;
	[tilespmem:$0x10600] =	vst v63  }
0x22c: {  	v3 =	vld [tilespmem:$0x5E0];
	_ =	sdelay $0x4  }
0x22d: {  	v62 =	vshll.u32 v3, $0x2  }
0x22e: {  	v3 =	vand.u32 $0x7, v3;
	v4 =	vand.u32 $0xFFFFFFE0, v62  }
0x22f: {  	v3 =	vor.u32 v3, v4  }
0x230: {  	v4 =	vperm.xlane v3, v0;
	_ =	sdelay $0x1  }
0x231: {  	v4 =	vadd.s32 v1, v4;
	_ =	sdelay $0x1  }
0x232: {  	v3 =	vperm.xlane v3, v2;
	_ =	sdelay $0x1  }
0x233: {  	s29 =	simm.s32 $0xC600;
	v3 =	vadd.s32 v1, v3  }
0x234: {  	[tilespmem:s29], [sflag:$0x1] =	stream.indirect_vreg.gather [hbm4b:s3+s2], $0x80, v4, vm0, $0xb8;
	[tilespmem:$0x10600] =	vst v63  }
0x235: {  	s21 =	simm.s32 $0xCE00  }
0x236: {  	[tilespmem:s21], [sflag:$0x1] =	stream.indirect_vreg.gather [hbm4b:s5+s2], $0x80, v4, vm0, $0xb8;
	[tilespmem:$0x10600] =	vst v63  }
0x237: {  	s19 =	simm.s32 $0xD600  }
0x238: {  	[tilespmem:s19], [sflag:$0x1] =	stream.indirect_vreg.gather [hbm4b:s3+s2], $0x80, v3, vm0, $0xb8;
	[tilespmem:$0x10600] =	vst v63  }
0x239: {  	s17 =	simm.s32 $0xDE00  }
0x23a: {  	[tilespmem:s17], [sflag:$0x1] =	stream.indirect_vreg.gather [hbm4b:s5+s2], $0x80, v3, vm0, $0xb8;
	[tilespmem:$0x10600] =	vst v63  }
0x23b: {  	v3 =	vld [tilespmem:$0x5F0];
	_ =	sdelay $0x4  }
0x23c: {  	v63 =	vshll.u32 v3, $0x2  }
0x23d: {  	v3 =	vand.u32 $0x7, v3;
	v4 =	vand.u32 $0xFFFFFFE0, v63  }
0x23e: {  	v3 =	vor.u32 v3, v4  }
0x23f: {  	v4 =	vperm.xlane v3, v0;
	_ =	sdelay $0x1  }
0x240: {  	v4 =	vadd.s32 v1, v4;
	_ =	sdelay $0x1  }
0x241: {  	v3 =	vperm.xlane v3, v2;
	_ =	sdelay $0x1  }
0x242: {  	s13 =	simm.s32 $0xE600;
	v3 =	vadd.s32 v1, v3  }
0x243: {  	[tilespmem:s13], [sflag:$0x1] =	stream.indirect_vreg.gather [hbm4b:s3+s2], $0x80, v4, vm0, $0xb8;
	[tilespmem:$0x10600] =	vst v63  }
0x244: {  	s4 =	simm.s32 $0xEE00  }
0x245: {  	[tilespmem:s4], [sflag:$0x1] =	stream.indirect_vreg.gather [hbm4b:s5+s2], $0x80, v4, vm0, $0xb8;
	[tilespmem:$0x10600] =	vst v63  }
0x246: {  	s10 =	simm.s32 $0xF600  }
0x247: {  	[tilespmem:s10], [sflag:$0x1] =	stream.indirect_vreg.gather [hbm4b:s3+s2], $0x80, v3, vm0, $0xb8;
	[tilespmem:$0x10600] =	vst v63  }
0x248: {  	s30 =	simm.s32 $0xFE00  }
0x249: {  	[tilespmem:s30], [sflag:$0x1] =	stream.indirect_vreg.gather [hbm4b:s5+s2], $0x80, v3, vm0, $0xb8;
	[tilespmem:$0x10600] =	vst v63  }
0x24a: {  	_ =	swait.ge [sflag:s9], $0x10000  }
0x24b: {  	p0 =	sne.s32 s6, $0x1;
	[sflag:s9] =	ssyncset.done $0x0  }
.Ltmp0:
0x24c: {  	s31 =	rddreg [dreg:$0x7];
	[sflag:s9] =	ssyncadd.s32 $0xFFFF0000;
	(pc) =	sbr.rel @p0 .LBB2_1-.Ltmp0, $4  }
0x24d: {  	[hbm4b:s31+s2] =	stream.linear.scatter [tilespmem:s0], [sflag:$0x2], $0x10000, $0x38;
	[tilespmem:$0x10600] =	vst v63  }
0x24e: {  	_ =	swait.ge [sflag:s7], $0x10000  }
0x24f: {  	[sflag:s7] =	ssyncset.done $0x0  }
0x250: {  	s6 =	sadd.s32 $0xFFFFFFFF, s6;
	[sflag:s7] =	ssyncadd.s32 $0xFFFF0000  }
0x251: {  	_ =	sfence.sel $0x180000  }
0x252: {  	[bflag:$0x0] =	sbarrier.arrive $0xFFFF  }
0x253: {  	_ =	strace $0x90000047  }
0x254: {  	s0 =	stileid.u32;
	[bflag:$0x2] =	sbarrier.arrive $0xFFFF  }
0x255: {  	p0 =	sne.s32 s0, $0x0;
	s0 =	rddreg [dreg:$0x2]  }
0x256: {  	s0 =	sadd.s32 @!p0 $0x100000, s0  }
0x257: {  	[sflag:s0] =	ssyncadd.tile.s32 @!p0 $0x1;
	_ =	shalt  }
.Lfunc_end2:
_tile_overlayer_lowered:
.L_overlay_start_2:
0x258: {  	(tag) =	ssettag $0x2  }
0x259: {  	s0 =	rddreg [dreg:$0x0];
	s2 =	stileid.u32  }
0x25a: {  	s1 =	rddreg [dreg:$0x1];
	p0 =	sne.s32 s2, $0x0  }
0x25b: {  	s3 =	rddreg [dreg:$0x2];
	[bflag:$0x3] =	sbarrier.arrive $0xFFFF;
	s2 =	simm.s32 @!p0 $0x1C02  }
0x25c: {  	[timem:s3], [sflag:s2] =	dma.local @!p0 [hbm:s0], s1  }
0x25d: {  	s0 =	simm.s32 @!p0 $0x2  }
0x25e: {  	_ =	swait.ge @!p0 [sflag:s0], s1  }
0x25f: {  	s1 =	ssub.s32 @!p0 $0x0, s1;
	[sflag:s0] =	ssyncset.done @!p0 $0x0  }
0x260: {  	[sflag:s0] =	ssyncadd.s32 @!p0 s1  }
0x261: {  	[bflag:$0x3] =	sbarrier.arrive $0xFFFF  }
0x262: {  	_ =	shalt  }

</sc_bundles>
